<compile_context>
chip_gen: v7x
topology: tpu7x:2x2x1
jax: 0.10.2.dev20260603
libtpu: 0.0.44.dev20260713+nightly
codegen_flags: <defaults>
</compile_context>

<pallas_src>
import functools

import jax
import jax.numpy as jnp
from jax import lax
from jax.experimental import pallas as pl
from jax.experimental.pallas import tpu as pltpu
from jax.experimental.pallas import tpu_sc as plsc

N = 10000
E = 160000
NFEAT = 128
NHID = 128
NCLASS = 64

NC = 2
NS = 16
NW = NC * NS
CHUNK = 128
CPT = 40
C0 = 40
C1 = 40
TOTCH = NS * (C0 + C1)
EPAD = NW * CPT * CHUNK
NP = 10112
RPT = NP // NS

_MESH = plsc.VectorSubcoreMesh(core_axis_name="c", subcore_axis_name="s")

MBLK = 2000


DEGW = 128


def _sc_degree(dst_tiles, ones_rows, zeros_deg):

    @functools.partial(
        pl.kernel,
        out_type=jax.ShapeDtypeStruct((NC, NP, DEGW), jnp.float32),
        mesh=_MESH,
        scratch_types=[
            pltpu.VMEM((CPT, CHUNK), jnp.int32),
            pltpu.VMEM((CHUNK, DEGW), jnp.float32),
            pltpu.VMEM_SHARED((NP, DEGW), jnp.float32),
            pltpu.SemaphoreType.DMA,
            pltpu.SemaphoreType.DMA,
        ],
    )
    def deg_kernel(dst_hbm, ones_hbm, zeros_hbm, out_hbm, idx_v, ones_v, acc_s,
                   s0, s1):
        cid = lax.axis_index("c")
        sid = lax.axis_index("s")
        gtile = cid * NS + sid
        base = sid * RPT
        pltpu.sync_copy(zeros_hbm.at[pl.ds(base, RPT)], acc_s.at[pl.ds(base, RPT)])
        pltpu.sync_copy(ones_hbm, ones_v)
        pltpu.sync_copy(dst_hbm.at[pl.ds(gtile * CPT, CPT)], idx_v)
        plsc.subcore_barrier()

        @pl.loop(0, CPT)
        def _(j):
            pltpu.async_copy(ones_v, acc_s.at[idx_v.at[j]], s0, add=True)

        @pl.loop(0, CPT)
        def _(j):
            pltpu.make_async_copy(ones_v, acc_s.at[idx_v.at[j]], s0).wait()

        plsc.subcore_barrier()
        pltpu.sync_copy(acc_s.at[pl.ds(base, RPT)],
                        out_hbm.at[cid, pl.ds(base, RPT)])

    return deg_kernel(dst_tiles, ones_rows, zeros_deg)


def _sc_edge_pass(hs2n, src_flat, dst_flat, zeros128):

    NBUF = 2

    @functools.partial(
        pl.kernel,
        out_type=jax.ShapeDtypeStruct((NC, NP, NHID), jnp.float32),
        mesh=_MESH,
        scratch_types=(
            [pltpu.VMEM((C0, CHUNK), jnp.int32),
             pltpu.VMEM((C0, CHUNK), jnp.int32)]
            + [pltpu.VMEM((CHUNK, NHID), jnp.float32)] * NBUF
            + [pltpu.SemaphoreType.DMA] * (2 * NBUF)
            + [pltpu.VMEM_SHARED((NP, NHID), jnp.float32)]
        ),
    )
    def edge_kernel(hs_hbm, src_hbm, dst_hbm, zeros_hbm, out_hbm,
                    src_v, dst_v, *rest):
        bufs = rest[:NBUF]
        gsem = rest[NBUF:2 * NBUF]
        ssem = rest[2 * NBUF:3 * NBUF]
        acc_s = rest[3 * NBUF]
        cid = lax.axis_index("c")
        sid = lax.axis_index("s")
        base = sid * RPT
        pltpu.sync_copy(zeros_hbm.at[pl.ds(base, RPT)], acc_s.at[pl.ds(base, RPT)])

        def wait_gather(j, k):
            pltpu.make_async_copy(hs_hbm.at[src_v.at[j]], bufs[k], gsem[k]).wait()

        def wait_scatter(j, k):
            pltpu.make_async_copy(bufs[k], acc_s.at[dst_v.at[j]], ssem[k]).wait()

        def run(chunk0, cnt):
            assert cnt % NBUF == 0
            pltpu.sync_copy(src_hbm.at[pl.ds(chunk0, cnt)],
                            src_v.at[pl.ds(0, cnt)])
            pltpu.sync_copy(dst_hbm.at[pl.ds(chunk0, cnt)],
                            dst_v.at[pl.ds(0, cnt)])
            plsc.subcore_barrier()
            for k in range(NBUF):
                pltpu.async_copy(hs_hbm.at[src_v.at[k]], bufs[k], gsem[k])

            @pl.loop(1, cnt // NBUF)
            def _(i):
                j0 = i * NBUF
                for k in range(NBUF):
                    wait_gather(j0 - NBUF + k, k)
                    pltpu.async_copy(bufs[k], acc_s.at[dst_v.at[j0 - NBUF + k]],
                                     ssem[k], add=True)
                for k in range(NBUF):
                    wait_scatter(j0 - NBUF + k, k)
                    pltpu.async_copy(hs_hbm.at[src_v.at[j0 + k]], bufs[k], gsem[k])

            for k in range(NBUF):
                wait_gather(cnt - NBUF + k, k)
                pltpu.async_copy(bufs[k], acc_s.at[dst_v.at[cnt - NBUF + k]],
                                 ssem[k], add=True)
            for k in range(NBUF):
                wait_scatter(cnt - NBUF + k, k)

        @pl.when(cid == 0)
        def _():
            run(sid * C0, C0)

        @pl.when(cid == 1)
        def _():
            run(NS * C0 + sid * C1, C1)

        plsc.subcore_barrier()
        pltpu.sync_copy(acc_s.at[pl.ds(base, RPT)],
                        out_hbm.at[cid, pl.ds(base, RPT)])

    return edge_kernel(hs2n, src_flat, dst_flat, zeros128)


def _dot(a, b):
    return jnp.dot(a, b, preferred_element_type=jnp.float32,
                   precision=lax.Precision.DEFAULT)


def _row_spec(cols):
    return pl.BlockSpec((MBLK, cols), lambda i: (i, 0))


def _full_spec(rows, cols):
    return pl.BlockSpec((rows, cols), lambda i: (0, 0))


def _tc_encode(x, enc_W, enc_b):

    def body(x_ref, w_ref, b_ref, o_ref):
        o_ref[...] = jnp.maximum(_dot(x_ref[...], w_ref[...]) + b_ref[...], 0.0)

    return pl.pallas_call(
        body,
        grid=(N // MBLK,),
        in_specs=[_row_spec(NFEAT), _full_spec(NFEAT, NHID), _full_spec(1, NHID)],
        out_specs=_row_spec(NHID),
        out_shape=jax.ShapeDtypeStruct((N, NHID), jnp.float32),
    )(x, enc_W, enc_b.reshape(1, NHID))


def _tc_scale_matmul(x0, conv_W, dega, degb):

    def body(x_ref, w_ref, da_ref, db_ref, o_ref):
        dinv = lax.rsqrt(da_ref[:, 0:1] + db_ref[:, 0:1] + 1.0)
        hs = dinv * _dot(x_ref[...], w_ref[...])
        o_ref[0] = hs
        o_ref[1] = hs

    return pl.pallas_call(
        body,
        grid=(N // MBLK,),
        in_specs=[_row_spec(NHID), _full_spec(NHID, NHID),
                  _row_spec(16), _row_spec(16)],
        out_specs=pl.BlockSpec((2, MBLK, NHID), lambda i: (0, i, 0)),
        out_shape=jax.ShapeDtypeStruct((2, N, NHID), jnp.float32),
    )(x0, conv_W, dega, degb)


def _tc_post_and_next(acc0, acc1, hs, x_prev, conv_b, conv_W, dega, degb):

    def body(a0_ref, a1_ref, hs_ref, xp_ref, b_ref, w_ref, da_ref, db_ref,
             x_ref, hsn_ref):
        dinv = lax.rsqrt(da_ref[:, 0:1] + db_ref[:, 0:1] + 1.0)
        agg = a0_ref[...] + a1_ref[...] + hs_ref[...]
        x_new = jnp.maximum(dinv * agg + b_ref[...] + xp_ref[...], 0.0)
        x_ref[...] = x_new
        hsn = dinv * _dot(x_new, w_ref[...])
        hsn_ref[0] = hsn
        hsn_ref[1] = hsn

    return pl.pallas_call(
        body,
        grid=(N // MBLK,),
        in_specs=[_row_spec(NHID), _row_spec(NHID), _row_spec(NHID),
                  _row_spec(NHID), _full_spec(1, NHID), _full_spec(NHID, NHID),
                  _row_spec(16), _row_spec(16)],
        out_specs=[_row_spec(NHID),
                   pl.BlockSpec((2, MBLK, NHID), lambda i: (0, i, 0))],
        out_shape=[jax.ShapeDtypeStruct((N, NHID), jnp.float32),
                   jax.ShapeDtypeStruct((2, N, NHID), jnp.float32)],
    )(acc0, acc1, hs, x_prev, conv_b.reshape(1, NHID), conv_W, dega, degb)


def _tc_post_and_decode(acc0, acc1, hs, x_prev, conv_b, dec_W, dec_b, dega, degb):

    def body(a0_ref, a1_ref, hs_ref, xp_ref, b_ref, w_ref, db2_ref, da_ref,
             db_ref, o_ref):
        dinv = lax.rsqrt(da_ref[:, 0:1] + db_ref[:, 0:1] + 1.0)
        agg = a0_ref[...] + a1_ref[...] + hs_ref[...]
        x_new = jnp.maximum(dinv * agg + b_ref[...] + xp_ref[...], 0.0)
        o_ref[...] = _dot(x_new, w_ref[...]) + db2_ref[...]

    return pl.pallas_call(
        body,
        grid=(N // MBLK,),
        in_specs=[_row_spec(NHID), _row_spec(NHID), _row_spec(NHID),
                  _row_spec(NHID), _full_spec(1, NHID), _full_spec(NHID, NCLASS),
                  _full_spec(1, NCLASS), _row_spec(16), _row_spec(16)],
        out_specs=_row_spec(NCLASS),
        out_shape=jax.ShapeDtypeStruct((N, NCLASS), jnp.float32),
    )(acc0, acc1, hs, x_prev, conv_b.reshape(1, NHID), dec_W,
      dec_b.reshape(1, NCLASS), dega, degb)


def kernel(x, edge_index, enc_W, enc_b, conv_W, conv_b, dec_W, dec_b):
    src = edge_index[0]
    dst = edge_index[1]
    pad = EPAD - E
    pad_ar = jnp.arange(pad, dtype=jnp.int32)
    srcp = jnp.concatenate([src, pad_ar % N])
    dstp = jnp.concatenate([dst, N + pad_ar % (NP - N)])
    src_flat = srcp.reshape(TOTCH, CHUNK)
    nsc0 = NS * C0
    src_flat = jnp.concatenate([src_flat[:nsc0], src_flat[nsc0:] + N], axis=0)
    dst_flat = dstp.reshape(TOTCH, CHUNK)

    zeros128 = jnp.zeros((NP, NHID), jnp.float32)
    ones_rows = jnp.ones((CHUNK, DEGW), jnp.float32)

    degs = _sc_degree(dst_flat, ones_rows, zeros128)
    dega = degs[0, :N, :16]
    degb = degs[1, :N, :16]

    x0 = _tc_encode(x, enc_W, enc_b)
    hs1 = _tc_scale_matmul(x0, conv_W, dega, degb)

    acc = _sc_edge_pass(hs1.reshape(2 * N, NHID), src_flat, dst_flat, zeros128)
    x1, hs2 = _tc_post_and_next(acc[0, :N], acc[1, :N], hs1[0], x0,
                                conv_b, conv_W, dega, degb)

    acc2 = _sc_edge_pass(hs2.reshape(2 * N, NHID), src_flat, dst_flat, zeros128)
    out = _tc_post_and_decode(acc2[0, :N], acc2[1, :N], hs2[0], x1,
                              conv_b, dec_W, dec_b, dega, degb)
    return out

# --- scband reference (transcript-rebuilt; emitter-appended) ---
"""Pipeline reference for scband-gcn-86388972191750 (READ-ONLY COPY).

The authoritative reference and input builder live on the scoring server;
editing this copy changes nothing except your own understanding.
"""

import jax, jax.numpy as jnp
import numpy as np

N = 10000
E = 160000
NFEAT = 128
NHID = 128
NCLASS = 64
NLAYERS = 2


def sym_norm_adj(A):
    # A_tilde = I + A; D_tilde = diag(col sums); adj_norm = D^-1/2 A_tilde D^-1/2
    A_tilde = jnp.eye(A.shape[0], dtype=A.dtype) + A
    d = jnp.sum(A_tilde, axis=0)
    d_inv_sqrt = jnp.where(d > 0, 1.0 / jnp.sqrt(d), 0.0)
    # diagonal matmuls expressed as row/col scaling (mathematically identical)
    return d_inv_sqrt[:, None] * A_tilde * d_inv_sqrt[None, :]


def dirichlet_energy(X, adj):
    adj_norm = sym_norm_adj(adj)
    # L = I - adj_norm ; b = L @ X ; energy = trace(b^T X)
    b = X - adj_norm @ X
    product = b.T @ X
    return jnp.trace(product)


def gcn_conv(x, W, b, src, dst):
    # torch_geometric GCNConv with add_self_loops=True, symmetric normalization
    x = x @ W
    loops = jnp.arange(N, dtype=src.dtype)
    src2 = jnp.concatenate([src, loops])
    dst2 = jnp.concatenate([dst, loops])
    deg = jnp.zeros((N,), dtype=x.dtype).at[dst2].add(1.0)
    dinv = jnp.where(deg > 0, deg ** -0.5, 0.0)
    norm = dinv[src2] * dinv[dst2]
    msgs = x[src2] * norm[:, None]
    out = jax.ops.segment_sum(msgs, dst2, num_segments=N)
    return out + b


def setup_inputs(seed: int = 0) -> dict:
    key = jax.random.key(seed)
    ks = jax.random.split(key, 9)
    x = jax.random.normal(ks[0], (N, NFEAT), dtype=jnp.float32)
    edge_index = jax.random.randint(ks[1], (2, E), 0, N, dtype=jnp.int32)
    stdv = 1.0 / np.sqrt(NHID)
    enc_W = jax.random.uniform(ks[2], (NFEAT, NHID), jnp.float32, -stdv, stdv)
    enc_b = jax.random.uniform(ks[3], (NHID,), jnp.float32, -stdv, stdv)
    conv_W = jax.random.uniform(ks[4], (NHID, NHID), jnp.float32, -stdv, stdv)
    conv_b = jax.random.uniform(ks[5], (NHID,), jnp.float32, -stdv, stdv)
    dec_W = jax.random.uniform(ks[6], (NHID, NCLASS), jnp.float32, -stdv, stdv)
    dec_b = jax.random.uniform(ks[7], (NCLASS,), jnp.float32, -stdv, stdv)
    return {"x": x, "edge_index": edge_index, "enc_W": enc_W, "enc_b": enc_b,
            "conv_W": conv_W, "conv_b": conv_b, "dec_W": dec_W, "dec_b": dec_b}


def reference(x, edge_index, enc_W, enc_b, conv_W, conv_b, dec_W, dec_b):
    src, dst = edge_index[0], edge_index[1]
    # to_dense_adj: duplicate edges accumulate
    adj = jnp.zeros((N, N), dtype=jnp.float32).at[src, dst].add(1.0)
    # dropout is identity in eval mode
    X = jax.nn.relu(x @ enc_W + enc_b)
    energies = [dirichlet_energy(X, adj)]
    for _ in range(NLAYERS):
        X = jax.nn.relu(gcn_conv(X, conv_W, conv_b, src, dst) + X)
        energies.append(dirichlet_energy(X, adj))
    X = X @ dec_W + dec_b
    return X

if __name__ == "__main__":
    import jax
    _d = setup_inputs()
    print(jax.jit(kernel)(*tuple(_d.values())))

</pallas_src>

<mosaic_0001>
#map = affine_map<(d0, d1) -> (0, 0)>
#map1 = affine_map<(d0, d1) -> (0, 0, 0)>
module attributes {stable_mosaic.version = 14 : i64} {
  func.func @deg_kernel(%arg0: i32, %arg1: i32, %arg2: memref<1280x128xi32, #tpu.memory_space<hbm>>, %arg3: memref<128x128xf32, #tpu.memory_space<hbm>>, %arg4: memref<10112x128xf32, #tpu.memory_space<hbm>>, %arg5: memref<2x10112x128xf32, #tpu.memory_space<hbm>>, %arg6: memref<40x128xi32, #tpu.memory_space<vmem>>, %arg7: memref<128x128xf32, #tpu.memory_space<vmem>>, %arg8: memref<10112x128xf32, #tpu.memory_space<vmem_shared>>, %arg9: memref<!tpu.dma_semaphore, #tpu.memory_space<semaphore_mem>>, %arg10: memref<!tpu.dma_semaphore, #tpu.memory_space<semaphore_mem>>) attributes {dimension_semantics = [#tpu.dimension_semantics<core_parallel>, #tpu.dimension_semantics<subcore_parallel>], iteration_bounds = array<i64: 2, 16>, scalar_prefetch = 0 : i64, scratch_operands = 5 : i64, tpu.core_type = #tpu.core_type<sc_vector_subcore>, window_params = [{transform_indices = #map}, {transform_indices = #map}, {transform_indices = #map}, {transform_indices = #map1}]} {
    %mul3A = arith.constant 16 : i32
    %mul3A_0 = arith.muli %arg0, %mul3A : i32
    %add3A = arith.addi %mul3A_0, %arg1 : i32
    %mul3A_1 = arith.constant 632 : i32
    %mul3A_2 = arith.muli %arg1, %mul3A_1 : i32
    "tpu.region"() ({
      %run_scoped3A = tpu.sem_alloc : memref<!tpu.dma_semaphore, #tpu.memory_space<semaphore_mem>>
      %dma_start3A = arith.constant 0 : i32
      %dma_start3A_15 = tpu.memref_slice %arg8[%mul3A_2, %dma_start3A] : memref<10112x128xf32, #tpu.memory_space<vmem_shared>> -> memref<632x128xf32, #tpu.memory_space<vmem_shared>>
      %dma_start3A_16 = arith.constant 0 : i32
      %dma_start3A_17 = tpu.memref_slice %arg4[%mul3A_2, %dma_start3A_16] : memref<10112x128xf32, #tpu.memory_space<hbm>> -> memref<632x128xf32, #tpu.memory_space<hbm>>
      tpu.enqueue_dma source(%dma_start3A_17 : memref<632x128xf32, #tpu.memory_space<hbm>>) target(%dma_start3A_15 : memref<632x128xf32, #tpu.memory_space<vmem_shared>>) target_semaphore(%run_scoped3A : memref<!tpu.dma_semaphore, #tpu.memory_space<semaphore_mem>>)
      %dma_wait3A = arith.constant 0 : i32
      %dma_wait3A_18 = tpu.memref_slice %arg8[%mul3A_2, %dma_wait3A] : memref<10112x128xf32, #tpu.memory_space<vmem_shared>> -> memref<632x128xf32, #tpu.memory_space<vmem_shared>>
      %dma_wait3A_19 = arith.constant 0 : i32
      %dma_wait3A_20 = tpu.memref_slice %arg4[%mul3A_2, %dma_wait3A_19] : memref<10112x128xf32, #tpu.memory_space<hbm>> -> memref<632x128xf32, #tpu.memory_space<hbm>>
      tpu.wait_dma2 semaphore(%run_scoped3A : memref<!tpu.dma_semaphore, #tpu.memory_space<semaphore_mem>>) src(%dma_wait3A_20 : memref<632x128xf32, #tpu.memory_space<hbm>>) dst(%dma_wait3A_18 : memref<632x128xf32, #tpu.memory_space<vmem_shared>>)
      tpu.yield
    }) : () -> ()
    "tpu.region"() ({
      %run_scoped3A = tpu.sem_alloc : memref<!tpu.dma_semaphore, #tpu.memory_space<semaphore_mem>>
      tpu.enqueue_dma source(%arg3 : memref<128x128xf32, #tpu.memory_space<hbm>>) target(%arg7 : memref<128x128xf32, #tpu.memory_space<vmem>>) target_semaphore(%run_scoped3A : memref<!tpu.dma_semaphore, #tpu.memory_space<semaphore_mem>>)
      tpu.wait_dma2 semaphore(%run_scoped3A : memref<!tpu.dma_semaphore, #tpu.memory_space<semaphore_mem>>) src(%arg3 : memref<128x128xf32, #tpu.memory_space<hbm>>) dst(%arg7 : memref<128x128xf32, #tpu.memory_space<vmem>>)
      tpu.yield
    }) : () -> ()
    %mul3A_3 = arith.constant 40 : i32
    %mul3A_4 = arith.muli %add3A, %mul3A_3 : i32
    "tpu.region"() ({
      %run_scoped3A = tpu.sem_alloc : memref<!tpu.dma_semaphore, #tpu.memory_space<semaphore_mem>>
      %dma_start3A = arith.constant 0 : i32
      %dma_start3A_15 = tpu.memref_slice %arg2[%mul3A_4, %dma_start3A] : memref<1280x128xi32, #tpu.memory_space<hbm>> -> memref<40x128xi32, #tpu.memory_space<hbm>>
      %dma_start3A_16 = arith.constant 0 : i32
      %dma_start3A_17 = tpu.memref_slice %arg2[%mul3A_4, %dma_start3A_16] : memref<1280x128xi32, #tpu.memory_space<hbm>> -> memref<40x128xi32, #tpu.memory_space<hbm>>
      tpu.enqueue_dma source(%dma_start3A_17 : memref<40x128xi32, #tpu.memory_space<hbm>>) target(%arg6 : memref<40x128xi32, #tpu.memory_space<vmem>>) target_semaphore(%run_scoped3A : memref<!tpu.dma_semaphore, #tpu.memory_space<semaphore_mem>>)
      %dma_wait3A = arith.constant 0 : i32
      %dma_wait3A_18 = tpu.memref_slice %arg2[%mul3A_4, %dma_wait3A] : memref<1280x128xi32, #tpu.memory_space<hbm>> -> memref<40x128xi32, #tpu.memory_space<hbm>>
      %dma_wait3A_19 = arith.constant 0 : i32
      %dma_wait3A_20 = tpu.memref_slice %arg2[%mul3A_4, %dma_wait3A_19] : memref<1280x128xi32, #tpu.memory_space<hbm>> -> memref<40x128xi32, #tpu.memory_space<hbm>>
      tpu.wait_dma2 semaphore(%run_scoped3A : memref<!tpu.dma_semaphore, #tpu.memory_space<semaphore_mem>>) src(%dma_wait3A_20 : memref<40x128xi32, #tpu.memory_space<hbm>>) dst(%arg6 : memref<40x128xi32, #tpu.memory_space<vmem>>)
      tpu.yield
    }) : () -> ()
    %barrier3A = arith.constant 0 : index
    tpu.barrier barrier_id(%barrier3A)
    %scan3A = arith.constant 0 : i32
    %scan3A_5 = arith.constant 40 : i32
    %scan3A_6 = arith.addi %scan3A, %scan3A_5 : i32
    %scan3A_7 = arith.constant 1 : i32
    scf.for %scan3A_15 = %scan3A to %scan3A_6 step %scan3A_7  : i32 {
      %mul3A_16 = arith.constant 1 : i32
      %mul3A_17 = arith.muli %scan3A_15, %mul3A_16 : i32
      %add3A_18 = arith.constant 0 : i32
      %add3A_19 = arith.addi %add3A_18, %mul3A_17 : i32
      %dma_start3A = arith.constant 0 : i32
      %dma_start3A_20 = tpu.memref_slice %arg6[%add3A_19, %dma_start3A] : memref<40x128xi32, #tpu.memory_space<vmem>> -> memref<1x128xi32, #tpu.memory_space<vmem>>
      %dma_start3A_21 = tpu.memref_squeeze %dma_start3A_20 : memref<1x128xi32, #tpu.memory_space<vmem>> -> memref<128xi32, #tpu.memory_space<vmem>>
      %dma_start3A_22 = arith.constant 0 : i32
      %dma_start3A_23 = arith.constant 0 : i32
      %dma_start3A_24 = tpu.memref_slice %arg8[%dma_start3A_22, %dma_start3A_23] : memref<10112x128xf32, #tpu.memory_space<vmem_shared>> -> memref<10112x128xf32, #tpu.memory_space<vmem_shared>>
      tpu.enqueue_indirect_dma source(%arg7 : memref<128x128xf32, #tpu.memory_space<vmem>>) target(%dma_start3A_24 : memref<10112x128xf32, #tpu.memory_space<vmem_shared>>) offsets(%dma_start3A_21 : memref<128xi32, #tpu.memory_space<vmem>>) semaphore(%arg9 : memref<!tpu.dma_semaphore, #tpu.memory_space<semaphore_mem>>) {add = true}
    }
    %scan3A_8 = arith.constant 40 : i32
    %scan3A_9 = arith.constant 0 : i32
    %scan3A_10 = arith.constant 40 : i32
    %scan3A_11 = arith.addi %scan3A_9, %scan3A_10 : i32
    %scan3A_12 = arith.constant 1 : i32
    scf.for %scan3A_15 = %scan3A_9 to %scan3A_11 step %scan3A_12  : i32 {
      %mul3A_16 = arith.constant 1 : i32
      %mul3A_17 = arith.muli %scan3A_15, %mul3A_16 : i32
      %add3A_18 = arith.constant 0 : i32
      %add3A_19 = arith.addi %add3A_18, %mul3A_17 : i32
      %dma_wait3A = arith.constant 0 : i32
      %dma_wait3A_20 = tpu.memref_slice %arg6[%add3A_19, %dma_wait3A] : memref<40x128xi32, #tpu.memory_space<vmem>> -> memref<1x128xi32, #tpu.memory_space<vmem>>
      %dma_wait3A_21 = tpu.memref_squeeze %dma_wait3A_20 : memref<1x128xi32, #tpu.memory_space<vmem>> -> memref<128xi32, #tpu.memory_space<vmem>>
      %dma_wait3A_22 = arith.constant 0 : i32
      %dma_wait3A_23 = arith.constant 0 : i32
      %dma_wait3A_24 = tpu.memref_slice %arg8[%dma_wait3A_22, %dma_wait3A_23] : memref<10112x128xf32, #tpu.memory_space<vmem_shared>> -> memref<10112x128xf32, #tpu.memory_space<vmem_shared>>
      tpu.wait_indirect_dma semaphore(%arg9 : memref<!tpu.dma_semaphore, #tpu.memory_space<semaphore_mem>>) src(%arg7 : memref<128x128xf32, #tpu.memory_space<vmem>>) dst(%dma_wait3A_24 : memref<10112x128xf32, #tpu.memory_space<vmem_shared>>)
    }
    %scan3A_13 = arith.constant 40 : i32
    %barrier3A_14 = arith.constant 0 : index
    tpu.barrier barrier_id(%barrier3A_14)
    "tpu.region"() ({
      %run_scoped3A = tpu.sem_alloc : memref<!tpu.dma_semaphore, #tpu.memory_space<semaphore_mem>>
      %dma_start3A = arith.constant 0 : i32
      %dma_start3A_15 = tpu.memref_slice %arg5[%arg0, %mul3A_2, %dma_start3A] : memref<2x10112x128xf32, #tpu.memory_space<hbm>> -> memref<1x632x128xf32, #tpu.memory_space<hbm>>
      %dma_start3A_16 = tpu.memref_squeeze %dma_start3A_15 : memref<1x632x128xf32, #tpu.memory_space<hbm>> -> memref<632x128xf32, #tpu.memory_space<hbm>>
      %dma_start3A_17 = arith.constant 0 : i32
      %dma_start3A_18 = tpu.memref_slice %arg8[%mul3A_2, %dma_start3A_17] : memref<10112x128xf32, #tpu.memory_space<vmem_shared>> -> memref<632x128xf32, #tpu.memory_space<vmem_shared>>
      tpu.enqueue_dma source(%dma_start3A_18 : memref<632x128xf32, #tpu.memory_space<vmem_shared>>) target(%dma_start3A_16 : memref<632x128xf32, #tpu.memory_space<hbm>>) target_semaphore(%run_scoped3A : memref<!tpu.dma_semaphore, #tpu.memory_space<semaphore_mem>>)
      %dma_wait3A = arith.constant 0 : i32
      %dma_wait3A_19 = tpu.memref_slice %arg5[%arg0, %mul3A_2, %dma_wait3A] : memref<2x10112x128xf32, #tpu.memory_space<hbm>> -> memref<1x632x128xf32, #tpu.memory_space<hbm>>
      %dma_wait3A_20 = tpu.memref_squeeze %dma_wait3A_19 : memref<1x632x128xf32, #tpu.memory_space<hbm>> -> memref<632x128xf32, #tpu.memory_space<hbm>>
      %dma_wait3A_21 = arith.constant 0 : i32
      %dma_wait3A_22 = tpu.memref_slice %arg8[%mul3A_2, %dma_wait3A_21] : memref<10112x128xf32, #tpu.memory_space<vmem_shared>> -> memref<632x128xf32, #tpu.memory_space<vmem_shared>>
      tpu.wait_dma2 semaphore(%run_scoped3A : memref<!tpu.dma_semaphore, #tpu.memory_space<semaphore_mem>>) src(%dma_wait3A_22 : memref<632x128xf32, #tpu.memory_space<vmem_shared>>) dst(%dma_wait3A_20 : memref<632x128xf32, #tpu.memory_space<hbm>>)
      tpu.yield
    }) : () -> ()
    return
  }
}

#map = affine_map<(d0, d1) -> (0, 0)>
#map1 = affine_map<(d0, d1) -> (0, 0, 0)>
module attributes {stable_mosaic.version = 14 : i64} {
  func.func @edge_kernel(%arg0: i32, %arg1: i32, %arg2: memref<20000x128xf32, #tpu.memory_space<hbm>>, %arg3: memref<1280x128xi32, #tpu.memory_space<hbm>>, %arg4: memref<1280x128xi32, #tpu.memory_space<hbm>>, %arg5: memref<10112x128xf32, #tpu.memory_space<hbm>>, %arg6: memref<2x10112x128xf32, #tpu.memory_space<hbm>>, %arg7: memref<40x128xi32, #tpu.memory_space<vmem>>, %arg8: memref<40x128xi32, #tpu.memory_space<vmem>>, %arg9: memref<128x128xf32, #tpu.memory_space<vmem>>, %arg10: memref<128x128xf32, #tpu.memory_space<vmem>>, %arg11: memref<!tpu.dma_semaphore, #tpu.memory_space<semaphore_mem>>, %arg12: memref<!tpu.dma_semaphore, #tpu.memory_space<semaphore_mem>>, %arg13: memref<!tpu.dma_semaphore, #tpu.memory_space<semaphore_mem>>, %arg14: memref<!tpu.dma_semaphore, #tpu.memory_space<semaphore_mem>>, %arg15: memref<10112x128xf32, #tpu.memory_space<vmem_shared>>) attributes {dimension_semantics = [#tpu.dimension_semantics<core_parallel>, #tpu.dimension_semantics<subcore_parallel>], iteration_bounds = array<i64: 2, 16>, scalar_prefetch = 0 : i64, scratch_operands = 9 : i64, tpu.core_type = #tpu.core_type<sc_vector_subcore>, window_params = [{transform_indices = #map}, {transform_indices = #map}, {transform_indices = #map}, {transform_indices = #map}, {transform_indices = #map1}]} {
    %mul3A = arith.constant 632 : i32
    %mul3A_0 = arith.muli %arg1, %mul3A : i32
    "tpu.region"() ({
      %run_scoped3A = tpu.sem_alloc : memref<!tpu.dma_semaphore, #tpu.memory_space<semaphore_mem>>
      %dma_start3A = arith.constant 0 : i32
      %dma_start3A_8 = tpu.memref_slice %arg15[%mul3A_0, %dma_start3A] : memref<10112x128xf32, #tpu.memory_space<vmem_shared>> -> memref<632x128xf32, #tpu.memory_space<vmem_shared>>
      %dma_start3A_9 = arith.constant 0 : i32
      %dma_start3A_10 = tpu.memref_slice %arg5[%mul3A_0, %dma_start3A_9] : memref<10112x128xf32, #tpu.memory_space<hbm>> -> memref<632x128xf32, #tpu.memory_space<hbm>>
      tpu.enqueue_dma source(%dma_start3A_10 : memref<632x128xf32, #tpu.memory_space<hbm>>) target(%dma_start3A_8 : memref<632x128xf32, #tpu.memory_space<vmem_shared>>) target_semaphore(%run_scoped3A : memref<!tpu.dma_semaphore, #tpu.memory_space<semaphore_mem>>)
      %dma_wait3A = arith.constant 0 : i32
      %dma_wait3A_11 = tpu.memref_slice %arg15[%mul3A_0, %dma_wait3A] : memref<10112x128xf32, #tpu.memory_space<vmem_shared>> -> memref<632x128xf32, #tpu.memory_space<vmem_shared>>
      %dma_wait3A_12 = arith.constant 0 : i32
      %dma_wait3A_13 = tpu.memref_slice %arg5[%mul3A_0, %dma_wait3A_12] : memref<10112x128xf32, #tpu.memory_space<hbm>> -> memref<632x128xf32, #tpu.memory_space<hbm>>
      tpu.wait_dma2 semaphore(%run_scoped3A : memref<!tpu.dma_semaphore, #tpu.memory_space<semaphore_mem>>) src(%dma_wait3A_13 : memref<632x128xf32, #tpu.memory_space<hbm>>) dst(%dma_wait3A_11 : memref<632x128xf32, #tpu.memory_space<vmem_shared>>)
      tpu.yield
    }) : () -> ()
    %eq3A = arith.constant 0 : i32
    %eq3A_1 = arith.cmpi eq, %arg0, %eq3A : i32
    %convert_element_type3A = arith.extui %eq3A_1 : i1 to i32
    %cond3A = arith.constant 0 : i32
    %cond3A_2 = arith.cmpi ne, %convert_element_type3A, %cond3A : i32
    scf.if %cond3A_2 {
      %mul3A_8 = arith.constant 40 : i32
      %mul3A_9 = arith.muli %arg1, %mul3A_8 : i32
      "tpu.region"() ({
        %run_scoped3A = tpu.sem_alloc : memref<!tpu.dma_semaphore, #tpu.memory_space<semaphore_mem>>
        %dma_start3A_69 = arith.constant 0 : i32
        %dma_start3A_70 = arith.constant 0 : i32
        %dma_start3A_71 = tpu.memref_slice %arg7[%dma_start3A_69, %dma_start3A_70] : memref<40x128xi32, #tpu.memory_space<vmem>> -> memref<40x128xi32, #tpu.memory_space<vmem>>
        %dma_start3A_72 = arith.constant 0 : i32
        %dma_start3A_73 = tpu.memref_slice %arg3[%mul3A_9, %dma_start3A_72] : memref<1280x128xi32, #tpu.memory_space<hbm>> -> memref<40x128xi32, #tpu.memory_space<hbm>>
        %dma_start3A_74 = arith.constant 0 : i32
        %dma_start3A_75 = arith.constant 0 : i32
        %dma_start3A_76 = tpu.memref_slice %arg7[%dma_start3A_74, %dma_start3A_75] : memref<40x128xi32, #tpu.memory_space<vmem>> -> memref<40x128xi32, #tpu.memory_space<vmem>>
        %dma_start3A_77 = arith.constant 0 : i32
        %dma_start3A_78 = tpu.memref_slice %arg3[%mul3A_9, %dma_start3A_77] : memref<1280x128xi32, #tpu.memory_space<hbm>> -> memref<40x128xi32, #tpu.memory_space<hbm>>
        tpu.enqueue_dma source(%dma_start3A_78 : memref<40x128xi32, #tpu.memory_space<hbm>>) target(%dma_start3A_76 : memref<40x128xi32, #tpu.memory_space<vmem>>) target_semaphore(%run_scoped3A : memref<!tpu.dma_semaphore, #tpu.memory_space<semaphore_mem>>)
        %dma_wait3A_79 = arith.constant 0 : i32
        %dma_wait3A_80 = arith.constant 0 : i32
        %dma_wait3A_81 = tpu.memref_slice %arg7[%dma_wait3A_79, %dma_wait3A_80] : memref<40x128xi32, #tpu.memory_space<vmem>> -> memref<40x128xi32, #tpu.memory_space<vmem>>
        %dma_wait3A_82 = arith.constant 0 : i32
        %dma_wait3A_83 = tpu.memref_slice %arg3[%mul3A_9, %dma_wait3A_82] : memref<1280x128xi32, #tpu.memory_space<hbm>> -> memref<40x128xi32, #tpu.memory_space<hbm>>
        %dma_wait3A_84 = arith.constant 0 : i32
        %dma_wait3A_85 = arith.constant 0 : i32
        %dma_wait3A_86 = tpu.memref_slice %arg7[%dma_wait3A_84, %dma_wait3A_85] : memref<40x128xi32, #tpu.memory_space<vmem>> -> memref<40x128xi32, #tpu.memory_space<vmem>>
        %dma_wait3A_87 = arith.constant 0 : i32
        %dma_wait3A_88 = tpu.memref_slice %arg3[%mul3A_9, %dma_wait3A_87] : memref<1280x128xi32, #tpu.memory_space<hbm>> -> memref<40x128xi32, #tpu.memory_space<hbm>>
        tpu.wait_dma2 semaphore(%run_scoped3A : memref<!tpu.dma_semaphore, #tpu.memory_space<semaphore_mem>>) src(%dma_wait3A_88 : memref<40x128xi32, #tpu.memory_space<hbm>>) dst(%dma_wait3A_86 : memref<40x128xi32, #tpu.memory_space<vmem>>)
        tpu.yield
      }) : () -> ()
      "tpu.region"() ({
        %run_scoped3A = tpu.sem_alloc : memref<!tpu.dma_semaphore, #tpu.memory_space<semaphore_mem>>
        %dma_start3A_69 = arith.constant 0 : i32
        %dma_start3A_70 = arith.constant 0 : i32
        %dma_start3A_71 = tpu.memref_slice %arg8[%dma_start3A_69, %dma_start3A_70] : memref<40x128xi32, #tpu.memory_space<vmem>> -> memref<40x128xi32, #tpu.memory_space<vmem>>
        %dma_start3A_72 = arith.constant 0 : i32
        %dma_start3A_73 = tpu.memref_slice %arg4[%mul3A_9, %dma_start3A_72] : memref<1280x128xi32, #tpu.memory_space<hbm>> -> memref<40x128xi32, #tpu.memory_space<hbm>>
        %dma_start3A_74 = arith.constant 0 : i32
        %dma_start3A_75 = arith.constant 0 : i32
        %dma_start3A_76 = tpu.memref_slice %arg8[%dma_start3A_74, %dma_start3A_75] : memref<40x128xi32, #tpu.memory_space<vmem>> -> memref<40x128xi32, #tpu.memory_space<vmem>>
        %dma_start3A_77 = arith.constant 0 : i32
        %dma_start3A_78 = tpu.memref_slice %arg4[%mul3A_9, %dma_start3A_77] : memref<1280x128xi32, #tpu.memory_space<hbm>> -> memref<40x128xi32, #tpu.memory_space<hbm>>
        tpu.enqueue_dma source(%dma_start3A_78 : memref<40x128xi32, #tpu.memory_space<hbm>>) target(%dma_start3A_76 : memref<40x128xi32, #tpu.memory_space<vmem>>) target_semaphore(%run_scoped3A : memref<!tpu.dma_semaphore, #tpu.memory_space<semaphore_mem>>)
        %dma_wait3A_79 = arith.constant 0 : i32
        %dma_wait3A_80 = arith.constant 0 : i32
        %dma_wait3A_81 = tpu.memref_slice %arg8[%dma_wait3A_79, %dma_wait3A_80] : memref<40x128xi32, #tpu.memory_space<vmem>> -> memref<40x128xi32, #tpu.memory_space<vmem>>
        %dma_wait3A_82 = arith.constant 0 : i32
        %dma_wait3A_83 = tpu.memref_slice %arg4[%mul3A_9, %dma_wait3A_82] : memref<1280x128xi32, #tpu.memory_space<hbm>> -> memref<40x128xi32, #tpu.memory_space<hbm>>
        %dma_wait3A_84 = arith.constant 0 : i32
        %dma_wait3A_85 = arith.constant 0 : i32
        %dma_wait3A_86 = tpu.memref_slice %arg8[%dma_wait3A_84, %dma_wait3A_85] : memref<40x128xi32, #tpu.memory_space<vmem>> -> memref<40x128xi32, #tpu.memory_space<vmem>>
        %dma_wait3A_87 = arith.constant 0 : i32
        %dma_wait3A_88 = tpu.memref_slice %arg4[%mul3A_9, %dma_wait3A_87] : memref<1280x128xi32, #tpu.memory_space<hbm>> -> memref<40x128xi32, #tpu.memory_space<hbm>>
        tpu.wait_dma2 semaphore(%run_scoped3A : memref<!tpu.dma_semaphore, #tpu.memory_space<semaphore_mem>>) src(%dma_wait3A_88 : memref<40x128xi32, #tpu.memory_space<hbm>>) dst(%dma_wait3A_86 : memref<40x128xi32, #tpu.memory_space<vmem>>)
        tpu.yield
      }) : () -> ()
      %barrier3A_10 = arith.constant 0 : index
      tpu.barrier barrier_id(%barrier3A_10)
      %dma_start3A = arith.constant 0 : i32
      %dma_start3A_11 = arith.constant 0 : i32
      %dma_start3A_12 = tpu.memref_slice %arg7[%dma_start3A, %dma_start3A_11] : memref<40x128xi32, #tpu.memory_space<vmem>> -> memref<1x128xi32, #tpu.memory_space<vmem>>
      %dma_start3A_13 = tpu.memref_squeeze %dma_start3A_12 : memref<1x128xi32, #tpu.memory_space<vmem>> -> memref<128xi32, #tpu.memory_space<vmem>>
      %dma_start3A_14 = arith.constant 0 : i32
      %dma_start3A_15 = arith.constant 0 : i32
      %dma_start3A_16 = tpu.memref_slice %arg2[%dma_start3A_14, %dma_start3A_15] : memref<20000x128xf32, #tpu.memory_space<hbm>> -> memref<20000x128xf32, #tpu.memory_space<hbm>>
      tpu.enqueue_indirect_dma source(%dma_start3A_16 : memref<20000x128xf32, #tpu.memory_space<hbm>>) target(%arg9 : memref<128x128xf32, #tpu.memory_space<vmem>>) offsets(%dma_start3A_13 : memref<128xi32, #tpu.memory_space<vmem>>) semaphore(%arg11 : memref<!tpu.dma_semaphore, #tpu.memory_space<semaphore_mem>>)
      %dma_start3A_17 = arith.constant 1 : i32
      %dma_start3A_18 = arith.constant 0 : i32
      %dma_start3A_19 = tpu.memref_slice %arg7[%dma_start3A_17, %dma_start3A_18] : memref<40x128xi32, #tpu.memory_space<vmem>> -> memref<1x128xi32, #tpu.memory_space<vmem>>
      %dma_start3A_20 = tpu.memref_squeeze %dma_start3A_19 : memref<1x128xi32, #tpu.memory_space<vmem>> -> memref<128xi32, #tpu.memory_space<vmem>>
      %dma_start3A_21 = arith.constant 0 : i32
      %dma_start3A_22 = arith.constant 0 : i32
      %dma_start3A_23 = tpu.memref_slice %arg2[%dma_start3A_21, %dma_start3A_22] : memref<20000x128xf32, #tpu.memory_space<hbm>> -> memref<20000x128xf32, #tpu.memory_space<hbm>>
      tpu.enqueue_indirect_dma source(%dma_start3A_23 : memref<20000x128xf32, #tpu.memory_space<hbm>>) target(%arg10 : memref<128x128xf32, #tpu.memory_space<vmem>>) offsets(%dma_start3A_20 : memref<128xi32, #tpu.memory_space<vmem>>) semaphore(%arg12 : memref<!tpu.dma_semaphore, #tpu.memory_space<semaphore_mem>>)
      %scan3A = arith.constant 0 : i32
      %scan3A_24 = arith.constant 19 : i32
      %scan3A_25 = arith.addi %scan3A, %scan3A_24 : i32
      %scan3A_26 = arith.constant 1 : i32
      scf.for %scan3A_69 = %scan3A to %scan3A_25 step %scan3A_26  : i32 {
        %mul3A_70 = arith.constant 1 : i32
        %mul3A_71 = arith.muli %scan3A_69, %mul3A_70 : i32
        %add3A = arith.constant 1 : i32
        %add3A_72 = arith.addi %add3A, %mul3A_71 : i32
        %mul3A_73 = arith.constant 2 : i32
        %mul3A_74 = arith.muli %add3A_72, %mul3A_73 : i32
        %sub3A = arith.constant 2 : i32
        %sub3A_75 = arith.subi %mul3A_74, %sub3A : i32
        %add3A_76 = arith.constant 0 : i32
        %add3A_77 = arith.addi %sub3A_75, %add3A_76 : i32
        %dma_wait3A_78 = arith.constant 0 : i32
        %dma_wait3A_79 = tpu.memref_slice %arg7[%add3A_77, %dma_wait3A_78] : memref<40x128xi32, #tpu.memory_space<vmem>> -> memref<1x128xi32, #tpu.memory_space<vmem>>
        %dma_wait3A_80 = tpu.memref_squeeze %dma_wait3A_79 : memref<1x128xi32, #tpu.memory_space<vmem>> -> memref<128xi32, #tpu.memory_space<vmem>>
        %dma_wait3A_81 = arith.constant 0 : i32
        %dma_wait3A_82 = arith.constant 0 : i32
        %dma_wait3A_83 = tpu.memref_slice %arg2[%dma_wait3A_81, %dma_wait3A_82] : memref<20000x128xf32, #tpu.memory_space<hbm>> -> memref<20000x128xf32, #tpu.memory_space<hbm>>
        tpu.wait_indirect_dma semaphore(%arg11 : memref<!tpu.dma_semaphore, #tpu.memory_space<semaphore_mem>>) src(%dma_wait3A_83 : memref<20000x128xf32, #tpu.memory_space<hbm>>) dst(%arg9 : memref<128x128xf32, #tpu.memory_space<vmem>>)
        %sub3A_84 = arith.constant 2 : i32
        %sub3A_85 = arith.subi %mul3A_74, %sub3A_84 : i32
        %add3A_86 = arith.constant 0 : i32
        %add3A_87 = arith.addi %sub3A_85, %add3A_86 : i32
        %dma_start3A_88 = arith.constant 0 : i32
        %dma_start3A_89 = tpu.memref_slice %arg8[%add3A_87, %dma_start3A_88] : memref<40x128xi32, #tpu.memory_space<vmem>> -> memref<1x128xi32, #tpu.memory_space<vmem>>
        %dma_start3A_90 = tpu.memref_squeeze %dma_start3A_89 : memref<1x128xi32, #tpu.memory_space<vmem>> -> memref<128xi32, #tpu.memory_space<vmem>>
        %dma_start3A_91 = arith.constant 0 : i32
        %dma_start3A_92 = arith.constant 0 : i32
        %dma_start3A_93 = tpu.memref_slice %arg15[%dma_start3A_91, %dma_start3A_92] : memref<10112x128xf32, #tpu.memory_space<vmem_shared>> -> memref<10112x128xf32, #tpu.memory_space<vmem_shared>>
        tpu.enqueue_indirect_dma source(%arg9 : memref<128x128xf32, #tpu.memory_space<vmem>>) target(%dma_start3A_93 : memref<10112x128xf32, #tpu.memory_space<vmem_shared>>) offsets(%dma_start3A_90 : memref<128xi32, #tpu.memory_space<vmem>>) semaphore(%arg13 : memref<!tpu.dma_semaphore, #tpu.memory_space<semaphore_mem>>) {add = true}
        %sub3A_94 = arith.constant 2 : i32
        %sub3A_95 = arith.subi %mul3A_74, %sub3A_94 : i32
        %add3A_96 = arith.constant 1 : i32
        %add3A_97 = arith.addi %sub3A_95, %add3A_96 : i32
        %dma_wait3A_98 = arith.constant 0 : i32
        %dma_wait3A_99 = tpu.memref_slice %arg7[%add3A_97, %dma_wait3A_98] : memref<40x128xi32, #tpu.memory_space<vmem>> -> memref<1x128xi32, #tpu.memory_space<vmem>>
        %dma_wait3A_100 = tpu.memref_squeeze %dma_wait3A_99 : memref<1x128xi32, #tpu.memory_space<vmem>> -> memref<128xi32, #tpu.memory_space<vmem>>
        %dma_wait3A_101 = arith.constant 0 : i32
        %dma_wait3A_102 = arith.constant 0 : i32
        %dma_wait3A_103 = tpu.memref_slice %arg2[%dma_wait3A_101, %dma_wait3A_102] : memref<20000x128xf32, #tpu.memory_space<hbm>> -> memref<20000x128xf32, #tpu.memory_space<hbm>>
        tpu.wait_indirect_dma semaphore(%arg12 : memref<!tpu.dma_semaphore, #tpu.memory_space<semaphore_mem>>) src(%dma_wait3A_103 : memref<20000x128xf32, #tpu.memory_space<hbm>>) dst(%arg10 : memref<128x128xf32, #tpu.memory_space<vmem>>)
        %sub3A_104 = arith.constant 2 : i32
        %sub3A_105 = arith.subi %mul3A_74, %sub3A_104 : i32
        %add3A_106 = arith.constant 1 : i32
        %add3A_107 = arith.addi %sub3A_105, %add3A_106 : i32
        %dma_start3A_108 = arith.constant 0 : i32
        %dma_start3A_109 = tpu.memref_slice %arg8[%add3A_107, %dma_start3A_108] : memref<40x128xi32, #tpu.memory_space<vmem>> -> memref<1x128xi32, #tpu.memory_space<vmem>>
        %dma_start3A_110 = tpu.memref_squeeze %dma_start3A_109 : memref<1x128xi32, #tpu.memory_space<vmem>> -> memref<128xi32, #tpu.memory_space<vmem>>
        %dma_start3A_111 = arith.constant 0 : i32
        %dma_start3A_112 = arith.constant 0 : i32
        %dma_start3A_113 = tpu.memref_slice %arg15[%dma_start3A_111, %dma_start3A_112] : memref<10112x128xf32, #tpu.memory_space<vmem_shared>> -> memref<10112x128xf32, #tpu.memory_space<vmem_shared>>
        tpu.enqueue_indirect_dma source(%arg10 : memref<128x128xf32, #tpu.memory_space<vmem>>) target(%dma_start3A_113 : memref<10112x128xf32, #tpu.memory_space<vmem_shared>>) offsets(%dma_start3A_110 : memref<128xi32, #tpu.memory_space<vmem>>) semaphore(%arg14 : memref<!tpu.dma_semaphore, #tpu.memory_space<semaphore_mem>>) {add = true}
        %sub3A_114 = arith.constant 2 : i32
        %sub3A_115 = arith.subi %mul3A_74, %sub3A_114 : i32
        %add3A_116 = arith.constant 0 : i32
        %add3A_117 = arith.addi %sub3A_115, %add3A_116 : i32
        %dma_wait3A_118 = arith.constant 0 : i32
        %dma_wait3A_119 = tpu.memref_slice %arg8[%add3A_117, %dma_wait3A_118] : memref<40x128xi32, #tpu.memory_space<vmem>> -> memref<1x128xi32, #tpu.memory_space<vmem>>
        %dma_wait3A_120 = tpu.memref_squeeze %dma_wait3A_119 : memref<1x128xi32, #tpu.memory_space<vmem>> -> memref<128xi32, #tpu.memory_space<vmem>>
        %dma_wait3A_121 = arith.constant 0 : i32
        %dma_wait3A_122 = arith.constant 0 : i32
        %dma_wait3A_123 = tpu.memref_slice %arg15[%dma_wait3A_121, %dma_wait3A_122] : memref<10112x128xf32, #tpu.memory_space<vmem_shared>> -> memref<10112x128xf32, #tpu.memory_space<vmem_shared>>
        tpu.wait_indirect_dma semaphore(%arg13 : memref<!tpu.dma_semaphore, #tpu.memory_space<semaphore_mem>>) src(%arg9 : memref<128x128xf32, #tpu.memory_space<vmem>>) dst(%dma_wait3A_123 : memref<10112x128xf32, #tpu.memory_space<vmem_shared>>)
        %add3A_124 = arith.constant 0 : i32
        %add3A_125 = arith.addi %mul3A_74, %add3A_124 : i32
        %dma_start3A_126 = arith.constant 0 : i32
        %dma_start3A_127 = tpu.memref_slice %arg7[%add3A_125, %dma_start3A_126] : memref<40x128xi32, #tpu.memory_space<vmem>> -> memref<1x128xi32, #tpu.memory_space<vmem>>
        %dma_start3A_128 = tpu.memref_squeeze %dma_start3A_127 : memref<1x128xi32, #tpu.memory_space<vmem>> -> memref<128xi32, #tpu.memory_space<vmem>>
        %dma_start3A_129 = arith.constant 0 : i32
        %dma_start3A_130 = arith.constant 0 : i32
        %dma_start3A_131 = tpu.memref_slice %arg2[%dma_start3A_129, %dma_start3A_130] : memref<20000x128xf32, #tpu.memory_space<hbm>> -> memref<20000x128xf32, #tpu.memory_space<hbm>>
        tpu.enqueue_indirect_dma source(%dma_start3A_131 : memref<20000x128xf32, #tpu.memory_space<hbm>>) target(%arg9 : memref<128x128xf32, #tpu.memory_space<vmem>>) offsets(%dma_start3A_128 : memref<128xi32, #tpu.memory_space<vmem>>) semaphore(%arg11 : memref<!tpu.dma_semaphore, #tpu.memory_space<semaphore_mem>>)
        %sub3A_132 = arith.constant 2 : i32
        %sub3A_133 = arith.subi %mul3A_74, %sub3A_132 : i32
        %add3A_134 = arith.constant 1 : i32
        %add3A_135 = arith.addi %sub3A_133, %add3A_134 : i32
        %dma_wait3A_136 = arith.constant 0 : i32
        %dma_wait3A_137 = tpu.memref_slice %arg8[%add3A_135, %dma_wait3A_136] : memref<40x128xi32, #tpu.memory_space<vmem>> -> memref<1x128xi32, #tpu.memory_space<vmem>>
        %dma_wait3A_138 = tpu.memref_squeeze %dma_wait3A_137 : memref<1x128xi32, #tpu.memory_space<vmem>> -> memref<128xi32, #tpu.memory_space<vmem>>
        %dma_wait3A_139 = arith.constant 0 : i32
        %dma_wait3A_140 = arith.constant 0 : i32
        %dma_wait3A_141 = tpu.memref_slice %arg15[%dma_wait3A_139, %dma_wait3A_140] : memref<10112x128xf32, #tpu.memory_space<vmem_shared>> -> memref<10112x128xf32, #tpu.memory_space<vmem_shared>>
        tpu.wait_indirect_dma semaphore(%arg14 : memref<!tpu.dma_semaphore, #tpu.memory_space<semaphore_mem>>) src(%arg10 : memref<128x128xf32, #tpu.memory_space<vmem>>) dst(%dma_wait3A_141 : memref<10112x128xf32, #tpu.memory_space<vmem_shared>>)
        %add3A_142 = arith.constant 1 : i32
        %add3A_143 = arith.addi %mul3A_74, %add3A_142 : i32
        %dma_start3A_144 = arith.constant 0 : i32
        %dma_start3A_145 = tpu.memref_slice %arg7[%add3A_143, %dma_start3A_144] : memref<40x128xi32, #tpu.memory_space<vmem>> -> memref<1x128xi32, #tpu.memory_space<vmem>>
        %dma_start3A_146 = tpu.memref_squeeze %dma_start3A_145 : memref<1x128xi32, #tpu.memory_space<vmem>> -> memref<128xi32, #tpu.memory_space<vmem>>
        %dma_start3A_147 = arith.constant 0 : i32
        %dma_start3A_148 = arith.constant 0 : i32
        %dma_start3A_149 = tpu.memref_slice %arg2[%dma_start3A_147, %dma_start3A_148] : memref<20000x128xf32, #tpu.memory_space<hbm>> -> memref<20000x128xf32, #tpu.memory_space<hbm>>
        tpu.enqueue_indirect_dma source(%dma_start3A_149 : memref<20000x128xf32, #tpu.memory_space<hbm>>) target(%arg10 : memref<128x128xf32, #tpu.memory_space<vmem>>) offsets(%dma_start3A_146 : memref<128xi32, #tpu.memory_space<vmem>>) semaphore(%arg12 : memref<!tpu.dma_semaphore, #tpu.memory_space<semaphore_mem>>)
      }
      %scan3A_27 = arith.constant 19 : i32
      %dma_wait3A = arith.constant 38 : i32
      %dma_wait3A_28 = arith.constant 0 : i32
      %dma_wait3A_29 = tpu.memref_slice %arg7[%dma_wait3A, %dma_wait3A_28] : memref<40x128xi32, #tpu.memory_space<vmem>> -> memref<1x128xi32, #tpu.memory_space<vmem>>
      %dma_wait3A_30 = tpu.memref_squeeze %dma_wait3A_29 : memref<1x128xi32, #tpu.memory_space<vmem>> -> memref<128xi32, #tpu.memory_space<vmem>>
      %dma_wait3A_31 = arith.constant 0 : i32
      %dma_wait3A_32 = arith.constant 0 : i32
      %dma_wait3A_33 = tpu.memref_slice %arg2[%dma_wait3A_31, %dma_wait3A_32] : memref<20000x128xf32, #tpu.memory_space<hbm>> -> memref<20000x128xf32, #tpu.memory_space<hbm>>
      tpu.wait_indirect_dma semaphore(%arg11 : memref<!tpu.dma_semaphore, #tpu.memory_space<semaphore_mem>>) src(%dma_wait3A_33 : memref<20000x128xf32, #tpu.memory_space<hbm>>) dst(%arg9 : memref<128x128xf32, #tpu.memory_space<vmem>>)
      %dma_start3A_34 = arith.constant 38 : i32
      %dma_start3A_35 = arith.constant 0 : i32
      %dma_start3A_36 = tpu.memref_slice %arg8[%dma_start3A_34, %dma_start3A_35] : memref<40x128xi32, #tpu.memory_space<vmem>> -> memref<1x128xi32, #tpu.memory_space<vmem>>
      %dma_start3A_37 = tpu.memref_squeeze %dma_start3A_36 : memref<1x128xi32, #tpu.memory_space<vmem>> -> memref<128xi32, #tpu.memory_space<vmem>>
      %dma_start3A_38 = arith.constant 0 : i32
      %dma_start3A_39 = arith.constant 0 : i32
      %dma_start3A_40 = tpu.memref_slice %arg15[%dma_start3A_38, %dma_start3A_39] : memref<10112x128xf32, #tpu.memory_space<vmem_shared>> -> memref<10112x128xf32, #tpu.memory_space<vmem_shared>>
      tpu.enqueue_indirect_dma source(%arg9 : memref<128x128xf32, #tpu.memory_space<vmem>>) target(%dma_start3A_40 : memref<10112x128xf32, #tpu.memory_space<vmem_shared>>) offsets(%dma_start3A_37 : memref<128xi32, #tpu.memory_space<vmem>>) semaphore(%arg13 : memref<!tpu.dma_semaphore, #tpu.memory_space<semaphore_mem>>) {add = true}
      %dma_wait3A_41 = arith.constant 39 : i32
      %dma_wait3A_42 = arith.constant 0 : i32
      %dma_wait3A_43 = tpu.memref_slice %arg7[%dma_wait3A_41, %dma_wait3A_42] : memref<40x128xi32, #tpu.memory_space<vmem>> -> memref<1x128xi32, #tpu.memory_space<vmem>>
      %dma_wait3A_44 = tpu.memref_squeeze %dma_wait3A_43 : memref<1x128xi32, #tpu.memory_space<vmem>> -> memref<128xi32, #tpu.memory_space<vmem>>
      %dma_wait3A_45 = arith.constant 0 : i32
      %dma_wait3A_46 = arith.constant 0 : i32
      %dma_wait3A_47 = tpu.memref_slice %arg2[%dma_wait3A_45, %dma_wait3A_46] : memref<20000x128xf32, #tpu.memory_space<hbm>> -> memref<20000x128xf32, #tpu.memory_space<hbm>>
      tpu.wait_indirect_dma semaphore(%arg12 : memref<!tpu.dma_semaphore, #tpu.memory_space<semaphore_mem>>) src(%dma_wait3A_47 : memref<20000x128xf32, #tpu.memory_space<hbm>>) dst(%arg10 : memref<128x128xf32, #tpu.memory_space<vmem>>)
      %dma_start3A_48 = arith.constant 39 : i32
      %dma_start3A_49 = arith.constant 0 : i32
      %dma_start3A_50 = tpu.memref_slice %arg8[%dma_start3A_48, %dma_start3A_49] : memref<40x128xi32, #tpu.memory_space<vmem>> -> memref<1x128xi32, #tpu.memory_space<vmem>>
      %dma_start3A_51 = tpu.memref_squeeze %dma_start3A_50 : memref<1x128xi32, #tpu.memory_space<vmem>> -> memref<128xi32, #tpu.memory_space<vmem>>
      %dma_start3A_52 = arith.constant 0 : i32
      %dma_start3A_53 = arith.constant 0 : i32
      %dma_start3A_54 = tpu.memref_slice %arg15[%dma_start3A_52, %dma_start3A_53] : memref<10112x128xf32, #tpu.memory_space<vmem_shared>> -> memref<10112x128xf32, #tpu.memory_space<vmem_shared>>
      tpu.enqueue_indirect_dma source(%arg10 : memref<128x128xf32, #tpu.memory_space<vmem>>) target(%dma_start3A_54 : memref<10112x128xf32, #tpu.memory_space<vmem_shared>>) offsets(%dma_start3A_51 : memref<128xi32, #tpu.memory_space<vmem>>) semaphore(%arg14 : memref<!tpu.dma_semaphore, #tpu.memory_space<semaphore_mem>>) {add = true}
      %dma_wait3A_55 = arith.constant 38 : i32
      %dma_wait3A_56 = arith.constant 0 : i32
      %dma_wait3A_57 = tpu.memref_slice %arg8[%dma_wait3A_55, %dma_wait3A_56] : memref<40x128xi32, #tpu.memory_space<vmem>> -> memref<1x128xi32, #tpu.memory_space<vmem>>
      %dma_wait3A_58 = tpu.memref_squeeze %dma_wait3A_57 : memref<1x128xi32, #tpu.memory_space<vmem>> -> memref<128xi32, #tpu.memory_space<vmem>>
      %dma_wait3A_59 = arith.constant 0 : i32
      %dma_wait3A_60 = arith.constant 0 : i32
      %dma_wait3A_61 = tpu.memref_slice %arg15[%dma_wait3A_59, %dma_wait3A_60] : memref<10112x128xf32, #tpu.memory_space<vmem_shared>> -> memref<10112x128xf32, #tpu.memory_space<vmem_shared>>
      tpu.wait_indirect_dma semaphore(%arg13 : memref<!tpu.dma_semaphore, #tpu.memory_space<semaphore_mem>>) src(%arg9 : memref<128x128xf32, #tpu.memory_space<vmem>>) dst(%dma_wait3A_61 : memref<10112x128xf32, #tpu.memory_space<vmem_shared>>)
      %dma_wait3A_62 = arith.constant 39 : i32
      %dma_wait3A_63 = arith.constant 0 : i32
      %dma_wait3A_64 = tpu.memref_slice %arg8[%dma_wait3A_62, %dma_wait3A_63] : memref<40x128xi32, #tpu.memory_space<vmem>> -> memref<1x128xi32, #tpu.memory_space<vmem>>
      %dma_wait3A_65 = tpu.memref_squeeze %dma_wait3A_64 : memref<1x128xi32, #tpu.memory_space<vmem>> -> memref<128xi32, #tpu.memory_space<vmem>>
      %dma_wait3A_66 = arith.constant 0 : i32
      %dma_wait3A_67 = arith.constant 0 : i32
      %dma_wait3A_68 = tpu.memref_slice %arg15[%dma_wait3A_66, %dma_wait3A_67] : memref<10112x128xf32, #tpu.memory_space<vmem_shared>> -> memref<10112x128xf32, #tpu.memory_space<vmem_shared>>
      tpu.wait_indirect_dma semaphore(%arg14 : memref<!tpu.dma_semaphore, #tpu.memory_space<semaphore_mem>>) src(%arg10 : memref<128x128xf32, #tpu.memory_space<vmem>>) dst(%dma_wait3A_68 : memref<10112x128xf32, #tpu.memory_space<vmem_shared>>)
    } else {
    }
    %eq3A_3 = arith.constant 1 : i32
    %eq3A_4 = arith.cmpi eq, %arg0, %eq3A_3 : i32
    %convert_element_type3A_5 = arith.extui %eq3A_4 : i1 to i32
    %cond3A_6 = arith.constant 0 : i32
    %cond3A_7 = arith.cmpi ne, %convert_element_type3A_5, %cond3A_6 : i32
    scf.if %cond3A_7 {
      %mul3A_8 = arith.constant 40 : i32
      %mul3A_9 = arith.muli %arg1, %mul3A_8 : i32
      %add3A = arith.constant 640 : i32
      %add3A_10 = arith.addi %add3A, %mul3A_9 : i32
      "tpu.region"() ({
        %run_scoped3A = tpu.sem_alloc : memref<!tpu.dma_semaphore, #tpu.memory_space<semaphore_mem>>
        %dma_start3A_70 = arith.constant 0 : i32
        %dma_start3A_71 = arith.constant 0 : i32
        %dma_start3A_72 = tpu.memref_slice %arg7[%dma_start3A_70, %dma_start3A_71] : memref<40x128xi32, #tpu.memory_space<vmem>> -> memref<40x128xi32, #tpu.memory_space<vmem>>
        %dma_start3A_73 = arith.constant 0 : i32
        %dma_start3A_74 = tpu.memref_slice %arg3[%add3A_10, %dma_start3A_73] : memref<1280x128xi32, #tpu.memory_space<hbm>> -> memref<40x128xi32, #tpu.memory_space<hbm>>
        %dma_start3A_75 = arith.constant 0 : i32
        %dma_start3A_76 = arith.constant 0 : i32
        %dma_start3A_77 = tpu.memref_slice %arg7[%dma_start3A_75, %dma_start3A_76] : memref<40x128xi32, #tpu.memory_space<vmem>> -> memref<40x128xi32, #tpu.memory_space<vmem>>
        %dma_start3A_78 = arith.constant 0 : i32
        %dma_start3A_79 = tpu.memref_slice %arg3[%add3A_10, %dma_start3A_78] : memref<1280x128xi32, #tpu.memory_space<hbm>> -> memref<40x128xi32, #tpu.memory_space<hbm>>
        tpu.enqueue_dma source(%dma_start3A_79 : memref<40x128xi32, #tpu.memory_space<hbm>>) target(%dma_start3A_77 : memref<40x128xi32, #tpu.memory_space<vmem>>) target_semaphore(%run_scoped3A : memref<!tpu.dma_semaphore, #tpu.memory_space<semaphore_mem>>)
        %dma_wait3A_80 = arith.constant 0 : i32
        %dma_wait3A_81 = arith.constant 0 : i32
        %dma_wait3A_82 = tpu.memref_slice %arg7[%dma_wait3A_80, %dma_wait3A_81] : memref<40x128xi32, #tpu.memory_space<vmem>> -> memref<40x128xi32, #tpu.memory_space<vmem>>
        %dma_wait3A_83 = arith.constant 0 : i32
        %dma_wait3A_84 = tpu.memref_slice %arg3[%add3A_10, %dma_wait3A_83] : memref<1280x128xi32, #tpu.memory_space<hbm>> -> memref<40x128xi32, #tpu.memory_space<hbm>>
        %dma_wait3A_85 = arith.constant 0 : i32
        %dma_wait3A_86 = arith.constant 0 : i32
        %dma_wait3A_87 = tpu.memref_slice %arg7[%dma_wait3A_85, %dma_wait3A_86] : memref<40x128xi32, #tpu.memory_space<vmem>> -> memref<40x128xi32, #tpu.memory_space<vmem>>
        %dma_wait3A_88 = arith.constant 0 : i32
        %dma_wait3A_89 = tpu.memref_slice %arg3[%add3A_10, %dma_wait3A_88] : memref<1280x128xi32, #tpu.memory_space<hbm>> -> memref<40x128xi32, #tpu.memory_space<hbm>>
        tpu.wait_dma2 semaphore(%run_scoped3A : memref<!tpu.dma_semaphore, #tpu.memory_space<semaphore_mem>>) src(%dma_wait3A_89 : memref<40x128xi32, #tpu.memory_space<hbm>>) dst(%dma_wait3A_87 : memref<40x128xi32, #tpu.memory_space<vmem>>)
        tpu.yield
      }) : () -> ()
      "tpu.region"() ({
        %run_scoped3A = tpu.sem_alloc : memref<!tpu.dma_semaphore, #tpu.memory_space<semaphore_mem>>
        %dma_start3A_70 = arith.constant 0 : i32
        %dma_start3A_71 = arith.constant 0 : i32
        %dma_start3A_72 = tpu.memref_slice %arg8[%dma_start3A_70, %dma_start3A_71] : memref<40x128xi32, #tpu.memory_space<vmem>> -> memref<40x128xi32, #tpu.memory_space<vmem>>
        %dma_start3A_73 = arith.constant 0 : i32
        %dma_start3A_74 = tpu.memref_slice %arg4[%add3A_10, %dma_start3A_73] : memref<1280x128xi32, #tpu.memory_space<hbm>> -> memref<40x128xi32, #tpu.memory_space<hbm>>
        %dma_start3A_75 = arith.constant 0 : i32
        %dma_start3A_76 = arith.constant 0 : i32
        %dma_start3A_77 = tpu.memref_slice %arg8[%dma_start3A_75, %dma_start3A_76] : memref<40x128xi32, #tpu.memory_space<vmem>> -> memref<40x128xi32, #tpu.memory_space<vmem>>
        %dma_start3A_78 = arith.constant 0 : i32
        %dma_start3A_79 = tpu.memref_slice %arg4[%add3A_10, %dma_start3A_78] : memref<1280x128xi32, #tpu.memory_space<hbm>> -> memref<40x128xi32, #tpu.memory_space<hbm>>
        tpu.enqueue_dma source(%dma_start3A_79 : memref<40x128xi32, #tpu.memory_space<hbm>>) target(%dma_start3A_77 : memref<40x128xi32, #tpu.memory_space<vmem>>) target_semaphore(%run_scoped3A : memref<!tpu.dma_semaphore, #tpu.memory_space<semaphore_mem>>)
        %dma_wait3A_80 = arith.constant 0 : i32
        %dma_wait3A_81 = arith.constant 0 : i32
        %dma_wait3A_82 = tpu.memref_slice %arg8[%dma_wait3A_80, %dma_wait3A_81] : memref<40x128xi32, #tpu.memory_space<vmem>> -> memref<40x128xi32, #tpu.memory_space<vmem>>
        %dma_wait3A_83 = arith.constant 0 : i32
        %dma_wait3A_84 = tpu.memref_slice %arg4[%add3A_10, %dma_wait3A_83] : memref<1280x128xi32, #tpu.memory_space<hbm>> -> memref<40x128xi32, #tpu.memory_space<hbm>>
        %dma_wait3A_85 = arith.constant 0 : i32
        %dma_wait3A_86 = arith.constant 0 : i32
        %dma_wait3A_87 = tpu.memref_slice %arg8[%dma_wait3A_85, %dma_wait3A_86] : memref<40x128xi32, #tpu.memory_space<vmem>> -> memref<40x128xi32, #tpu.memory_space<vmem>>
        %dma_wait3A_88 = arith.constant 0 : i32
        %dma_wait3A_89 = tpu.memref_slice %arg4[%add3A_10, %dma_wait3A_88] : memref<1280x128xi32, #tpu.memory_space<hbm>> -> memref<40x128xi32, #tpu.memory_space<hbm>>
        tpu.wait_dma2 semaphore(%run_scoped3A : memref<!tpu.dma_semaphore, #tpu.memory_space<semaphore_mem>>) src(%dma_wait3A_89 : memref<40x128xi32, #tpu.memory_space<hbm>>) dst(%dma_wait3A_87 : memref<40x128xi32, #tpu.memory_space<vmem>>)
        tpu.yield
      }) : () -> ()
      %barrier3A_11 = arith.constant 0 : index
      tpu.barrier barrier_id(%barrier3A_11)
      %dma_start3A = arith.constant 0 : i32
      %dma_start3A_12 = arith.constant 0 : i32
      %dma_start3A_13 = tpu.memref_slice %arg7[%dma_start3A, %dma_start3A_12] : memref<40x128xi32, #tpu.memory_space<vmem>> -> memref<1x128xi32, #tpu.memory_space<vmem>>
      %dma_start3A_14 = tpu.memref_squeeze %dma_start3A_13 : memref<1x128xi32, #tpu.memory_space<vmem>> -> memref<128xi32, #tpu.memory_space<vmem>>
      %dma_start3A_15 = arith.constant 0 : i32
      %dma_start3A_16 = arith.constant 0 : i32
      %dma_start3A_17 = tpu.memref_slice %arg2[%dma_start3A_15, %dma_start3A_16] : memref<20000x128xf32, #tpu.memory_space<hbm>> -> memref<20000x128xf32, #tpu.memory_space<hbm>>
      tpu.enqueue_indirect_dma source(%dma_start3A_17 : memref<20000x128xf32, #tpu.memory_space<hbm>>) target(%arg9 : memref<128x128xf32, #tpu.memory_space<vmem>>) offsets(%dma_start3A_14 : memref<128xi32, #tpu.memory_space<vmem>>) semaphore(%arg11 : memref<!tpu.dma_semaphore, #tpu.memory_space<semaphore_mem>>)
      %dma_start3A_18 = arith.constant 1 : i32
      %dma_start3A_19 = arith.constant 0 : i32
      %dma_start3A_20 = tpu.memref_slice %arg7[%dma_start3A_18, %dma_start3A_19] : memref<40x128xi32, #tpu.memory_space<vmem>> -> memref<1x128xi32, #tpu.memory_space<vmem>>
      %dma_start3A_21 = tpu.memref_squeeze %dma_start3A_20 : memref<1x128xi32, #tpu.memory_space<vmem>> -> memref<128xi32, #tpu.memory_space<vmem>>
      %dma_start3A_22 = arith.constant 0 : i32
      %dma_start3A_23 = arith.constant 0 : i32
      %dma_start3A_24 = tpu.memref_slice %arg2[%dma_start3A_22, %dma_start3A_23] : memref<20000x128xf32, #tpu.memory_space<hbm>> -> memref<20000x128xf32, #tpu.memory_space<hbm>>
      tpu.enqueue_indirect_dma source(%dma_start3A_24 : memref<20000x128xf32, #tpu.memory_space<hbm>>) target(%arg10 : memref<128x128xf32, #tpu.memory_space<vmem>>) offsets(%dma_start3A_21 : memref<128xi32, #tpu.memory_space<vmem>>) semaphore(%arg12 : memref<!tpu.dma_semaphore, #tpu.memory_space<semaphore_mem>>)
      %scan3A = arith.constant 0 : i32
      %scan3A_25 = arith.constant 19 : i32
      %scan3A_26 = arith.addi %scan3A, %scan3A_25 : i32
      %scan3A_27 = arith.constant 1 : i32
      scf.for %scan3A_70 = %scan3A to %scan3A_26 step %scan3A_27  : i32 {
        %mul3A_71 = arith.constant 1 : i32
        %mul3A_72 = arith.muli %scan3A_70, %mul3A_71 : i32
        %add3A_73 = arith.constant 1 : i32
        %add3A_74 = arith.addi %add3A_73, %mul3A_72 : i32
        %mul3A_75 = arith.constant 2 : i32
        %mul3A_76 = arith.muli %add3A_74, %mul3A_75 : i32
        %sub3A = arith.constant 2 : i32
        %sub3A_77 = arith.subi %mul3A_76, %sub3A : i32
        %add3A_78 = arith.constant 0 : i32
        %add3A_79 = arith.addi %sub3A_77, %add3A_78 : i32
        %dma_wait3A_80 = arith.constant 0 : i32
        %dma_wait3A_81 = tpu.memref_slice %arg7[%add3A_79, %dma_wait3A_80] : memref<40x128xi32, #tpu.memory_space<vmem>> -> memref<1x128xi32, #tpu.memory_space<vmem>>
        %dma_wait3A_82 = tpu.memref_squeeze %dma_wait3A_81 : memref<1x128xi32, #tpu.memory_space<vmem>> -> memref<128xi32, #tpu.memory_space<vmem>>
        %dma_wait3A_83 = arith.constant 0 : i32
        %dma_wait3A_84 = arith.constant 0 : i32
        %dma_wait3A_85 = tpu.memref_slice %arg2[%dma_wait3A_83, %dma_wait3A_84] : memref<20000x128xf32, #tpu.memory_space<hbm>> -> memref<20000x128xf32, #tpu.memory_space<hbm>>
        tpu.wait_indirect_dma semaphore(%arg11 : memref<!tpu.dma_semaphore, #tpu.memory_space<semaphore_mem>>) src(%dma_wait3A_85 : memref<20000x128xf32, #tpu.memory_space<hbm>>) dst(%arg9 : memref<128x128xf32, #tpu.memory_space<vmem>>)
        %sub3A_86 = arith.constant 2 : i32
        %sub3A_87 = arith.subi %mul3A_76, %sub3A_86 : i32
        %add3A_88 = arith.constant 0 : i32
        %add3A_89 = arith.addi %sub3A_87, %add3A_88 : i32
        %dma_start3A_90 = arith.constant 0 : i32
        %dma_start3A_91 = tpu.memref_slice %arg8[%add3A_89, %dma_start3A_90] : memref<40x128xi32, #tpu.memory_space<vmem>> -> memref<1x128xi32, #tpu.memory_space<vmem>>
        %dma_start3A_92 = tpu.memref_squeeze %dma_start3A_91 : memref<1x128xi32, #tpu.memory_space<vmem>> -> memref<128xi32, #tpu.memory_space<vmem>>
        %dma_start3A_93 = arith.constant 0 : i32
        %dma_start3A_94 = arith.constant 0 : i32
        %dma_start3A_95 = tpu.memref_slice %arg15[%dma_start3A_93, %dma_start3A_94] : memref<10112x128xf32, #tpu.memory_space<vmem_shared>> -> memref<10112x128xf32, #tpu.memory_space<vmem_shared>>
        tpu.enqueue_indirect_dma source(%arg9 : memref<128x128xf32, #tpu.memory_space<vmem>>) target(%dma_start3A_95 : memref<10112x128xf32, #tpu.memory_space<vmem_shared>>) offsets(%dma_start3A_92 : memref<128xi32, #tpu.memory_space<vmem>>) semaphore(%arg13 : memref<!tpu.dma_semaphore, #tpu.memory_space<semaphore_mem>>) {add = true}
        %sub3A_96 = arith.constant 2 : i32
        %sub3A_97 = arith.subi %mul3A_76, %sub3A_96 : i32
        %add3A_98 = arith.constant 1 : i32
        %add3A_99 = arith.addi %sub3A_97, %add3A_98 : i32
        %dma_wait3A_100 = arith.constant 0 : i32
        %dma_wait3A_101 = tpu.memref_slice %arg7[%add3A_99, %dma_wait3A_100] : memref<40x128xi32, #tpu.memory_space<vmem>> -> memref<1x128xi32, #tpu.memory_space<vmem>>
        %dma_wait3A_102 = tpu.memref_squeeze %dma_wait3A_101 : memref<1x128xi32, #tpu.memory_space<vmem>> -> memref<128xi32, #tpu.memory_space<vmem>>
        %dma_wait3A_103 = arith.constant 0 : i32
        %dma_wait3A_104 = arith.constant 0 : i32
        %dma_wait3A_105 = tpu.memref_slice %arg2[%dma_wait3A_103, %dma_wait3A_104] : memref<20000x128xf32, #tpu.memory_space<hbm>> -> memref<20000x128xf32, #tpu.memory_space<hbm>>
        tpu.wait_indirect_dma semaphore(%arg12 : memref<!tpu.dma_semaphore, #tpu.memory_space<semaphore_mem>>) src(%dma_wait3A_105 : memref<20000x128xf32, #tpu.memory_space<hbm>>) dst(%arg10 : memref<128x128xf32, #tpu.memory_space<vmem>>)
        %sub3A_106 = arith.constant 2 : i32
        %sub3A_107 = arith.subi %mul3A_76, %sub3A_106 : i32
        %add3A_108 = arith.constant 1 : i32
        %add3A_109 = arith.addi %sub3A_107, %add3A_108 : i32
        %dma_start3A_110 = arith.constant 0 : i32
        %dma_start3A_111 = tpu.memref_slice %arg8[%add3A_109, %dma_start3A_110] : memref<40x128xi32, #tpu.memory_space<vmem>> -> memref<1x128xi32, #tpu.memory_space<vmem>>
        %dma_start3A_112 = tpu.memref_squeeze %dma_start3A_111 : memref<1x128xi32, #tpu.memory_space<vmem>> -> memref<128xi32, #tpu.memory_space<vmem>>
        %dma_start3A_113 = arith.constant 0 : i32
        %dma_start3A_114 = arith.constant 0 : i32
        %dma_start3A_115 = tpu.memref_slice %arg15[%dma_start3A_113, %dma_start3A_114] : memref<10112x128xf32, #tpu.memory_space<vmem_shared>> -> memref<10112x128xf32, #tpu.memory_space<vmem_shared>>
        tpu.enqueue_indirect_dma source(%arg10 : memref<128x128xf32, #tpu.memory_space<vmem>>) target(%dma_start3A_115 : memref<10112x128xf32, #tpu.memory_space<vmem_shared>>) offsets(%dma_start3A_112 : memref<128xi32, #tpu.memory_space<vmem>>) semaphore(%arg14 : memref<!tpu.dma_semaphore, #tpu.memory_space<semaphore_mem>>) {add = true}
        %sub3A_116 = arith.constant 2 : i32
        %sub3A_117 = arith.subi %mul3A_76, %sub3A_116 : i32
        %add3A_118 = arith.constant 0 : i32
        %add3A_119 = arith.addi %sub3A_117, %add3A_118 : i32
        %dma_wait3A_120 = arith.constant 0 : i32
        %dma_wait3A_121 = tpu.memref_slice %arg8[%add3A_119, %dma_wait3A_120] : memref<40x128xi32, #tpu.memory_space<vmem>> -> memref<1x128xi32, #tpu.memory_space<vmem>>
        %dma_wait3A_122 = tpu.memref_squeeze %dma_wait3A_121 : memref<1x128xi32, #tpu.memory_space<vmem>> -> memref<128xi32, #tpu.memory_space<vmem>>
        %dma_wait3A_123 = arith.constant 0 : i32
        %dma_wait3A_124 = arith.constant 0 : i32
        %dma_wait3A_125 = tpu.memref_slice %arg15[%dma_wait3A_123, %dma_wait3A_124] : memref<10112x128xf32, #tpu.memory_space<vmem_shared>> -> memref<10112x128xf32, #tpu.memory_space<vmem_shared>>
        tpu.wait_indirect_dma semaphore(%arg13 : memref<!tpu.dma_semaphore, #tpu.memory_space<semaphore_mem>>) src(%arg9 : memref<128x128xf32, #tpu.memory_space<vmem>>) dst(%dma_wait3A_125 : memref<10112x128xf32, #tpu.memory_space<vmem_shared>>)
        %add3A_126 = arith.constant 0 : i32
        %add3A_127 = arith.addi %mul3A_76, %add3A_126 : i32
        %dma_start3A_128 = arith.constant 0 : i32
        %dma_start3A_129 = tpu.memref_slice %arg7[%add3A_127, %dma_start3A_128] : memref<40x128xi32, #tpu.memory_space<vmem>> -> memref<1x128xi32, #tpu.memory_space<vmem>>
        %dma_start3A_130 = tpu.memref_squeeze %dma_start3A_129 : memref<1x128xi32, #tpu.memory_space<vmem>> -> memref<128xi32, #tpu.memory_space<vmem>>
        %dma_start3A_131 = arith.constant 0 : i32
        %dma_start3A_132 = arith.constant 0 : i32
        %dma_start3A_133 = tpu.memref_slice %arg2[%dma_start3A_131, %dma_start3A_132] : memref<20000x128xf32, #tpu.memory_space<hbm>> -> memref<20000x128xf32, #tpu.memory_space<hbm>>
        tpu.enqueue_indirect_dma source(%dma_start3A_133 : memref<20000x128xf32, #tpu.memory_space<hbm>>) target(%arg9 : memref<128x128xf32, #tpu.memory_space<vmem>>) offsets(%dma_start3A_130 : memref<128xi32, #tpu.memory_space<vmem>>) semaphore(%arg11 : memref<!tpu.dma_semaphore, #tpu.memory_space<semaphore_mem>>)
        %sub3A_134 = arith.constant 2 : i32
        %sub3A_135 = arith.subi %mul3A_76, %sub3A_134 : i32
        %add3A_136 = arith.constant 1 : i32
        %add3A_137 = arith.addi %sub3A_135, %add3A_136 : i32
        %dma_wait3A_138 = arith.constant 0 : i32
        %dma_wait3A_139 = tpu.memref_slice %arg8[%add3A_137, %dma_wait3A_138] : memref<40x128xi32, #tpu.memory_space<vmem>> -> memref<1x128xi32, #tpu.memory_space<vmem>>
        %dma_wait3A_140 = tpu.memref_squeeze %dma_wait3A_139 : memref<1x128xi32, #tpu.memory_space<vmem>> -> memref<128xi32, #tpu.memory_space<vmem>>
        %dma_wait3A_141 = arith.constant 0 : i32
        %dma_wait3A_142 = arith.constant 0 : i32
        %dma_wait3A_143 = tpu.memref_slice %arg15[%dma_wait3A_141, %dma_wait3A_142] : memref<10112x128xf32, #tpu.memory_space<vmem_shared>> -> memref<10112x128xf32, #tpu.memory_space<vmem_shared>>
        tpu.wait_indirect_dma semaphore(%arg14 : memref<!tpu.dma_semaphore, #tpu.memory_space<semaphore_mem>>) src(%arg10 : memref<128x128xf32, #tpu.memory_space<vmem>>) dst(%dma_wait3A_143 : memref<10112x128xf32, #tpu.memory_space<vmem_shared>>)
        %add3A_144 = arith.constant 1 : i32
        %add3A_145 = arith.addi %mul3A_76, %add3A_144 : i32
        %dma_start3A_146 = arith.constant 0 : i32
        %dma_start3A_147 = tpu.memref_slice %arg7[%add3A_145, %dma_start3A_146] : memref<40x128xi32, #tpu.memory_space<vmem>> -> memref<1x128xi32, #tpu.memory_space<vmem>>
        %dma_start3A_148 = tpu.memref_squeeze %dma_start3A_147 : memref<1x128xi32, #tpu.memory_space<vmem>> -> memref<128xi32, #tpu.memory_space<vmem>>
        %dma_start3A_149 = arith.constant 0 : i32
        %dma_start3A_150 = arith.constant 0 : i32
        %dma_start3A_151 = tpu.memref_slice %arg2[%dma_start3A_149, %dma_start3A_150] : memref<20000x128xf32, #tpu.memory_space<hbm>> -> memref<20000x128xf32, #tpu.memory_space<hbm>>
        tpu.enqueue_indirect_dma source(%dma_start3A_151 : memref<20000x128xf32, #tpu.memory_space<hbm>>) target(%arg10 : memref<128x128xf32, #tpu.memory_space<vmem>>) offsets(%dma_start3A_148 : memref<128xi32, #tpu.memory_space<vmem>>) semaphore(%arg12 : memref<!tpu.dma_semaphore, #tpu.memory_space<semaphore_mem>>)
      }
      %scan3A_28 = arith.constant 19 : i32
      %dma_wait3A = arith.constant 38 : i32
      %dma_wait3A_29 = arith.constant 0 : i32
      %dma_wait3A_30 = tpu.memref_slice %arg7[%dma_wait3A, %dma_wait3A_29] : memref<40x128xi32, #tpu.memory_space<vmem>> -> memref<1x128xi32, #tpu.memory_space<vmem>>
      %dma_wait3A_31 = tpu.memref_squeeze %dma_wait3A_30 : memref<1x128xi32, #tpu.memory_space<vmem>> -> memref<128xi32, #tpu.memory_space<vmem>>
      %dma_wait3A_32 = arith.constant 0 : i32
      %dma_wait3A_33 = arith.constant 0 : i32
      %dma_wait3A_34 = tpu.memref_slice %arg2[%dma_wait3A_32, %dma_wait3A_33] : memref<20000x128xf32, #tpu.memory_space<hbm>> -> memref<20000x128xf32, #tpu.memory_space<hbm>>
      tpu.wait_indirect_dma semaphore(%arg11 : memref<!tpu.dma_semaphore, #tpu.memory_space<semaphore_mem>>) src(%dma_wait3A_34 : memref<20000x128xf32, #tpu.memory_space<hbm>>) dst(%arg9 : memref<128x128xf32, #tpu.memory_space<vmem>>)
      %dma_start3A_35 = arith.constant 38 : i32
      %dma_start3A_36 = arith.constant 0 : i32
      %dma_start3A_37 = tpu.memref_slice %arg8[%dma_start3A_35, %dma_start3A_36] : memref<40x128xi32, #tpu.memory_space<vmem>> -> memref<1x128xi32, #tpu.memory_space<vmem>>
      %dma_start3A_38 = tpu.memref_squeeze %dma_start3A_37 : memref<1x128xi32, #tpu.memory_space<vmem>> -> memref<128xi32, #tpu.memory_space<vmem>>
      %dma_start3A_39 = arith.constant 0 : i32
      %dma_start3A_40 = arith.constant 0 : i32
      %dma_start3A_41 = tpu.memref_slice %arg15[%dma_start3A_39, %dma_start3A_40] : memref<10112x128xf32, #tpu.memory_space<vmem_shared>> -> memref<10112x128xf32, #tpu.memory_space<vmem_shared>>
      tpu.enqueue_indirect_dma source(%arg9 : memref<128x128xf32, #tpu.memory_space<vmem>>) target(%dma_start3A_41 : memref<10112x128xf32, #tpu.memory_space<vmem_shared>>) offsets(%dma_start3A_38 : memref<128xi32, #tpu.memory_space<vmem>>) semaphore(%arg13 : memref<!tpu.dma_semaphore, #tpu.memory_space<semaphore_mem>>) {add = true}
      %dma_wait3A_42 = arith.constant 39 : i32
      %dma_wait3A_43 = arith.constant 0 : i32
      %dma_wait3A_44 = tpu.memref_slice %arg7[%dma_wait3A_42, %dma_wait3A_43] : memref<40x128xi32, #tpu.memory_space<vmem>> -> memref<1x128xi32, #tpu.memory_space<vmem>>
      %dma_wait3A_45 = tpu.memref_squeeze %dma_wait3A_44 : memref<1x128xi32, #tpu.memory_space<vmem>> -> memref<128xi32, #tpu.memory_space<vmem>>
      %dma_wait3A_46 = arith.constant 0 : i32
      %dma_wait3A_47 = arith.constant 0 : i32
      %dma_wait3A_48 = tpu.memref_slice %arg2[%dma_wait3A_46, %dma_wait3A_47] : memref<20000x128xf32, #tpu.memory_space<hbm>> -> memref<20000x128xf32, #tpu.memory_space<hbm>>
      tpu.wait_indirect_dma semaphore(%arg12 : memref<!tpu.dma_semaphore, #tpu.memory_space<semaphore_mem>>) src(%dma_wait3A_48 : memref<20000x128xf32, #tpu.memory_space<hbm>>) dst(%arg10 : memref<128x128xf32, #tpu.memory_space<vmem>>)
      %dma_start3A_49 = arith.constant 39 : i32
      %dma_start3A_50 = arith.constant 0 : i32
      %dma_start3A_51 = tpu.memref_slice %arg8[%dma_start3A_49, %dma_start3A_50] : memref<40x128xi32, #tpu.memory_space<vmem>> -> memref<1x128xi32, #tpu.memory_space<vmem>>
      %dma_start3A_52 = tpu.memref_squeeze %dma_start3A_51 : memref<1x128xi32, #tpu.memory_space<vmem>> -> memref<128xi32, #tpu.memory_space<vmem>>
      %dma_start3A_53 = arith.constant 0 : i32
      %dma_start3A_54 = arith.constant 0 : i32
      %dma_start3A_55 = tpu.memref_slice %arg15[%dma_start3A_53, %dma_start3A_54] : memref<10112x128xf32, #tpu.memory_space<vmem_shared>> -> memref<10112x128xf32, #tpu.memory_space<vmem_shared>>
      tpu.enqueue_indirect_dma source(%arg10 : memref<128x128xf32, #tpu.memory_space<vmem>>) target(%dma_start3A_55 : memref<10112x128xf32, #tpu.memory_space<vmem_shared>>) offsets(%dma_start3A_52 : memref<128xi32, #tpu.memory_space<vmem>>) semaphore(%arg14 : memref<!tpu.dma_semaphore, #tpu.memory_space<semaphore_mem>>) {add = true}
      %dma_wait3A_56 = arith.constant 38 : i32
      %dma_wait3A_57 = arith.constant 0 : i32
      %dma_wait3A_58 = tpu.memref_slice %arg8[%dma_wait3A_56, %dma_wait3A_57] : memref<40x128xi32, #tpu.memory_space<vmem>> -> memref<1x128xi32, #tpu.memory_space<vmem>>
      %dma_wait3A_59 = tpu.memref_squeeze %dma_wait3A_58 : memref<1x128xi32, #tpu.memory_space<vmem>> -> memref<128xi32, #tpu.memory_space<vmem>>
      %dma_wait3A_60 = arith.constant 0 : i32
      %dma_wait3A_61 = arith.constant 0 : i32
      %dma_wait3A_62 = tpu.memref_slice %arg15[%dma_wait3A_60, %dma_wait3A_61] : memref<10112x128xf32, #tpu.memory_space<vmem_shared>> -> memref<10112x128xf32, #tpu.memory_space<vmem_shared>>
      tpu.wait_indirect_dma semaphore(%arg13 : memref<!tpu.dma_semaphore, #tpu.memory_space<semaphore_mem>>) src(%arg9 : memref<128x128xf32, #tpu.memory_space<vmem>>) dst(%dma_wait3A_62 : memref<10112x128xf32, #tpu.memory_space<vmem_shared>>)
      %dma_wait3A_63 = arith.constant 39 : i32
      %dma_wait3A_64 = arith.constant 0 : i32
      %dma_wait3A_65 = tpu.memref_slice %arg8[%dma_wait3A_63, %dma_wait3A_64] : memref<40x128xi32, #tpu.memory_space<vmem>> -> memref<1x128xi32, #tpu.memory_space<vmem>>
      %dma_wait3A_66 = tpu.memref_squeeze %dma_wait3A_65 : memref<1x128xi32, #tpu.memory_space<vmem>> -> memref<128xi32, #tpu.memory_space<vmem>>
      %dma_wait3A_67 = arith.constant 0 : i32
      %dma_wait3A_68 = arith.constant 0 : i32
      %dma_wait3A_69 = tpu.memref_slice %arg15[%dma_wait3A_67, %dma_wait3A_68] : memref<10112x128xf32, #tpu.memory_space<vmem_shared>> -> memref<10112x128xf32, #tpu.memory_space<vmem_shared>>
      tpu.wait_indirect_dma semaphore(%arg14 : memref<!tpu.dma_semaphore, #tpu.memory_space<semaphore_mem>>) src(%arg10 : memref<128x128xf32, #tpu.memory_space<vmem>>) dst(%dma_wait3A_69 : memref<10112x128xf32, #tpu.memory_space<vmem_shared>>)
    } else {
    }
    %barrier3A = arith.constant 0 : index
    tpu.barrier barrier_id(%barrier3A)
    "tpu.region"() ({
      %run_scoped3A = tpu.sem_alloc : memref<!tpu.dma_semaphore, #tpu.memory_space<semaphore_mem>>
      %dma_start3A = arith.constant 0 : i32
      %dma_start3A_8 = tpu.memref_slice %arg6[%arg0, %mul3A_0, %dma_start3A] : memref<2x10112x128xf32, #tpu.memory_space<hbm>> -> memref<1x632x128xf32, #tpu.memory_space<hbm>>
      %dma_start3A_9 = tpu.memref_squeeze %dma_start3A_8 : memref<1x632x128xf32, #tpu.memory_space<hbm>> -> memref<632x128xf32, #tpu.memory_space<hbm>>
      %dma_start3A_10 = arith.constant 0 : i32
      %dma_start3A_11 = tpu.memref_slice %arg15[%mul3A_0, %dma_start3A_10] : memref<10112x128xf32, #tpu.memory_space<vmem_shared>> -> memref<632x128xf32, #tpu.memory_space<vmem_shared>>
      tpu.enqueue_dma source(%dma_start3A_11 : memref<632x128xf32, #tpu.memory_space<vmem_shared>>) target(%dma_start3A_9 : memref<632x128xf32, #tpu.memory_space<hbm>>) target_semaphore(%run_scoped3A : memref<!tpu.dma_semaphore, #tpu.memory_space<semaphore_mem>>)
      %dma_wait3A = arith.constant 0 : i32
      %dma_wait3A_12 = tpu.memref_slice %arg6[%arg0, %mul3A_0, %dma_wait3A] : memref<2x10112x128xf32, #tpu.memory_space<hbm>> -> memref<1x632x128xf32, #tpu.memory_space<hbm>>
      %dma_wait3A_13 = tpu.memref_squeeze %dma_wait3A_12 : memref<1x632x128xf32, #tpu.memory_space<hbm>> -> memref<632x128xf32, #tpu.memory_space<hbm>>
      %dma_wait3A_14 = arith.constant 0 : i32
      %dma_wait3A_15 = tpu.memref_slice %arg15[%mul3A_0, %dma_wait3A_14] : memref<10112x128xf32, #tpu.memory_space<vmem_shared>> -> memref<632x128xf32, #tpu.memory_space<vmem_shared>>
      tpu.wait_dma2 semaphore(%run_scoped3A : memref<!tpu.dma_semaphore, #tpu.memory_space<semaphore_mem>>) src(%dma_wait3A_15 : memref<632x128xf32, #tpu.memory_space<vmem_shared>>) dst(%dma_wait3A_13 : memref<632x128xf32, #tpu.memory_space<hbm>>)
      tpu.yield
    }) : () -> ()
    return
  }
}

#map = affine_map<(d0, d1) -> (0, 0)>
#map1 = affine_map<(d0, d1) -> (0, 0, 0)>
module attributes {stable_mosaic.version = 14 : i64} {
  func.func @edge_kernel(%arg0: i32, %arg1: i32, %arg2: memref<20000x128xf32, #tpu.memory_space<hbm>>, %arg3: memref<1280x128xi32, #tpu.memory_space<hbm>>, %arg4: memref<1280x128xi32, #tpu.memory_space<hbm>>, %arg5: memref<10112x128xf32, #tpu.memory_space<hbm>>, %arg6: memref<2x10112x128xf32, #tpu.memory_space<hbm>>, %arg7: memref<40x128xi32, #tpu.memory_space<vmem>>, %arg8: memref<40x128xi32, #tpu.memory_space<vmem>>, %arg9: memref<128x128xf32, #tpu.memory_space<vmem>>, %arg10: memref<128x128xf32, #tpu.memory_space<vmem>>, %arg11: memref<!tpu.dma_semaphore, #tpu.memory_space<semaphore_mem>>, %arg12: memref<!tpu.dma_semaphore, #tpu.memory_space<semaphore_mem>>, %arg13: memref<!tpu.dma_semaphore, #tpu.memory_space<semaphore_mem>>, %arg14: memref<!tpu.dma_semaphore, #tpu.memory_space<semaphore_mem>>, %arg15: memref<10112x128xf32, #tpu.memory_space<vmem_shared>>) attributes {dimension_semantics = [#tpu.dimension_semantics<core_parallel>, #tpu.dimension_semantics<subcore_parallel>], iteration_bounds = array<i64: 2, 16>, scalar_prefetch = 0 : i64, scratch_operands = 9 : i64, tpu.core_type = #tpu.core_type<sc_vector_subcore>, window_params = [{transform_indices = #map}, {transform_indices = #map}, {transform_indices = #map}, {transform_indices = #map}, {transform_indices = #map1}]} {
    %mul3A = arith.constant 632 : i32
    %mul3A_0 = arith.muli %arg1, %mul3A : i32
    "tpu.region"() ({
      %run_scoped3A = tpu.sem_alloc : memref<!tpu.dma_semaphore, #tpu.memory_space<semaphore_mem>>
      %dma_start3A = arith.constant 0 : i32
      %dma_start3A_8 = tpu.memref_slice %arg15[%mul3A_0, %dma_start3A] : memref<10112x128xf32, #tpu.memory_space<vmem_shared>> -> memref<632x128xf32, #tpu.memory_space<vmem_shared>>
      %dma_start3A_9 = arith.constant 0 : i32
      %dma_start3A_10 = tpu.memref_slice %arg5[%mul3A_0, %dma_start3A_9] : memref<10112x128xf32, #tpu.memory_space<hbm>> -> memref<632x128xf32, #tpu.memory_space<hbm>>
      tpu.enqueue_dma source(%dma_start3A_10 : memref<632x128xf32, #tpu.memory_space<hbm>>) target(%dma_start3A_8 : memref<632x128xf32, #tpu.memory_space<vmem_shared>>) target_semaphore(%run_scoped3A : memref<!tpu.dma_semaphore, #tpu.memory_space<semaphore_mem>>)
      %dma_wait3A = arith.constant 0 : i32
      %dma_wait3A_11 = tpu.memref_slice %arg15[%mul3A_0, %dma_wait3A] : memref<10112x128xf32, #tpu.memory_space<vmem_shared>> -> memref<632x128xf32, #tpu.memory_space<vmem_shared>>
      %dma_wait3A_12 = arith.constant 0 : i32
      %dma_wait3A_13 = tpu.memref_slice %arg5[%mul3A_0, %dma_wait3A_12] : memref<10112x128xf32, #tpu.memory_space<hbm>> -> memref<632x128xf32, #tpu.memory_space<hbm>>
      tpu.wait_dma2 semaphore(%run_scoped3A : memref<!tpu.dma_semaphore, #tpu.memory_space<semaphore_mem>>) src(%dma_wait3A_13 : memref<632x128xf32, #tpu.memory_space<hbm>>) dst(%dma_wait3A_11 : memref<632x128xf32, #tpu.memory_space<vmem_shared>>)
      tpu.yield
    }) : () -> ()
    %eq3A = arith.constant 0 : i32
    %eq3A_1 = arith.cmpi eq, %arg0, %eq3A : i32
    %convert_element_type3A = arith.extui %eq3A_1 : i1 to i32
    %cond3A = arith.constant 0 : i32
    %cond3A_2 = arith.cmpi ne, %convert_element_type3A, %cond3A : i32
    scf.if %cond3A_2 {
      %mul3A_8 = arith.constant 40 : i32
      %mul3A_9 = arith.muli %arg1, %mul3A_8 : i32
      "tpu.region"() ({
        %run_scoped3A = tpu.sem_alloc : memref<!tpu.dma_semaphore, #tpu.memory_space<semaphore_mem>>
        %dma_start3A_69 = arith.constant 0 : i32
        %dma_start3A_70 = arith.constant 0 : i32
        %dma_start3A_71 = tpu.memref_slice %arg7[%dma_start3A_69, %dma_start3A_70] : memref<40x128xi32, #tpu.memory_space<vmem>> -> memref<40x128xi32, #tpu.memory_space<vmem>>
        %dma_start3A_72 = arith.constant 0 : i32
        %dma_start3A_73 = tpu.memref_slice %arg3[%mul3A_9, %dma_start3A_72] : memref<1280x128xi32, #tpu.memory_space<hbm>> -> memref<40x128xi32, #tpu.memory_space<hbm>>
        %dma_start3A_74 = arith.constant 0 : i32
        %dma_start3A_75 = arith.constant 0 : i32
        %dma_start3A_76 = tpu.memref_slice %arg7[%dma_start3A_74, %dma_start3A_75] : memref<40x128xi32, #tpu.memory_space<vmem>> -> memref<40x128xi32, #tpu.memory_space<vmem>>
        %dma_start3A_77 = arith.constant 0 : i32
        %dma_start3A_78 = tpu.memref_slice %arg3[%mul3A_9, %dma_start3A_77] : memref<1280x128xi32, #tpu.memory_space<hbm>> -> memref<40x128xi32, #tpu.memory_space<hbm>>
        tpu.enqueue_dma source(%dma_start3A_78 : memref<40x128xi32, #tpu.memory_space<hbm>>) target(%dma_start3A_76 : memref<40x128xi32, #tpu.memory_space<vmem>>) target_semaphore(%run_scoped3A : memref<!tpu.dma_semaphore, #tpu.memory_space<semaphore_mem>>)
        %dma_wait3A_79 = arith.constant 0 : i32
        %dma_wait3A_80 = arith.constant 0 : i32
        %dma_wait3A_81 = tpu.memref_slice %arg7[%dma_wait3A_79, %dma_wait3A_80] : memref<40x128xi32, #tpu.memory_space<vmem>> -> memref<40x128xi32, #tpu.memory_space<vmem>>
        %dma_wait3A_82 = arith.constant 0 : i32
        %dma_wait3A_83 = tpu.memref_slice %arg3[%mul3A_9, %dma_wait3A_82] : memref<1280x128xi32, #tpu.memory_space<hbm>> -> memref<40x128xi32, #tpu.memory_space<hbm>>
        %dma_wait3A_84 = arith.constant 0 : i32
        %dma_wait3A_85 = arith.constant 0 : i32
        %dma_wait3A_86 = tpu.memref_slice %arg7[%dma_wait3A_84, %dma_wait3A_85] : memref<40x128xi32, #tpu.memory_space<vmem>> -> memref<40x128xi32, #tpu.memory_space<vmem>>
        %dma_wait3A_87 = arith.constant 0 : i32
        %dma_wait3A_88 = tpu.memref_slice %arg3[%mul3A_9, %dma_wait3A_87] : memref<1280x128xi32, #tpu.memory_space<hbm>> -> memref<40x128xi32, #tpu.memory_space<hbm>>
        tpu.wait_dma2 semaphore(%run_scoped3A : memref<!tpu.dma_semaphore, #tpu.memory_space<semaphore_mem>>) src(%dma_wait3A_88 : memref<40x128xi32, #tpu.memory_space<hbm>>) dst(%dma_wait3A_86 : memref<40x128xi32, #tpu.memory_space<vmem>>)
        tpu.yield
      }) : () -> ()
      "tpu.region"() ({
        %run_scoped3A = tpu.sem_alloc : memref<!tpu.dma_semaphore, #tpu.memory_space<semaphore_mem>>
        %dma_start3A_69 = arith.constant 0 : i32
        %dma_start3A_70 = arith.constant 0 : i32
        %dma_start3A_71 = tpu.memref_slice %arg8[%dma_start3A_69, %dma_start3A_70] : memref<40x128xi32, #tpu.memory_space<vmem>> -> memref<40x128xi32, #tpu.memory_space<vmem>>
        %dma_start3A_72 = arith.constant 0 : i32
        %dma_start3A_73 = tpu.memref_slice %arg4[%mul3A_9, %dma_start3A_72] : memref<1280x128xi32, #tpu.memory_space<hbm>> -> memref<40x128xi32, #tpu.memory_space<hbm>>
        %dma_start3A_74 = arith.constant 0 : i32
        %dma_start3A_75 = arith.constant 0 : i32
        %dma_start3A_76 = tpu.memref_slice %arg8[%dma_start3A_74, %dma_start3A_75] : memref<40x128xi32, #tpu.memory_space<vmem>> -> memref<40x128xi32, #tpu.memory_space<vmem>>
        %dma_start3A_77 = arith.constant 0 : i32
        %dma_start3A_78 = tpu.memref_slice %arg4[%mul3A_9, %dma_start3A_77] : memref<1280x128xi32, #tpu.memory_space<hbm>> -> memref<40x128xi32, #tpu.memory_space<hbm>>
        tpu.enqueue_dma source(%dma_start3A_78 : memref<40x128xi32, #tpu.memory_space<hbm>>) target(%dma_start3A_76 : memref<40x128xi32, #tpu.memory_space<vmem>>) target_semaphore(%run_scoped3A : memref<!tpu.dma_semaphore, #tpu.memory_space<semaphore_mem>>)
        %dma_wait3A_79 = arith.constant 0 : i32
        %dma_wait3A_80 = arith.constant 0 : i32
        %dma_wait3A_81 = tpu.memref_slice %arg8[%dma_wait3A_79, %dma_wait3A_80] : memref<40x128xi32, #tpu.memory_space<vmem>> -> memref<40x128xi32, #tpu.memory_space<vmem>>
        %dma_wait3A_82 = arith.constant 0 : i32
        %dma_wait3A_83 = tpu.memref_slice %arg4[%mul3A_9, %dma_wait3A_82] : memref<1280x128xi32, #tpu.memory_space<hbm>> -> memref<40x128xi32, #tpu.memory_space<hbm>>
        %dma_wait3A_84 = arith.constant 0 : i32
        %dma_wait3A_85 = arith.constant 0 : i32
        %dma_wait3A_86 = tpu.memref_slice %arg8[%dma_wait3A_84, %dma_wait3A_85] : memref<40x128xi32, #tpu.memory_space<vmem>> -> memref<40x128xi32, #tpu.memory_space<vmem>>
        %dma_wait3A_87 = arith.constant 0 : i32
        %dma_wait3A_88 = tpu.memref_slice %arg4[%mul3A_9, %dma_wait3A_87] : memref<1280x128xi32, #tpu.memory_space<hbm>> -> memref<40x128xi32, #tpu.memory_space<hbm>>
        tpu.wait_dma2 semaphore(%run_scoped3A : memref<!tpu.dma_semaphore, #tpu.memory_space<semaphore_mem>>) src(%dma_wait3A_88 : memref<40x128xi32, #tpu.memory_space<hbm>>) dst(%dma_wait3A_86 : memref<40x128xi32, #tpu.memory_space<vmem>>)
        tpu.yield
      }) : () -> ()
      %barrier3A_10 = arith.constant 0 : index
      tpu.barrier barrier_id(%barrier3A_10)
      %dma_start3A = arith.constant 0 : i32
      %dma_start3A_11 = arith.constant 0 : i32
      %dma_start3A_12 = tpu.memref_slice %arg7[%dma_start3A, %dma_start3A_11] : memref<40x128xi32, #tpu.memory_space<vmem>> -> memref<1x128xi32, #tpu.memory_space<vmem>>
      %dma_start3A_13 = tpu.memref_squeeze %dma_start3A_12 : memref<1x128xi32, #tpu.memory_space<vmem>> -> memref<128xi32, #tpu.memory_space<vmem>>
      %dma_start3A_14 = arith.constant 0 : i32
      %dma_start3A_15 = arith.constant 0 : i32
      %dma_start3A_16 = tpu.memref_slice %arg2[%dma_start3A_14, %dma_start3A_15] : memref<20000x128xf32, #tpu.memory_space<hbm>> -> memref<20000x128xf32, #tpu.memory_space<hbm>>
      tpu.enqueue_indirect_dma source(%dma_start3A_16 : memref<20000x128xf32, #tpu.memory_space<hbm>>) target(%arg9 : memref<128x128xf32, #tpu.memory_space<vmem>>) offsets(%dma_start3A_13 : memref<128xi32, #tpu.memory_space<vmem>>) semaphore(%arg11 : memref<!tpu.dma_semaphore, #tpu.memory_space<semaphore_mem>>)
      %dma_start3A_17 = arith.constant 1 : i32
      %dma_start3A_18 = arith.constant 0 : i32
      %dma_start3A_19 = tpu.memref_slice %arg7[%dma_start3A_17, %dma_start3A_18] : memref<40x128xi32, #tpu.memory_space<vmem>> -> memref<1x128xi32, #tpu.memory_space<vmem>>
      %dma_start3A_20 = tpu.memref_squeeze %dma_start3A_19 : memref<1x128xi32, #tpu.memory_space<vmem>> -> memref<128xi32, #tpu.memory_space<vmem>>
      %dma_start3A_21 = arith.constant 0 : i32
      %dma_start3A_22 = arith.constant 0 : i32
      %dma_start3A_23 = tpu.memref_slice %arg2[%dma_start3A_21, %dma_start3A_22] : memref<20000x128xf32, #tpu.memory_space<hbm>> -> memref<20000x128xf32, #tpu.memory_space<hbm>>
      tpu.enqueue_indirect_dma source(%dma_start3A_23 : memref<20000x128xf32, #tpu.memory_space<hbm>>) target(%arg10 : memref<128x128xf32, #tpu.memory_space<vmem>>) offsets(%dma_start3A_20 : memref<128xi32, #tpu.memory_space<vmem>>) semaphore(%arg12 : memref<!tpu.dma_semaphore, #tpu.memory_space<semaphore_mem>>)
      %scan3A = arith.constant 0 : i32
      %scan3A_24 = arith.constant 19 : i32
      %scan3A_25 = arith.addi %scan3A, %scan3A_24 : i32
      %scan3A_26 = arith.constant 1 : i32
      scf.for %scan3A_69 = %scan3A to %scan3A_25 step %scan3A_26  : i32 {
        %mul3A_70 = arith.constant 1 : i32
        %mul3A_71 = arith.muli %scan3A_69, %mul3A_70 : i32
        %add3A = arith.constant 1 : i32
        %add3A_72 = arith.addi %add3A, %mul3A_71 : i32
        %mul3A_73 = arith.constant 2 : i32
        %mul3A_74 = arith.muli %add3A_72, %mul3A_73 : i32
        %sub3A = arith.constant 2 : i32
        %sub3A_75 = arith.subi %mul3A_74, %sub3A : i32
        %add3A_76 = arith.constant 0 : i32
        %add3A_77 = arith.addi %sub3A_75, %add3A_76 : i32
        %dma_wait3A_78 = arith.constant 0 : i32
        %dma_wait3A_79 = tpu.memref_slice %arg7[%add3A_77, %dma_wait3A_78] : memref<40x128xi32, #tpu.memory_space<vmem>> -> memref<1x128xi32, #tpu.memory_space<vmem>>
        %dma_wait3A_80 = tpu.memref_squeeze %dma_wait3A_79 : memref<1x128xi32, #tpu.memory_space<vmem>> -> memref<128xi32, #tpu.memory_space<vmem>>
        %dma_wait3A_81 = arith.constant 0 : i32
        %dma_wait3A_82 = arith.constant 0 : i32
        %dma_wait3A_83 = tpu.memref_slice %arg2[%dma_wait3A_81, %dma_wait3A_82] : memref<20000x128xf32, #tpu.memory_space<hbm>> -> memref<20000x128xf32, #tpu.memory_space<hbm>>
        tpu.wait_indirect_dma semaphore(%arg11 : memref<!tpu.dma_semaphore, #tpu.memory_space<semaphore_mem>>) src(%dma_wait3A_83 : memref<20000x128xf32, #tpu.memory_space<hbm>>) dst(%arg9 : memref<128x128xf32, #tpu.memory_space<vmem>>)
        %sub3A_84 = arith.constant 2 : i32
        %sub3A_85 = arith.subi %mul3A_74, %sub3A_84 : i32
        %add3A_86 = arith.constant 0 : i32
        %add3A_87 = arith.addi %sub3A_85, %add3A_86 : i32
        %dma_start3A_88 = arith.constant 0 : i32
        %dma_start3A_89 = tpu.memref_slice %arg8[%add3A_87, %dma_start3A_88] : memref<40x128xi32, #tpu.memory_space<vmem>> -> memref<1x128xi32, #tpu.memory_space<vmem>>
        %dma_start3A_90 = tpu.memref_squeeze %dma_start3A_89 : memref<1x128xi32, #tpu.memory_space<vmem>> -> memref<128xi32, #tpu.memory_space<vmem>>
        %dma_start3A_91 = arith.constant 0 : i32
        %dma_start3A_92 = arith.constant 0 : i32
        %dma_start3A_93 = tpu.memref_slice %arg15[%dma_start3A_91, %dma_start3A_92] : memref<10112x128xf32, #tpu.memory_space<vmem_shared>> -> memref<10112x128xf32, #tpu.memory_space<vmem_shared>>
        tpu.enqueue_indirect_dma source(%arg9 : memref<128x128xf32, #tpu.memory_space<vmem>>) target(%dma_start3A_93 : memref<10112x128xf32, #tpu.memory_space<vmem_shared>>) offsets(%dma_start3A_90 : memref<128xi32, #tpu.memory_space<vmem>>) semaphore(%arg13 : memref<!tpu.dma_semaphore, #tpu.memory_space<semaphore_mem>>) {add = true}
        %sub3A_94 = arith.constant 2 : i32
        %sub3A_95 = arith.subi %mul3A_74, %sub3A_94 : i32
        %add3A_96 = arith.constant 1 : i32
        %add3A_97 = arith.addi %sub3A_95, %add3A_96 : i32
        %dma_wait3A_98 = arith.constant 0 : i32
        %dma_wait3A_99 = tpu.memref_slice %arg7[%add3A_97, %dma_wait3A_98] : memref<40x128xi32, #tpu.memory_space<vmem>> -> memref<1x128xi32, #tpu.memory_space<vmem>>
        %dma_wait3A_100 = tpu.memref_squeeze %dma_wait3A_99 : memref<1x128xi32, #tpu.memory_space<vmem>> -> memref<128xi32, #tpu.memory_space<vmem>>
        %dma_wait3A_101 = arith.constant 0 : i32
        %dma_wait3A_102 = arith.constant 0 : i32
        %dma_wait3A_103 = tpu.memref_slice %arg2[%dma_wait3A_101, %dma_wait3A_102] : memref<20000x128xf32, #tpu.memory_space<hbm>> -> memref<20000x128xf32, #tpu.memory_space<hbm>>
        tpu.wait_indirect_dma semaphore(%arg12 : memref<!tpu.dma_semaphore, #tpu.memory_space<semaphore_mem>>) src(%dma_wait3A_103 : memref<20000x128xf32, #tpu.memory_space<hbm>>) dst(%arg10 : memref<128x128xf32, #tpu.memory_space<vmem>>)
        %sub3A_104 = arith.constant 2 : i32
        %sub3A_105 = arith.subi %mul3A_74, %sub3A_104 : i32
        %add3A_106 = arith.constant 1 : i32
        %add3A_107 = arith.addi %sub3A_105, %add3A_106 : i32
        %dma_start3A_108 = arith.constant 0 : i32
        %dma_start3A_109 = tpu.memref_slice %arg8[%add3A_107, %dma_start3A_108] : memref<40x128xi32, #tpu.memory_space<vmem>> -> memref<1x128xi32, #tpu.memory_space<vmem>>
        %dma_start3A_110 = tpu.memref_squeeze %dma_start3A_109 : memref<1x128xi32, #tpu.memory_space<vmem>> -> memref<128xi32, #tpu.memory_space<vmem>>
        %dma_start3A_111 = arith.constant 0 : i32
        %dma_start3A_112 = arith.constant 0 : i32
        %dma_start3A_113 = tpu.memref_slice %arg15[%dma_start3A_111, %dma_start3A_112] : memref<10112x128xf32, #tpu.memory_space<vmem_shared>> -> memref<10112x128xf32, #tpu.memory_space<vmem_shared>>
        tpu.enqueue_indirect_dma source(%arg10 : memref<128x128xf32, #tpu.memory_space<vmem>>) target(%dma_start3A_113 : memref<10112x128xf32, #tpu.memory_space<vmem_shared>>) offsets(%dma_start3A_110 : memref<128xi32, #tpu.memory_space<vmem>>) semaphore(%arg14 : memref<!tpu.dma_semaphore, #tpu.memory_space<semaphore_mem>>) {add = true}
        %sub3A_114 = arith.constant 2 : i32
        %sub3A_115 = arith.subi %mul3A_74, %sub3A_114 : i32
        %add3A_116 = arith.constant 0 : i32
        %add3A_117 = arith.addi %sub3A_115, %add3A_116 : i32
        %dma_wait3A_118 = arith.constant 0 : i32
        %dma_wait3A_119 = tpu.memref_slice %arg8[%add3A_117, %dma_wait3A_118] : memref<40x128xi32, #tpu.memory_space<vmem>> -> memref<1x128xi32, #tpu.memory_space<vmem>>
        %dma_wait3A_120 = tpu.memref_squeeze %dma_wait3A_119 : memref<1x128xi32, #tpu.memory_space<vmem>> -> memref<128xi32, #tpu.memory_space<vmem>>
        %dma_wait3A_121 = arith.constant 0 : i32
        %dma_wait3A_122 = arith.constant 0 : i32
        %dma_wait3A_123 = tpu.memref_slice %arg15[%dma_wait3A_121, %dma_wait3A_122] : memref<10112x128xf32, #tpu.memory_space<vmem_shared>> -> memref<10112x128xf32, #tpu.memory_space<vmem_shared>>
        tpu.wait_indirect_dma semaphore(%arg13 : memref<!tpu.dma_semaphore, #tpu.memory_space<semaphore_mem>>) src(%arg9 : memref<128x128xf32, #tpu.memory_space<vmem>>) dst(%dma_wait3A_123 : memref<10112x128xf32, #tpu.memory_space<vmem_shared>>)
        %add3A_124 = arith.constant 0 : i32
        %add3A_125 = arith.addi %mul3A_74, %add3A_124 : i32
        %dma_start3A_126 = arith.constant 0 : i32
        %dma_start3A_127 = tpu.memref_slice %arg7[%add3A_125, %dma_start3A_126] : memref<40x128xi32, #tpu.memory_space<vmem>> -> memref<1x128xi32, #tpu.memory_space<vmem>>
        %dma_start3A_128 = tpu.memref_squeeze %dma_start3A_127 : memref<1x128xi32, #tpu.memory_space<vmem>> -> memref<128xi32, #tpu.memory_space<vmem>>
        %dma_start3A_129 = arith.constant 0 : i32
        %dma_start3A_130 = arith.constant 0 : i32
        %dma_start3A_131 = tpu.memref_slice %arg2[%dma_start3A_129, %dma_start3A_130] : memref<20000x128xf32, #tpu.memory_space<hbm>> -> memref<20000x128xf32, #tpu.memory_space<hbm>>
        tpu.enqueue_indirect_dma source(%dma_start3A_131 : memref<20000x128xf32, #tpu.memory_space<hbm>>) target(%arg9 : memref<128x128xf32, #tpu.memory_space<vmem>>) offsets(%dma_start3A_128 : memref<128xi32, #tpu.memory_space<vmem>>) semaphore(%arg11 : memref<!tpu.dma_semaphore, #tpu.memory_space<semaphore_mem>>)
        %sub3A_132 = arith.constant 2 : i32
        %sub3A_133 = arith.subi %mul3A_74, %sub3A_132 : i32
        %add3A_134 = arith.constant 1 : i32
        %add3A_135 = arith.addi %sub3A_133, %add3A_134 : i32
        %dma_wait3A_136 = arith.constant 0 : i32
        %dma_wait3A_137 = tpu.memref_slice %arg8[%add3A_135, %dma_wait3A_136] : memref<40x128xi32, #tpu.memory_space<vmem>> -> memref<1x128xi32, #tpu.memory_space<vmem>>
        %dma_wait3A_138 = tpu.memref_squeeze %dma_wait3A_137 : memref<1x128xi32, #tpu.memory_space<vmem>> -> memref<128xi32, #tpu.memory_space<vmem>>
        %dma_wait3A_139 = arith.constant 0 : i32
        %dma_wait3A_140 = arith.constant 0 : i32
        %dma_wait3A_141 = tpu.memref_slice %arg15[%dma_wait3A_139, %dma_wait3A_140] : memref<10112x128xf32, #tpu.memory_space<vmem_shared>> -> memref<10112x128xf32, #tpu.memory_space<vmem_shared>>
        tpu.wait_indirect_dma semaphore(%arg14 : memref<!tpu.dma_semaphore, #tpu.memory_space<semaphore_mem>>) src(%arg10 : memref<128x128xf32, #tpu.memory_space<vmem>>) dst(%dma_wait3A_141 : memref<10112x128xf32, #tpu.memory_space<vmem_shared>>)
        %add3A_142 = arith.constant 1 : i32
        %add3A_143 = arith.addi %mul3A_74, %add3A_142 : i32
        %dma_start3A_144 = arith.constant 0 : i32
        %dma_start3A_145 = tpu.memref_slice %arg7[%add3A_143, %dma_start3A_144] : memref<40x128xi32, #tpu.memory_space<vmem>> -> memref<1x128xi32, #tpu.memory_space<vmem>>
        %dma_start3A_146 = tpu.memref_squeeze %dma_start3A_145 : memref<1x128xi32, #tpu.memory_space<vmem>> -> memref<128xi32, #tpu.memory_space<vmem>>
        %dma_start3A_147 = arith.constant 0 : i32
        %dma_start3A_148 = arith.constant 0 : i32
        %dma_start3A_149 = tpu.memref_slice %arg2[%dma_start3A_147, %dma_start3A_148] : memref<20000x128xf32, #tpu.memory_space<hbm>> -> memref<20000x128xf32, #tpu.memory_space<hbm>>
        tpu.enqueue_indirect_dma source(%dma_start3A_149 : memref<20000x128xf32, #tpu.memory_space<hbm>>) target(%arg10 : memref<128x128xf32, #tpu.memory_space<vmem>>) offsets(%dma_start3A_146 : memref<128xi32, #tpu.memory_space<vmem>>) semaphore(%arg12 : memref<!tpu.dma_semaphore, #tpu.memory_space<semaphore_mem>>)
      }
      %scan3A_27 = arith.constant 19 : i32
      %dma_wait3A = arith.constant 38 : i32
      %dma_wait3A_28 = arith.constant 0 : i32
      %dma_wait3A_29 = tpu.memref_slice %arg7[%dma_wait3A, %dma_wait3A_28] : memref<40x128xi32, #tpu.memory_space<vmem>> -> memref<1x128xi32, #tpu.memory_space<vmem>>
      %dma_wait3A_30 = tpu.memref_squeeze %dma_wait3A_29 : memref<1x128xi32, #tpu.memory_space<vmem>> -> memref<128xi32, #tpu.memory_space<vmem>>
      %dma_wait3A_31 = arith.constant 0 : i32
      %dma_wait3A_32 = arith.constant 0 : i32
      %dma_wait3A_33 = tpu.memref_slice %arg2[%dma_wait3A_31, %dma_wait3A_32] : memref<20000x128xf32, #tpu.memory_space<hbm>> -> memref<20000x128xf32, #tpu.memory_space<hbm>>
      tpu.wait_indirect_dma semaphore(%arg11 : memref<!tpu.dma_semaphore, #tpu.memory_space<semaphore_mem>>) src(%dma_wait3A_33 : memref<20000x128xf32, #tpu.memory_space<hbm>>) dst(%arg9 : memref<128x128xf32, #tpu.memory_space<vmem>>)
      %dma_start3A_34 = arith.constant 38 : i32
      %dma_start3A_35 = arith.constant 0 : i32
      %dma_start3A_36 = tpu.memref_slice %arg8[%dma_start3A_34, %dma_start3A_35] : memref<40x128xi32, #tpu.memory_space<vmem>> -> memref<1x128xi32, #tpu.memory_space<vmem>>
      %dma_start3A_37 = tpu.memref_squeeze %dma_start3A_36 : memref<1x128xi32, #tpu.memory_space<vmem>> -> memref<128xi32, #tpu.memory_space<vmem>>
      %dma_start3A_38 = arith.constant 0 : i32
      %dma_start3A_39 = arith.constant 0 : i32
      %dma_start3A_40 = tpu.memref_slice %arg15[%dma_start3A_38, %dma_start3A_39] : memref<10112x128xf32, #tpu.memory_space<vmem_shared>> -> memref<10112x128xf32, #tpu.memory_space<vmem_shared>>
      tpu.enqueue_indirect_dma source(%arg9 : memref<128x128xf32, #tpu.memory_space<vmem>>) target(%dma_start3A_40 : memref<10112x128xf32, #tpu.memory_space<vmem_shared>>) offsets(%dma_start3A_37 : memref<128xi32, #tpu.memory_space<vmem>>) semaphore(%arg13 : memref<!tpu.dma_semaphore, #tpu.memory_space<semaphore_mem>>) {add = true}
      %dma_wait3A_41 = arith.constant 39 : i32
      %dma_wait3A_42 = arith.constant 0 : i32
      %dma_wait3A_43 = tpu.memref_slice %arg7[%dma_wait3A_41, %dma_wait3A_42] : memref<40x128xi32, #tpu.memory_space<vmem>> -> memref<1x128xi32, #tpu.memory_space<vmem>>
      %dma_wait3A_44 = tpu.memref_squeeze %dma_wait3A_43 : memref<1x128xi32, #tpu.memory_space<vmem>> -> memref<128xi32, #tpu.memory_space<vmem>>
      %dma_wait3A_45 = arith.constant 0 : i32
      %dma_wait3A_46 = arith.constant 0 : i32
      %dma_wait3A_47 = tpu.memref_slice %arg2[%dma_wait3A_45, %dma_wait3A_46] : memref<20000x128xf32, #tpu.memory_space<hbm>> -> memref<20000x128xf32, #tpu.memory_space<hbm>>
      tpu.wait_indirect_dma semaphore(%arg12 : memref<!tpu.dma_semaphore, #tpu.memory_space<semaphore_mem>>) src(%dma_wait3A_47 : memref<20000x128xf32, #tpu.memory_space<hbm>>) dst(%arg10 : memref<128x128xf32, #tpu.memory_space<vmem>>)
      %dma_start3A_48 = arith.constant 39 : i32
      %dma_start3A_49 = arith.constant 0 : i32
      %dma_start3A_50 = tpu.memref_slice %arg8[%dma_start3A_48, %dma_start3A_49] : memref<40x128xi32, #tpu.memory_space<vmem>> -> memref<1x128xi32, #tpu.memory_space<vmem>>
      %dma_start3A_51 = tpu.memref_squeeze %dma_start3A_50 : memref<1x128xi32, #tpu.memory_space<vmem>> -> memref<128xi32, #tpu.memory_space<vmem>>
      %dma_start3A_52 = arith.constant 0 : i32
      %dma_start3A_53 = arith.constant 0 : i32
      %dma_start3A_54 = tpu.memref_slice %arg15[%dma_start3A_52, %dma_start3A_53] : memref<10112x128xf32, #tpu.memory_space<vmem_shared>> -> memref<10112x128xf32, #tpu.memory_space<vmem_shared>>
      tpu.enqueue_indirect_dma source(%arg10 : memref<128x128xf32, #tpu.memory_space<vmem>>) target(%dma_start3A_54 : memref<10112x128xf32, #tpu.memory_space<vmem_shared>>) offsets(%dma_start3A_51 : memref<128xi32, #tpu.memory_space<vmem>>) semaphore(%arg14 : memref<!tpu.dma_semaphore, #tpu.memory_space<semaphore_mem>>) {add = true}
      %dma_wait3A_55 = arith.constant 38 : i32
      %dma_wait3A_56 = arith.constant 0 : i32
      %dma_wait3A_57 = tpu.memref_slice %arg8[%dma_wait3A_55, %dma_wait3A_56] : memref<40x128xi32, #tpu.memory_space<vmem>> -> memref<1x128xi32, #tpu.memory_space<vmem>>
      %dma_wait3A_58 = tpu.memref_squeeze %dma_wait3A_57 : memref<1x128xi32, #tpu.memory_space<vmem>> -> memref<128xi32, #tpu.memory_space<vmem>>
      %dma_wait3A_59 = arith.constant 0 : i32
      %dma_wait3A_60 = arith.constant 0 : i32
      %dma_wait3A_61 = tpu.memref_slice %arg15[%dma_wait3A_59, %dma_wait3A_60] : memref<10112x128xf32, #tpu.memory_space<vmem_shared>> -> memref<10112x128xf32, #tpu.memory_space<vmem_shared>>
      tpu.wait_indirect_dma semaphore(%arg13 : memref<!tpu.dma_semaphore, #tpu.memory_space<semaphore_mem>>) src(%arg9 : memref<128x128xf32, #tpu.memory_space<vmem>>) dst(%dma_wait3A_61 : memref<10112x128xf32, #tpu.memory_space<vmem_shared>>)
      %dma_wait3A_62 = arith.constant 39 : i32
      %dma_wait3A_63 = arith.constant 0 : i32
      %dma_wait3A_64 = tpu.memref_slice %arg8[%dma_wait3A_62, %dma_wait3A_63] : memref<40x128xi32, #tpu.memory_space<vmem>> -> memref<1x128xi32, #tpu.memory_space<vmem>>
      %dma_wait3A_65 = tpu.memref_squeeze %dma_wait3A_64 : memref<1x128xi32, #tpu.memory_space<vmem>> -> memref<128xi32, #tpu.memory_space<vmem>>
      %dma_wait3A_66 = arith.constant 0 : i32
      %dma_wait3A_67 = arith.constant 0 : i32
      %dma_wait3A_68 = tpu.memref_slice %arg15[%dma_wait3A_66, %dma_wait3A_67] : memref<10112x128xf32, #tpu.memory_space<vmem_shared>> -> memref<10112x128xf32, #tpu.memory_space<vmem_shared>>
      tpu.wait_indirect_dma semaphore(%arg14 : memref<!tpu.dma_semaphore, #tpu.memory_space<semaphore_mem>>) src(%arg10 : memref<128x128xf32, #tpu.memory_space<vmem>>) dst(%dma_wait3A_68 : memref<10112x128xf32, #tpu.memory_space<vmem_shared>>)
    } else {
    }
    %eq3A_3 = arith.constant 1 : i32
    %eq3A_4 = arith.cmpi eq, %arg0, %eq3A_3 : i32
    %convert_element_type3A_5 = arith.extui %eq3A_4 : i1 to i32
    %cond3A_6 = arith.constant 0 : i32
    %cond3A_7 = arith.cmpi ne, %convert_element_type3A_5, %cond3A_6 : i32
    scf.if %cond3A_7 {
      %mul3A_8 = arith.constant 40 : i32
      %mul3A_9 = arith.muli %arg1, %mul3A_8 : i32
      %add3A = arith.constant 640 : i32
      %add3A_10 = arith.addi %add3A, %mul3A_9 : i32
      "tpu.region"() ({
        %run_scoped3A = tpu.sem_alloc : memref<!tpu.dma_semaphore, #tpu.memory_space<semaphore_mem>>
        %dma_start3A_70 = arith.constant 0 : i32
        %dma_start3A_71 = arith.constant 0 : i32
        %dma_start3A_72 = tpu.memref_slice %arg7[%dma_start3A_70, %dma_start3A_71] : memref<40x128xi32, #tpu.memory_space<vmem>> -> memref<40x128xi32, #tpu.memory_space<vmem>>
        %dma_start3A_73 = arith.constant 0 : i32
        %dma_start3A_74 = tpu.memref_slice %arg3[%add3A_10, %dma_start3A_73] : memref<1280x128xi32, #tpu.memory_space<hbm>> -> memref<40x128xi32, #tpu.memory_space<hbm>>
        %dma_start3A_75 = arith.constant 0 : i32
        %dma_start3A_76 = arith.constant 0 : i32
        %dma_start3A_77 = tpu.memref_slice %arg7[%dma_start3A_75, %dma_start3A_76] : memref<40x128xi32, #tpu.memory_space<vmem>> -> memref<40x128xi32, #tpu.memory_space<vmem>>
        %dma_start3A_78 = arith.constant 0 : i32
        %dma_start3A_79 = tpu.memref_slice %arg3[%add3A_10, %dma_start3A_78] : memref<1280x128xi32, #tpu.memory_space<hbm>> -> memref<40x128xi32, #tpu.memory_space<hbm>>
        tpu.enqueue_dma source(%dma_start3A_79 : memref<40x128xi32, #tpu.memory_space<hbm>>) target(%dma_start3A_77 : memref<40x128xi32, #tpu.memory_space<vmem>>) target_semaphore(%run_scoped3A : memref<!tpu.dma_semaphore, #tpu.memory_space<semaphore_mem>>)
        %dma_wait3A_80 = arith.constant 0 : i32
        %dma_wait3A_81 = arith.constant 0 : i32
        %dma_wait3A_82 = tpu.memref_slice %arg7[%dma_wait3A_80, %dma_wait3A_81] : memref<40x128xi32, #tpu.memory_space<vmem>> -> memref<40x128xi32, #tpu.memory_space<vmem>>
        %dma_wait3A_83 = arith.constant 0 : i32
        %dma_wait3A_84 = tpu.memref_slice %arg3[%add3A_10, %dma_wait3A_83] : memref<1280x128xi32, #tpu.memory_space<hbm>> -> memref<40x128xi32, #tpu.memory_space<hbm>>
        %dma_wait3A_85 = arith.constant 0 : i32
        %dma_wait3A_86 = arith.constant 0 : i32
        %dma_wait3A_87 = tpu.memref_slice %arg7[%dma_wait3A_85, %dma_wait3A_86] : memref<40x128xi32, #tpu.memory_space<vmem>> -> memref<40x128xi32, #tpu.memory_space<vmem>>
        %dma_wait3A_88 = arith.constant 0 : i32
        %dma_wait3A_89 = tpu.memref_slice %arg3[%add3A_10, %dma_wait3A_88] : memref<1280x128xi32, #tpu.memory_space<hbm>> -> memref<40x128xi32, #tpu.memory_space<hbm>>
        tpu.wait_dma2 semaphore(%run_scoped3A : memref<!tpu.dma_semaphore, #tpu.memory_space<semaphore_mem>>) src(%dma_wait3A_89 : memref<40x128xi32, #tpu.memory_space<hbm>>) dst(%dma_wait3A_87 : memref<40x128xi32, #tpu.memory_space<vmem>>)
        tpu.yield
      }) : () -> ()
      "tpu.region"() ({
        %run_scoped3A = tpu.sem_alloc : memref<!tpu.dma_semaphore, #tpu.memory_space<semaphore_mem>>
        %dma_start3A_70 = arith.constant 0 : i32
        %dma_start3A_71 = arith.constant 0 : i32
        %dma_start3A_72 = tpu.memref_slice %arg8[%dma_start3A_70, %dma_start3A_71] : memref<40x128xi32, #tpu.memory_space<vmem>> -> memref<40x128xi32, #tpu.memory_space<vmem>>
        %dma_start3A_73 = arith.constant 0 : i32
        %dma_start3A_74 = tpu.memref_slice %arg4[%add3A_10, %dma_start3A_73] : memref<1280x128xi32, #tpu.memory_space<hbm>> -> memref<40x128xi32, #tpu.memory_space<hbm>>
        %dma_start3A_75 = arith.constant 0 : i32
        %dma_start3A_76 = arith.constant 0 : i32
        %dma_start3A_77 = tpu.memref_slice %arg8[%dma_start3A_75, %dma_start3A_76] : memref<40x128xi32, #tpu.memory_space<vmem>> -> memref<40x128xi32, #tpu.memory_space<vmem>>
        %dma_start3A_78 = arith.constant 0 : i32
        %dma_start3A_79 = tpu.memref_slice %arg4[%add3A_10, %dma_start3A_78] : memref<1280x128xi32, #tpu.memory_space<hbm>> -> memref<40x128xi32, #tpu.memory_space<hbm>>
        tpu.enqueue_dma source(%dma_start3A_79 : memref<40x128xi32, #tpu.memory_space<hbm>>) target(%dma_start3A_77 : memref<40x128xi32, #tpu.memory_space<vmem>>) target_semaphore(%run_scoped3A : memref<!tpu.dma_semaphore, #tpu.memory_space<semaphore_mem>>)
        %dma_wait3A_80 = arith.constant 0 : i32
        %dma_wait3A_81 = arith.constant 0 : i32
        %dma_wait3A_82 = tpu.memref_slice %arg8[%dma_wait3A_80, %dma_wait3A_81] : memref<40x128xi32, #tpu.memory_space<vmem>> -> memref<40x128xi32, #tpu.memory_space<vmem>>
        %dma_wait3A_83 = arith.constant 0 : i32
        %dma_wait3A_84 = tpu.memref_slice %arg4[%add3A_10, %dma_wait3A_83] : memref<1280x128xi32, #tpu.memory_space<hbm>> -> memref<40x128xi32, #tpu.memory_space<hbm>>
        %dma_wait3A_85 = arith.constant 0 : i32
        %dma_wait3A_86 = arith.constant 0 : i32
        %dma_wait3A_87 = tpu.memref_slice %arg8[%dma_wait3A_85, %dma_wait3A_86] : memref<40x128xi32, #tpu.memory_space<vmem>> -> memref<40x128xi32, #tpu.memory_space<vmem>>
        %dma_wait3A_88 = arith.constant 0 : i32
        %dma_wait3A_89 = tpu.memref_slice %arg4[%add3A_10, %dma_wait3A_88] : memref<1280x128xi32, #tpu.memory_space<hbm>> -> memref<40x128xi32, #tpu.memory_space<hbm>>
        tpu.wait_dma2 semaphore(%run_scoped3A : memref<!tpu.dma_semaphore, #tpu.memory_space<semaphore_mem>>) src(%dma_wait3A_89 : memref<40x128xi32, #tpu.memory_space<hbm>>) dst(%dma_wait3A_87 : memref<40x128xi32, #tpu.memory_space<vmem>>)
        tpu.yield
      }) : () -> ()
      %barrier3A_11 = arith.constant 0 : index
      tpu.barrier barrier_id(%barrier3A_11)
      %dma_start3A = arith.constant 0 : i32
      %dma_start3A_12 = arith.constant 0 : i32
      %dma_start3A_13 = tpu.memref_slice %arg7[%dma_start3A, %dma_start3A_12] : memref<40x128xi32, #tpu.memory_space<vmem>> -> memref<1x128xi32, #tpu.memory_space<vmem>>
      %dma_start3A_14 = tpu.memref_squeeze %dma_start3A_13 : memref<1x128xi32, #tpu.memory_space<vmem>> -> memref<128xi32, #tpu.memory_space<vmem>>
      %dma_start3A_15 = arith.constant 0 : i32
      %dma_start3A_16 = arith.constant 0 : i32
      %dma_start3A_17 = tpu.memref_slice %arg2[%dma_start3A_15, %dma_start3A_16] : memref<20000x128xf32, #tpu.memory_space<hbm>> -> memref<20000x128xf32, #tpu.memory_space<hbm>>
      tpu.enqueue_indirect_dma source(%dma_start3A_17 : memref<20000x128xf32, #tpu.memory_space<hbm>>) target(%arg9 : memref<128x128xf32, #tpu.memory_space<vmem>>) offsets(%dma_start3A_14 : memref<128xi32, #tpu.memory_space<vmem>>) semaphore(%arg11 : memref<!tpu.dma_semaphore, #tpu.memory_space<semaphore_mem>>)
      %dma_start3A_18 = arith.constant 1 : i32
      %dma_start3A_19 = arith.constant 0 : i32
      %dma_start3A_20 = tpu.memref_slice %arg7[%dma_start3A_18, %dma_start3A_19] : memref<40x128xi32, #tpu.memory_space<vmem>> -> memref<1x128xi32, #tpu.memory_space<vmem>>
      %dma_start3A_21 = tpu.memref_squeeze %dma_start3A_20 : memref<1x128xi32, #tpu.memory_space<vmem>> -> memref<128xi32, #tpu.memory_space<vmem>>
      %dma_start3A_22 = arith.constant 0 : i32
      %dma_start3A_23 = arith.constant 0 : i32
      %dma_start3A_24 = tpu.memref_slice %arg2[%dma_start3A_22, %dma_start3A_23] : memref<20000x128xf32, #tpu.memory_space<hbm>> -> memref<20000x128xf32, #tpu.memory_space<hbm>>
      tpu.enqueue_indirect_dma source(%dma_start3A_24 : memref<20000x128xf32, #tpu.memory_space<hbm>>) target(%arg10 : memref<128x128xf32, #tpu.memory_space<vmem>>) offsets(%dma_start3A_21 : memref<128xi32, #tpu.memory_space<vmem>>) semaphore(%arg12 : memref<!tpu.dma_semaphore, #tpu.memory_space<semaphore_mem>>)
      %scan3A = arith.constant 0 : i32
      %scan3A_25 = arith.constant 19 : i32
      %scan3A_26 = arith.addi %scan3A, %scan3A_25 : i32
      %scan3A_27 = arith.constant 1 : i32
      scf.for %scan3A_70 = %scan3A to %scan3A_26 step %scan3A_27  : i32 {
        %mul3A_71 = arith.constant 1 : i32
        %mul3A_72 = arith.muli %scan3A_70, %mul3A_71 : i32
        %add3A_73 = arith.constant 1 : i32
        %add3A_74 = arith.addi %add3A_73, %mul3A_72 : i32
        %mul3A_75 = arith.constant 2 : i32
        %mul3A_76 = arith.muli %add3A_74, %mul3A_75 : i32
        %sub3A = arith.constant 2 : i32
        %sub3A_77 = arith.subi %mul3A_76, %sub3A : i32
        %add3A_78 = arith.constant 0 : i32
        %add3A_79 = arith.addi %sub3A_77, %add3A_78 : i32
        %dma_wait3A_80 = arith.constant 0 : i32
        %dma_wait3A_81 = tpu.memref_slice %arg7[%add3A_79, %dma_wait3A_80] : memref<40x128xi32, #tpu.memory_space<vmem>> -> memref<1x128xi32, #tpu.memory_space<vmem>>
        %dma_wait3A_82 = tpu.memref_squeeze %dma_wait3A_81 : memref<1x128xi32, #tpu.memory_space<vmem>> -> memref<128xi32, #tpu.memory_space<vmem>>
        %dma_wait3A_83 = arith.constant 0 : i32
        %dma_wait3A_84 = arith.constant 0 : i32
        %dma_wait3A_85 = tpu.memref_slice %arg2[%dma_wait3A_83, %dma_wait3A_84] : memref<20000x128xf32, #tpu.memory_space<hbm>> -> memref<20000x128xf32, #tpu.memory_space<hbm>>
        tpu.wait_indirect_dma semaphore(%arg11 : memref<!tpu.dma_semaphore, #tpu.memory_space<semaphore_mem>>) src(%dma_wait3A_85 : memref<20000x128xf32, #tpu.memory_space<hbm>>) dst(%arg9 : memref<128x128xf32, #tpu.memory_space<vmem>>)
        %sub3A_86 = arith.constant 2 : i32
        %sub3A_87 = arith.subi %mul3A_76, %sub3A_86 : i32
        %add3A_88 = arith.constant 0 : i32
        %add3A_89 = arith.addi %sub3A_87, %add3A_88 : i32
        %dma_start3A_90 = arith.constant 0 : i32
        %dma_start3A_91 = tpu.memref_slice %arg8[%add3A_89, %dma_start3A_90] : memref<40x128xi32, #tpu.memory_space<vmem>> -> memref<1x128xi32, #tpu.memory_space<vmem>>
        %dma_start3A_92 = tpu.memref_squeeze %dma_start3A_91 : memref<1x128xi32, #tpu.memory_space<vmem>> -> memref<128xi32, #tpu.memory_space<vmem>>
        %dma_start3A_93 = arith.constant 0 : i32
        %dma_start3A_94 = arith.constant 0 : i32
        %dma_start3A_95 = tpu.memref_slice %arg15[%dma_start3A_93, %dma_start3A_94] : memref<10112x128xf32, #tpu.memory_space<vmem_shared>> -> memref<10112x128xf32, #tpu.memory_space<vmem_shared>>
        tpu.enqueue_indirect_dma source(%arg9 : memref<128x128xf32, #tpu.memory_space<vmem>>) target(%dma_start3A_95 : memref<10112x128xf32, #tpu.memory_space<vmem_shared>>) offsets(%dma_start3A_92 : memref<128xi32, #tpu.memory_space<vmem>>) semaphore(%arg13 : memref<!tpu.dma_semaphore, #tpu.memory_space<semaphore_mem>>) {add = true}
        %sub3A_96 = arith.constant 2 : i32
        %sub3A_97 = arith.subi %mul3A_76, %sub3A_96 : i32
        %add3A_98 = arith.constant 1 : i32
        %add3A_99 = arith.addi %sub3A_97, %add3A_98 : i32
        %dma_wait3A_100 = arith.constant 0 : i32
        %dma_wait3A_101 = tpu.memref_slice %arg7[%add3A_99, %dma_wait3A_100] : memref<40x128xi32, #tpu.memory_space<vmem>> -> memref<1x128xi32, #tpu.memory_space<vmem>>
        %dma_wait3A_102 = tpu.memref_squeeze %dma_wait3A_101 : memref<1x128xi32, #tpu.memory_space<vmem>> -> memref<128xi32, #tpu.memory_space<vmem>>
        %dma_wait3A_103 = arith.constant 0 : i32
        %dma_wait3A_104 = arith.constant 0 : i32
        %dma_wait3A_105 = tpu.memref_slice %arg2[%dma_wait3A_103, %dma_wait3A_104] : memref<20000x128xf32, #tpu.memory_space<hbm>> -> memref<20000x128xf32, #tpu.memory_space<hbm>>
        tpu.wait_indirect_dma semaphore(%arg12 : memref<!tpu.dma_semaphore, #tpu.memory_space<semaphore_mem>>) src(%dma_wait3A_105 : memref<20000x128xf32, #tpu.memory_space<hbm>>) dst(%arg10 : memref<128x128xf32, #tpu.memory_space<vmem>>)
        %sub3A_106 = arith.constant 2 : i32
        %sub3A_107 = arith.subi %mul3A_76, %sub3A_106 : i32
        %add3A_108 = arith.constant 1 : i32
        %add3A_109 = arith.addi %sub3A_107, %add3A_108 : i32
        %dma_start3A_110 = arith.constant 0 : i32
        %dma_start3A_111 = tpu.memref_slice %arg8[%add3A_109, %dma_start3A_110] : memref<40x128xi32, #tpu.memory_space<vmem>> -> memref<1x128xi32, #tpu.memory_space<vmem>>
        %dma_start3A_112 = tpu.memref_squeeze %dma_start3A_111 : memref<1x128xi32, #tpu.memory_space<vmem>> -> memref<128xi32, #tpu.memory_space<vmem>>
        %dma_start3A_113 = arith.constant 0 : i32
        %dma_start3A_114 = arith.constant 0 : i32
        %dma_start3A_115 = tpu.memref_slice %arg15[%dma_start3A_113, %dma_start3A_114] : memref<10112x128xf32, #tpu.memory_space<vmem_shared>> -> memref<10112x128xf32, #tpu.memory_space<vmem_shared>>
        tpu.enqueue_indirect_dma source(%arg10 : memref<128x128xf32, #tpu.memory_space<vmem>>) target(%dma_start3A_115 : memref<10112x128xf32, #tpu.memory_space<vmem_shared>>) offsets(%dma_start3A_112 : memref<128xi32, #tpu.memory_space<vmem>>) semaphore(%arg14 : memref<!tpu.dma_semaphore, #tpu.memory_space<semaphore_mem>>) {add = true}
        %sub3A_116 = arith.constant 2 : i32
        %sub3A_117 = arith.subi %mul3A_76, %sub3A_116 : i32
        %add3A_118 = arith.constant 0 : i32
        %add3A_119 = arith.addi %sub3A_117, %add3A_118 : i32
        %dma_wait3A_120 = arith.constant 0 : i32
        %dma_wait3A_121 = tpu.memref_slice %arg8[%add3A_119, %dma_wait3A_120] : memref<40x128xi32, #tpu.memory_space<vmem>> -> memref<1x128xi32, #tpu.memory_space<vmem>>
        %dma_wait3A_122 = tpu.memref_squeeze %dma_wait3A_121 : memref<1x128xi32, #tpu.memory_space<vmem>> -> memref<128xi32, #tpu.memory_space<vmem>>
        %dma_wait3A_123 = arith.constant 0 : i32
        %dma_wait3A_124 = arith.constant 0 : i32
        %dma_wait3A_125 = tpu.memref_slice %arg15[%dma_wait3A_123, %dma_wait3A_124] : memref<10112x128xf32, #tpu.memory_space<vmem_shared>> -> memref<10112x128xf32, #tpu.memory_space<vmem_shared>>
        tpu.wait_indirect_dma semaphore(%arg13 : memref<!tpu.dma_semaphore, #tpu.memory_space<semaphore_mem>>) src(%arg9 : memref<128x128xf32, #tpu.memory_space<vmem>>) dst(%dma_wait3A_125 : memref<10112x128xf32, #tpu.memory_space<vmem_shared>>)
        %add3A_126 = arith.constant 0 : i32
        %add3A_127 = arith.addi %mul3A_76, %add3A_126 : i32
        %dma_start3A_128 = arith.constant 0 : i32
        %dma_start3A_129 = tpu.memref_slice %arg7[%add3A_127, %dma_start3A_128] : memref<40x128xi32, #tpu.memory_space<vmem>> -> memref<1x128xi32, #tpu.memory_space<vmem>>
        %dma_start3A_130 = tpu.memref_squeeze %dma_start3A_129 : memref<1x128xi32, #tpu.memory_space<vmem>> -> memref<128xi32, #tpu.memory_space<vmem>>
        %dma_start3A_131 = arith.constant 0 : i32
        %dma_start3A_132 = arith.constant 0 : i32
        %dma_start3A_133 = tpu.memref_slice %arg2[%dma_start3A_131, %dma_start3A_132] : memref<20000x128xf32, #tpu.memory_space<hbm>> -> memref<20000x128xf32, #tpu.memory_space<hbm>>
        tpu.enqueue_indirect_dma source(%dma_start3A_133 : memref<20000x128xf32, #tpu.memory_space<hbm>>) target(%arg9 : memref<128x128xf32, #tpu.memory_space<vmem>>) offsets(%dma_start3A_130 : memref<128xi32, #tpu.memory_space<vmem>>) semaphore(%arg11 : memref<!tpu.dma_semaphore, #tpu.memory_space<semaphore_mem>>)
        %sub3A_134 = arith.constant 2 : i32
        %sub3A_135 = arith.subi %mul3A_76, %sub3A_134 : i32
        %add3A_136 = arith.constant 1 : i32
        %add3A_137 = arith.addi %sub3A_135, %add3A_136 : i32
        %dma_wait3A_138 = arith.constant 0 : i32
        %dma_wait3A_139 = tpu.memref_slice %arg8[%add3A_137, %dma_wait3A_138] : memref<40x128xi32, #tpu.memory_space<vmem>> -> memref<1x128xi32, #tpu.memory_space<vmem>>
        %dma_wait3A_140 = tpu.memref_squeeze %dma_wait3A_139 : memref<1x128xi32, #tpu.memory_space<vmem>> -> memref<128xi32, #tpu.memory_space<vmem>>
        %dma_wait3A_141 = arith.constant 0 : i32
        %dma_wait3A_142 = arith.constant 0 : i32
        %dma_wait3A_143 = tpu.memref_slice %arg15[%dma_wait3A_141, %dma_wait3A_142] : memref<10112x128xf32, #tpu.memory_space<vmem_shared>> -> memref<10112x128xf32, #tpu.memory_space<vmem_shared>>
        tpu.wait_indirect_dma semaphore(%arg14 : memref<!tpu.dma_semaphore, #tpu.memory_space<semaphore_mem>>) src(%arg10 : memref<128x128xf32, #tpu.memory_space<vmem>>) dst(%dma_wait3A_143 : memref<10112x128xf32, #tpu.memory_space<vmem_shared>>)
        %add3A_144 = arith.constant 1 : i32
        %add3A_145 = arith.addi %mul3A_76, %add3A_144 : i32
        %dma_start3A_146 = arith.constant 0 : i32
        %dma_start3A_147 = tpu.memref_slice %arg7[%add3A_145, %dma_start3A_146] : memref<40x128xi32, #tpu.memory_space<vmem>> -> memref<1x128xi32, #tpu.memory_space<vmem>>
        %dma_start3A_148 = tpu.memref_squeeze %dma_start3A_147 : memref<1x128xi32, #tpu.memory_space<vmem>> -> memref<128xi32, #tpu.memory_space<vmem>>
        %dma_start3A_149 = arith.constant 0 : i32
        %dma_start3A_150 = arith.constant 0 : i32
        %dma_start3A_151 = tpu.memref_slice %arg2[%dma_start3A_149, %dma_start3A_150] : memref<20000x128xf32, #tpu.memory_space<hbm>> -> memref<20000x128xf32, #tpu.memory_space<hbm>>
        tpu.enqueue_indirect_dma source(%dma_start3A_151 : memref<20000x128xf32, #tpu.memory_space<hbm>>) target(%arg10 : memref<128x128xf32, #tpu.memory_space<vmem>>) offsets(%dma_start3A_148 : memref<128xi32, #tpu.memory_space<vmem>>) semaphore(%arg12 : memref<!tpu.dma_semaphore, #tpu.memory_space<semaphore_mem>>)
      }
      %scan3A_28 = arith.constant 19 : i32
      %dma_wait3A = arith.constant 38 : i32
      %dma_wait3A_29 = arith.constant 0 : i32
      %dma_wait3A_30 = tpu.memref_slice %arg7[%dma_wait3A, %dma_wait3A_29] : memref<40x128xi32, #tpu.memory_space<vmem>> -> memref<1x128xi32, #tpu.memory_space<vmem>>
      %dma_wait3A_31 = tpu.memref_squeeze %dma_wait3A_30 : memref<1x128xi32, #tpu.memory_space<vmem>> -> memref<128xi32, #tpu.memory_space<vmem>>
      %dma_wait3A_32 = arith.constant 0 : i32
      %dma_wait3A_33 = arith.constant 0 : i32
      %dma_wait3A_34 = tpu.memref_slice %arg2[%dma_wait3A_32, %dma_wait3A_33] : memref<20000x128xf32, #tpu.memory_space<hbm>> -> memref<20000x128xf32, #tpu.memory_space<hbm>>
      tpu.wait_indirect_dma semaphore(%arg11 : memref<!tpu.dma_semaphore, #tpu.memory_space<semaphore_mem>>) src(%dma_wait3A_34 : memref<20000x128xf32, #tpu.memory_space<hbm>>) dst(%arg9 : memref<128x128xf32, #tpu.memory_space<vmem>>)
      %dma_start3A_35 = arith.constant 38 : i32
      %dma_start3A_36 = arith.constant 0 : i32
      %dma_start3A_37 = tpu.memref_slice %arg8[%dma_start3A_35, %dma_start3A_36] : memref<40x128xi32, #tpu.memory_space<vmem>> -> memref<1x128xi32, #tpu.memory_space<vmem>>
      %dma_start3A_38 = tpu.memref_squeeze %dma_start3A_37 : memref<1x128xi32, #tpu.memory_space<vmem>> -> memref<128xi32, #tpu.memory_space<vmem>>
      %dma_start3A_39 = arith.constant 0 : i32
      %dma_start3A_40 = arith.constant 0 : i32
      %dma_start3A_41 = tpu.memref_slice %arg15[%dma_start3A_39, %dma_start3A_40] : memref<10112x128xf32, #tpu.memory_space<vmem_shared>> -> memref<10112x128xf32, #tpu.memory_space<vmem_shared>>
      tpu.enqueue_indirect_dma source(%arg9 : memref<128x128xf32, #tpu.memory_space<vmem>>) target(%dma_start3A_41 : memref<10112x128xf32, #tpu.memory_space<vmem_shared>>) offsets(%dma_start3A_38 : memref<128xi32, #tpu.memory_space<vmem>>) semaphore(%arg13 : memref<!tpu.dma_semaphore, #tpu.memory_space<semaphore_mem>>) {add = true}
      %dma_wait3A_42 = arith.constant 39 : i32
      %dma_wait3A_43 = arith.constant 0 : i32
      %dma_wait3A_44 = tpu.memref_slice %arg7[%dma_wait3A_42, %dma_wait3A_43] : memref<40x128xi32, #tpu.memory_space<vmem>> -> memref<1x128xi32, #tpu.memory_space<vmem>>
      %dma_wait3A_45 = tpu.memref_squeeze %dma_wait3A_44 : memref<1x128xi32, #tpu.memory_space<vmem>> -> memref<128xi32, #tpu.memory_space<vmem>>
      %dma_wait3A_46 = arith.constant 0 : i32
      %dma_wait3A_47 = arith.constant 0 : i32
      %dma_wait3A_48 = tpu.memref_slice %arg2[%dma_wait3A_46, %dma_wait3A_47] : memref<20000x128xf32, #tpu.memory_space<hbm>> -> memref<20000x128xf32, #tpu.memory_space<hbm>>
      tpu.wait_indirect_dma semaphore(%arg12 : memref<!tpu.dma_semaphore, #tpu.memory_space<semaphore_mem>>) src(%dma_wait3A_48 : memref<20000x128xf32, #tpu.memory_space<hbm>>) dst(%arg10 : memref<128x128xf32, #tpu.memory_space<vmem>>)
      %dma_start3A_49 = arith.constant 39 : i32
      %dma_start3A_50 = arith.constant 0 : i32
      %dma_start3A_51 = tpu.memref_slice %arg8[%dma_start3A_49, %dma_start3A_50] : memref<40x128xi32, #tpu.memory_space<vmem>> -> memref<1x128xi32, #tpu.memory_space<vmem>>
      %dma_start3A_52 = tpu.memref_squeeze %dma_start3A_51 : memref<1x128xi32, #tpu.memory_space<vmem>> -> memref<128xi32, #tpu.memory_space<vmem>>
      %dma_start3A_53 = arith.constant 0 : i32
      %dma_start3A_54 = arith.constant 0 : i32
      %dma_start3A_55 = tpu.memref_slice %arg15[%dma_start3A_53, %dma_start3A_54] : memref<10112x128xf32, #tpu.memory_space<vmem_shared>> -> memref<10112x128xf32, #tpu.memory_space<vmem_shared>>
      tpu.enqueue_indirect_dma source(%arg10 : memref<128x128xf32, #tpu.memory_space<vmem>>) target(%dma_start3A_55 : memref<10112x128xf32, #tpu.memory_space<vmem_shared>>) offsets(%dma_start3A_52 : memref<128xi32, #tpu.memory_space<vmem>>) semaphore(%arg14 : memref<!tpu.dma_semaphore, #tpu.memory_space<semaphore_mem>>) {add = true}
      %dma_wait3A_56 = arith.constant 38 : i32
      %dma_wait3A_57 = arith.constant 0 : i32
      %dma_wait3A_58 = tpu.memref_slice %arg8[%dma_wait3A_56, %dma_wait3A_57] : memref<40x128xi32, #tpu.memory_space<vmem>> -> memref<1x128xi32, #tpu.memory_space<vmem>>
      %dma_wait3A_59 = tpu.memref_squeeze %dma_wait3A_58 : memref<1x128xi32, #tpu.memory_space<vmem>> -> memref<128xi32, #tpu.memory_space<vmem>>
      %dma_wait3A_60 = arith.constant 0 : i32
      %dma_wait3A_61 = arith.constant 0 : i32
      %dma_wait3A_62 = tpu.memref_slice %arg15[%dma_wait3A_60, %dma_wait3A_61] : memref<10112x128xf32, #tpu.memory_space<vmem_shared>> -> memref<10112x128xf32, #tpu.memory_space<vmem_shared>>
      tpu.wait_indirect_dma semaphore(%arg13 : memref<!tpu.dma_semaphore, #tpu.memory_space<semaphore_mem>>) src(%arg9 : memref<128x128xf32, #tpu.memory_space<vmem>>) dst(%dma_wait3A_62 : memref<10112x128xf32, #tpu.memory_space<vmem_shared>>)
      %dma_wait3A_63 = arith.constant 39 : i32
      %dma_wait3A_64 = arith.constant 0 : i32
      %dma_wait3A_65 = tpu.memref_slice %arg8[%dma_wait3A_63, %dma_wait3A_64] : memref<40x128xi32, #tpu.memory_space<vmem>> -> memref<1x128xi32, #tpu.memory_space<vmem>>
      %dma_wait3A_66 = tpu.memref_squeeze %dma_wait3A_65 : memref<1x128xi32, #tpu.memory_space<vmem>> -> memref<128xi32, #tpu.memory_space<vmem>>
      %dma_wait3A_67 = arith.constant 0 : i32
      %dma_wait3A_68 = arith.constant 0 : i32
      %dma_wait3A_69 = tpu.memref_slice %arg15[%dma_wait3A_67, %dma_wait3A_68] : memref<10112x128xf32, #tpu.memory_space<vmem_shared>> -> memref<10112x128xf32, #tpu.memory_space<vmem_shared>>
      tpu.wait_indirect_dma semaphore(%arg14 : memref<!tpu.dma_semaphore, #tpu.memory_space<semaphore_mem>>) src(%arg10 : memref<128x128xf32, #tpu.memory_space<vmem>>) dst(%dma_wait3A_69 : memref<10112x128xf32, #tpu.memory_space<vmem_shared>>)
    } else {
    }
    %barrier3A = arith.constant 0 : index
    tpu.barrier barrier_id(%barrier3A)
    "tpu.region"() ({
      %run_scoped3A = tpu.sem_alloc : memref<!tpu.dma_semaphore, #tpu.memory_space<semaphore_mem>>
      %dma_start3A = arith.constant 0 : i32
      %dma_start3A_8 = tpu.memref_slice %arg6[%arg0, %mul3A_0, %dma_start3A] : memref<2x10112x128xf32, #tpu.memory_space<hbm>> -> memref<1x632x128xf32, #tpu.memory_space<hbm>>
      %dma_start3A_9 = tpu.memref_squeeze %dma_start3A_8 : memref<1x632x128xf32, #tpu.memory_space<hbm>> -> memref<632x128xf32, #tpu.memory_space<hbm>>
      %dma_start3A_10 = arith.constant 0 : i32
      %dma_start3A_11 = tpu.memref_slice %arg15[%mul3A_0, %dma_start3A_10] : memref<10112x128xf32, #tpu.memory_space<vmem_shared>> -> memref<632x128xf32, #tpu.memory_space<vmem_shared>>
      tpu.enqueue_dma source(%dma_start3A_11 : memref<632x128xf32, #tpu.memory_space<vmem_shared>>) target(%dma_start3A_9 : memref<632x128xf32, #tpu.memory_space<hbm>>) target_semaphore(%run_scoped3A : memref<!tpu.dma_semaphore, #tpu.memory_space<semaphore_mem>>)
      %dma_wait3A = arith.constant 0 : i32
      %dma_wait3A_12 = tpu.memref_slice %arg6[%arg0, %mul3A_0, %dma_wait3A] : memref<2x10112x128xf32, #tpu.memory_space<hbm>> -> memref<1x632x128xf32, #tpu.memory_space<hbm>>
      %dma_wait3A_13 = tpu.memref_squeeze %dma_wait3A_12 : memref<1x632x128xf32, #tpu.memory_space<hbm>> -> memref<632x128xf32, #tpu.memory_space<hbm>>
      %dma_wait3A_14 = arith.constant 0 : i32
      %dma_wait3A_15 = tpu.memref_slice %arg15[%mul3A_0, %dma_wait3A_14] : memref<10112x128xf32, #tpu.memory_space<vmem_shared>> -> memref<632x128xf32, #tpu.memory_space<vmem_shared>>
      tpu.wait_dma2 semaphore(%run_scoped3A : memref<!tpu.dma_semaphore, #tpu.memory_space<semaphore_mem>>) src(%dma_wait3A_15 : memref<632x128xf32, #tpu.memory_space<vmem_shared>>) dst(%dma_wait3A_13 : memref<632x128xf32, #tpu.memory_space<hbm>>)
      tpu.yield
    }) : () -> ()
    return
  }
}

module attributes {stable_mosaic.version = 14 : i64} {
  func.func @body(%arg0: i32, %arg1: memref<2000x128xf32, #tpu.memory_space<vmem>>, %arg2: memref<128x128xf32, #tpu.memory_space<vmem>>, %arg3: memref<1x128xf32, #tpu.memory_space<vmem>>, %arg4: memref<2000x128xf32, #tpu.memory_space<vmem>>) attributes {dimension_semantics = [#tpu.dimension_semantics<arbitrary>], iteration_bounds = array<i64: 5>, scalar_prefetch = 0 : i64, scratch_operands = 0 : i64, tpu.core_type = #tpu.core_type<tc>, window_params = [{transform_indices = @transform_0, window_bounds = array<i64: 2000, 128>}, {pipeline_mode = #tpu.pipeline_mode<synchronous>, transform_indices = @transform_1, window_bounds = array<i64: 128, 128>}, {pipeline_mode = #tpu.pipeline_mode<synchronous>, transform_indices = @transform_2, window_bounds = array<i64: 1, 128>}, {transform_indices = @transform_3, window_bounds = array<i64: 2000, 128>}]} {
    %get3A = arith.constant 0 : index
    %get3A_0 = arith.constant 0 : index
    %get3A_1 = vector.load %arg1[%get3A, %get3A_0] : memref<2000x128xf32, #tpu.memory_space<vmem>>, vector<2000x128xf32>
    %get3A_2 = arith.constant 0 : index
    %get3A_3 = arith.constant 0 : index
    %get3A_4 = vector.load %arg2[%get3A_2, %get3A_3] : memref<128x128xf32, #tpu.memory_space<vmem>>, vector<128x128xf32>
    %dot_general3A = arith.constant dense<0.000000e+00> : vector<2000x128xf32>
    %dot_general3A_5 = tpu.matmul %get3A_1, %get3A_4, %dot_general3A {dimension_numbers = #tpu.dot_dimension_numbers<[1], [0], [0], [1], [0, 0, 1, 1], [], []>, transpose_lhs_hint = false} : vector<2000x128xf32>, vector<128x128xf32>, vector<2000x128xf32> -> vector<2000x128xf32>
    %get3A_6 = arith.constant 0 : index
    %get3A_7 = arith.constant 0 : index
    %get3A_8 = vector.load %arg3[%get3A_6, %get3A_7] : memref<1x128xf32, #tpu.memory_space<vmem>>, vector<1x128xf32>
    %add3A = vector.broadcast %get3A_8 : vector<1x128xf32> to vector<2000x128xf32>
    %add3A_9 = arith.addf %dot_general3A_5, %add3A : vector<2000x128xf32>
    %max3A = arith.constant 0.000000e+00 : f32
    %max3A_10 = vector.broadcast %max3A : f32 to vector<2000x128xf32>
    %max3A_11 = arith.maximumf %add3A_9, %max3A_10 : vector<2000x128xf32>
    %swap3A = arith.constant 0 : index
    %swap3A_12 = arith.constant 0 : index
    %swap3A_13 = vector.load %arg4[%swap3A, %swap3A_12] : memref<2000x128xf32, #tpu.memory_space<vmem>>, vector<2000x128xf32>
    tpu.vector_store %arg4[%swap3A, %swap3A_12], %max3A_11 {strides = array<i32>} : memref<2000x128xf32, #tpu.memory_space<vmem>>, vector<2000x128xf32>,
    return
  }
  func.func @transform_0(%arg0: i32) -> (i32, i32) {
    %c0_i32 = arith.constant 0 : i32
    %c0_i32_0 = arith.constant 0 : i32
    return %arg0, %c0_i32 : i32, i32
  }
  func.func @transform_1(%arg0: i32) -> (i32, i32) {
    %c0_i32 = arith.constant 0 : i32
    %c0_i32_0 = arith.constant 0 : i32
    %c0_i32_1 = arith.constant 0 : i32
    return %c0_i32, %c0_i32_0 : i32, i32
  }
  func.func @transform_2(%arg0: i32) -> (i32, i32) {
    %c0_i32 = arith.constant 0 : i32
    %c0_i32_0 = arith.constant 0 : i32
    %c0_i32_1 = arith.constant 0 : i32
    return %c0_i32, %c0_i32_0 : i32, i32
  }
  func.func @transform_3(%arg0: i32) -> (i32, i32) {
    %c0_i32 = arith.constant 0 : i32
    %c0_i32_0 = arith.constant 0 : i32
    return %arg0, %c0_i32 : i32, i32
  }
}

module attributes {stable_mosaic.version = 14 : i64} {
  func.func @body(%arg0: i32, %arg1: memref<2000x128xf32, #tpu.memory_space<vmem>>, %arg2: memref<128x128xf32, #tpu.memory_space<vmem>>, %arg3: memref<2000x16xf32, #tpu.memory_space<vmem>>, %arg4: memref<2000x16xf32, #tpu.memory_space<vmem>>, %arg5: memref<2x2000x128xf32, #tpu.memory_space<vmem>>) attributes {dimension_semantics = [#tpu.dimension_semantics<arbitrary>], iteration_bounds = array<i64: 5>, scalar_prefetch = 0 : i64, scratch_operands = 0 : i64, tpu.core_type = #tpu.core_type<tc>, window_params = [{transform_indices = @transform_0, window_bounds = array<i64: 2000, 128>}, {pipeline_mode = #tpu.pipeline_mode<synchronous>, transform_indices = @transform_1, window_bounds = array<i64: 128, 128>}, {transform_indices = @transform_2, window_bounds = array<i64: 2000, 16>}, {transform_indices = @transform_3, window_bounds = array<i64: 2000, 16>}, {transform_indices = @transform_4, window_bounds = array<i64: 2, 2000, 128>}]} {
    %get3A = arith.constant 0 : index
    %get3A_0 = arith.constant 0 : index
    %get3A_1 = vector.load %arg3[%get3A, %get3A_0] : memref<2000x16xf32, #tpu.memory_space<vmem>>, vector<2000x1xf32>
    %get3A_2 = arith.constant 0 : index
    %get3A_3 = arith.constant 0 : index
    %get3A_4 = vector.load %arg4[%get3A_2, %get3A_3] : memref<2000x16xf32, #tpu.memory_space<vmem>>, vector<2000x1xf32>
    %add3A = arith.addf %get3A_1, %get3A_4 : vector<2000x1xf32>
    %add3A_5 = arith.constant 1.000000e+00 : f32
    %add3A_6 = vector.broadcast %add3A_5 : f32 to vector<2000x1xf32>
    %add3A_7 = arith.addf %add3A, %add3A_6 : vector<2000x1xf32>
    %rsqrt3A = math.rsqrt %add3A_7 : vector<2000x1xf32>
    %get3A_8 = arith.constant 0 : index
    %get3A_9 = arith.constant 0 : index
    %get3A_10 = vector.load %arg1[%get3A_8, %get3A_9] : memref<2000x128xf32, #tpu.memory_space<vmem>>, vector<2000x128xf32>
    %get3A_11 = arith.constant 0 : index
    %get3A_12 = arith.constant 0 : index
    %get3A_13 = vector.load %arg2[%get3A_11, %get3A_12] : memref<128x128xf32, #tpu.memory_space<vmem>>, vector<128x128xf32>
    %dot_general3A = arith.constant dense<0.000000e+00> : vector<2000x128xf32>
    %dot_general3A_14 = tpu.matmul %get3A_10, %get3A_13, %dot_general3A {dimension_numbers = #tpu.dot_dimension_numbers<[1], [0], [0], [1], [0, 0, 1, 1], [], []>, transpose_lhs_hint = false} : vector<2000x128xf32>, vector<128x128xf32>, vector<2000x128xf32> -> vector<2000x128xf32>
    %mul3A = vector.broadcast %rsqrt3A : vector<2000x1xf32> to vector<2000x128xf32>
    %mul3A_15 = arith.mulf %mul3A, %dot_general3A_14 : vector<2000x128xf32>
    %swap3A = arith.constant 0 : index
    %swap3A_16 = arith.constant 0 : index
    %swap3A_17 = arith.constant 0 : index
    %swap3A_18 = vector.load %arg5[%swap3A, %swap3A_16, %swap3A_17] : memref<2x2000x128xf32, #tpu.memory_space<vmem>>, vector<1x2000x128xf32>
    %swap3A_19 = vector.shape_cast %swap3A_18 : vector<1x2000x128xf32> to vector<2000x128xf32>
    %swap3A_20 = vector.shape_cast %mul3A_15 : vector<2000x128xf32> to vector<1x2000x128xf32>
    tpu.vector_store %arg5[%swap3A, %swap3A_16, %swap3A_17], %swap3A_20 {strides = array<i32>} : memref<2x2000x128xf32, #tpu.memory_space<vmem>>, vector<1x2000x128xf32>,
    %swap3A_21 = arith.constant 1 : index
    %swap3A_22 = arith.constant 0 : index
    %swap3A_23 = arith.constant 0 : index
    %swap3A_24 = vector.load %arg5[%swap3A_21, %swap3A_22, %swap3A_23] : memref<2x2000x128xf32, #tpu.memory_space<vmem>>, vector<1x2000x128xf32>
    %swap3A_25 = vector.shape_cast %swap3A_24 : vector<1x2000x128xf32> to vector<2000x128xf32>
    %swap3A_26 = vector.shape_cast %mul3A_15 : vector<2000x128xf32> to vector<1x2000x128xf32>
    tpu.vector_store %arg5[%swap3A_21, %swap3A_22, %swap3A_23], %swap3A_26 {strides = array<i32>} : memref<2x2000x128xf32, #tpu.memory_space<vmem>>, vector<1x2000x128xf32>,
    return
  }
  func.func @transform_0(%arg0: i32) -> (i32, i32) {
    %c0_i32 = arith.constant 0 : i32
    %c0_i32_0 = arith.constant 0 : i32
    return %arg0, %c0_i32 : i32, i32
  }
  func.func @transform_1(%arg0: i32) -> (i32, i32) {
    %c0_i32 = arith.constant 0 : i32
    %c0_i32_0 = arith.constant 0 : i32
    %c0_i32_1 = arith.constant 0 : i32
    return %c0_i32, %c0_i32_0 : i32, i32
  }
  func.func @transform_2(%arg0: i32) -> (i32, i32) {
    %c0_i32 = arith.constant 0 : i32
    %c0_i32_0 = arith.constant 0 : i32
    return %arg0, %c0_i32 : i32, i32
  }
  func.func @transform_3(%arg0: i32) -> (i32, i32) {
    %c0_i32 = arith.constant 0 : i32
    %c0_i32_0 = arith.constant 0 : i32
    return %arg0, %c0_i32 : i32, i32
  }
  func.func @transform_4(%arg0: i32) -> (i32, i32, i32) {
    %c0_i32 = arith.constant 0 : i32
    %c0_i32_0 = arith.constant 0 : i32
    %c0_i32_1 = arith.constant 0 : i32
    return %c0_i32, %arg0, %c0_i32_0 : i32, i32, i32
  }
}

module attributes {stable_mosaic.version = 14 : i64} {
  func.func @body(%arg0: i32, %arg1: memref<2000x128xf32, #tpu.memory_space<vmem>>, %arg2: memref<2000x128xf32, #tpu.memory_space<vmem>>, %arg3: memref<2000x128xf32, #tpu.memory_space<vmem>>, %arg4: memref<2000x128xf32, #tpu.memory_space<vmem>>, %arg5: memref<1x128xf32, #tpu.memory_space<vmem>>, %arg6: memref<128x128xf32, #tpu.memory_space<vmem>>, %arg7: memref<2000x16xf32, #tpu.memory_space<vmem>>, %arg8: memref<2000x16xf32, #tpu.memory_space<vmem>>, %arg9: memref<2000x128xf32, #tpu.memory_space<vmem>>, %arg10: memref<2x2000x128xf32, #tpu.memory_space<vmem>>) attributes {dimension_semantics = [#tpu.dimension_semantics<arbitrary>], iteration_bounds = array<i64: 5>, scalar_prefetch = 0 : i64, scratch_operands = 0 : i64, tpu.core_type = #tpu.core_type<tc>, window_params = [{transform_indices = @transform_0, window_bounds = array<i64: 2000, 128>}, {transform_indices = @transform_1, window_bounds = array<i64: 2000, 128>}, {transform_indices = @transform_2, window_bounds = array<i64: 2000, 128>}, {transform_indices = @transform_3, window_bounds = array<i64: 2000, 128>}, {pipeline_mode = #tpu.pipeline_mode<synchronous>, transform_indices = @transform_4, window_bounds = array<i64: 1, 128>}, {pipeline_mode = #tpu.pipeline_mode<synchronous>, transform_indices = @transform_5, window_bounds = array<i64: 128, 128>}, {transform_indices = @transform_6, window_bounds = array<i64: 2000, 16>}, {transform_indices = @transform_7, window_bounds = array<i64: 2000, 16>}, {transform_indices = @transform_8, window_bounds = array<i64: 2000, 128>}, {transform_indices = @transform_9, window_bounds = array<i64: 2, 2000, 128>}]} {
    %get3A = arith.constant 0 : index
    %get3A_0 = arith.constant 0 : index
    %get3A_1 = vector.load %arg7[%get3A, %get3A_0] : memref<2000x16xf32, #tpu.memory_space<vmem>>, vector<2000x1xf32>
    %get3A_2 = arith.constant 0 : index
    %get3A_3 = arith.constant 0 : index
    %get3A_4 = vector.load %arg8[%get3A_2, %get3A_3] : memref<2000x16xf32, #tpu.memory_space<vmem>>, vector<2000x1xf32>
    %add3A = arith.addf %get3A_1, %get3A_4 : vector<2000x1xf32>
    %add3A_5 = arith.constant 1.000000e+00 : f32
    %add3A_6 = vector.broadcast %add3A_5 : f32 to vector<2000x1xf32>
    %add3A_7 = arith.addf %add3A, %add3A_6 : vector<2000x1xf32>
    %rsqrt3A = math.rsqrt %add3A_7 : vector<2000x1xf32>
    %get3A_8 = arith.constant 0 : index
    %get3A_9 = arith.constant 0 : index
    %get3A_10 = vector.load %arg1[%get3A_8, %get3A_9] : memref<2000x128xf32, #tpu.memory_space<vmem>>, vector<2000x128xf32>
    %get3A_11 = arith.constant 0 : index
    %get3A_12 = arith.constant 0 : index
    %get3A_13 = vector.load %arg2[%get3A_11, %get3A_12] : memref<2000x128xf32, #tpu.memory_space<vmem>>, vector<2000x128xf32>
    %add3A_14 = arith.addf %get3A_10, %get3A_13 : vector<2000x128xf32>
    %get3A_15 = arith.constant 0 : index
    %get3A_16 = arith.constant 0 : index
    %get3A_17 = vector.load %arg3[%get3A_15, %get3A_16] : memref<2000x128xf32, #tpu.memory_space<vmem>>, vector<2000x128xf32>
    %add3A_18 = arith.addf %add3A_14, %get3A_17 : vector<2000x128xf32>
    %mul3A = vector.broadcast %rsqrt3A : vector<2000x1xf32> to vector<2000x128xf32>
    %mul3A_19 = arith.mulf %mul3A, %add3A_18 : vector<2000x128xf32>
    %get3A_20 = arith.constant 0 : index
    %get3A_21 = arith.constant 0 : index
    %get3A_22 = vector.load %arg5[%get3A_20, %get3A_21] : memref<1x128xf32, #tpu.memory_space<vmem>>, vector<1x128xf32>
    %add3A_23 = vector.broadcast %get3A_22 : vector<1x128xf32> to vector<2000x128xf32>
    %add3A_24 = arith.addf %mul3A_19, %add3A_23 : vector<2000x128xf32>
    %get3A_25 = arith.constant 0 : index
    %get3A_26 = arith.constant 0 : index
    %get3A_27 = vector.load %arg4[%get3A_25, %get3A_26] : memref<2000x128xf32, #tpu.memory_space<vmem>>, vector<2000x128xf32>
    %add3A_28 = arith.addf %add3A_24, %get3A_27 : vector<2000x128xf32>
    %max3A = arith.constant 0.000000e+00 : f32
    %max3A_29 = vector.broadcast %max3A : f32 to vector<2000x128xf32>
    %max3A_30 = arith.maximumf %add3A_28, %max3A_29 : vector<2000x128xf32>
    %swap3A = arith.constant 0 : index
    %swap3A_31 = arith.constant 0 : index
    %swap3A_32 = vector.load %arg9[%swap3A, %swap3A_31] : memref<2000x128xf32, #tpu.memory_space<vmem>>, vector<2000x128xf32>
    tpu.vector_store %arg9[%swap3A, %swap3A_31], %max3A_30 {strides = array<i32>} : memref<2000x128xf32, #tpu.memory_space<vmem>>, vector<2000x128xf32>,
    %get3A_33 = arith.constant 0 : index
    %get3A_34 = arith.constant 0 : index
    %get3A_35 = vector.load %arg6[%get3A_33, %get3A_34] : memref<128x128xf32, #tpu.memory_space<vmem>>, vector<128x128xf32>
    %dot_general3A = arith.constant dense<0.000000e+00> : vector<2000x128xf32>
    %dot_general3A_36 = tpu.matmul %max3A_30, %get3A_35, %dot_general3A {dimension_numbers = #tpu.dot_dimension_numbers<[1], [0], [0], [1], [0, 0, 1, 1], [], []>, transpose_lhs_hint = false} : vector<2000x128xf32>, vector<128x128xf32>, vector<2000x128xf32> -> vector<2000x128xf32>
    %mul3A_37 = vector.broadcast %rsqrt3A : vector<2000x1xf32> to vector<2000x128xf32>
    %mul3A_38 = arith.mulf %mul3A_37, %dot_general3A_36 : vector<2000x128xf32>
    %swap3A_39 = arith.constant 0 : index
    %swap3A_40 = arith.constant 0 : index
    %swap3A_41 = arith.constant 0 : index
    %swap3A_42 = vector.load %arg10[%swap3A_39, %swap3A_40, %swap3A_41] : memref<2x2000x128xf32, #tpu.memory_space<vmem>>, vector<1x2000x128xf32>
    %swap3A_43 = vector.shape_cast %swap3A_42 : vector<1x2000x128xf32> to vector<2000x128xf32>
    %swap3A_44 = vector.shape_cast %mul3A_38 : vector<2000x128xf32> to vector<1x2000x128xf32>
    tpu.vector_store %arg10[%swap3A_39, %swap3A_40, %swap3A_41], %swap3A_44 {strides = array<i32>} : memref<2x2000x128xf32, #tpu.memory_space<vmem>>, vector<1x2000x128xf32>,
    %swap3A_45 = arith.constant 1 : index
    %swap3A_46 = arith.constant 0 : index
    %swap3A_47 = arith.constant 0 : index
    %swap3A_48 = vector.load %arg10[%swap3A_45, %swap3A_46, %swap3A_47] : memref<2x2000x128xf32, #tpu.memory_space<vmem>>, vector<1x2000x128xf32>
    %swap3A_49 = vector.shape_cast %swap3A_48 : vector<1x2000x128xf32> to vector<2000x128xf32>
    %swap3A_50 = vector.shape_cast %mul3A_38 : vector<2000x128xf32> to vector<1x2000x128xf32>
    tpu.vector_store %arg10[%swap3A_45, %swap3A_46, %swap3A_47], %swap3A_50 {strides = array<i32>} : memref<2x2000x128xf32, #tpu.memory_space<vmem>>, vector<1x2000x128xf32>,
    return
  }
  func.func @transform_0(%arg0: i32) -> (i32, i32) {
    %c0_i32 = arith.constant 0 : i32
    %c0_i32_0 = arith.constant 0 : i32
    return %arg0, %c0_i32 : i32, i32
  }
  func.func @transform_1(%arg0: i32) -> (i32, i32) {
    %c0_i32 = arith.constant 0 : i32
    %c0_i32_0 = arith.constant 0 : i32
    return %arg0, %c0_i32 : i32, i32
  }
  func.func @transform_2(%arg0: i32) -> (i32, i32) {
    %c0_i32 = arith.constant 0 : i32
    %c0_i32_0 = arith.constant 0 : i32
    return %arg0, %c0_i32 : i32, i32
  }
  func.func @transform_3(%arg0: i32) -> (i32, i32) {
    %c0_i32 = arith.constant 0 : i32
    %c0_i32_0 = arith.constant 0 : i32
    return %arg0, %c0_i32 : i32, i32
  }
  func.func @transform_4(%arg0: i32) -> (i32, i32) {
    %c0_i32 = arith.constant 0 : i32
    %c0_i32_0 = arith.constant 0 : i32
    %c0_i32_1 = arith.constant 0 : i32
    return %c0_i32, %c0_i32_0 : i32, i32
  }
  func.func @transform_5(%arg0: i32) -> (i32, i32) {
    %c0_i32 = arith.constant 0 : i32
    %c0_i32_0 = arith.constant 0 : i32
    %c0_i32_1 = arith.constant 0 : i32
    return %c0_i32, %c0_i32_0 : i32, i32
  }
  func.func @transform_6(%arg0: i32) -> (i32, i32) {
    %c0_i32 = arith.constant 0 : i32
    %c0_i32_0 = arith.constant 0 : i32
    return %arg0, %c0_i32 : i32, i32
  }
  func.func @transform_7(%arg0: i32) -> (i32, i32) {
    %c0_i32 = arith.constant 0 : i32
    %c0_i32_0 = arith.constant 0 : i32
    return %arg0, %c0_i32 : i32, i32
  }
  func.func @transform_8(%arg0: i32) -> (i32, i32) {
    %c0_i32 = arith.constant 0 : i32
    %c0_i32_0 = arith.constant 0 : i32
    return %arg0, %c0_i32 : i32, i32
  }
  func.func @transform_9(%arg0: i32) -> (i32, i32, i32) {
    %c0_i32 = arith.constant 0 : i32
    %c0_i32_0 = arith.constant 0 : i32
    %c0_i32_1 = arith.constant 0 : i32
    return %c0_i32, %arg0, %c0_i32_0 : i32, i32, i32
  }
}

module attributes {stable_mosaic.version = 14 : i64} {
  func.func @body(%arg0: i32, %arg1: memref<2000x128xf32, #tpu.memory_space<vmem>>, %arg2: memref<2000x128xf32, #tpu.memory_space<vmem>>, %arg3: memref<2000x128xf32, #tpu.memory_space<vmem>>, %arg4: memref<2000x128xf32, #tpu.memory_space<vmem>>, %arg5: memref<1x128xf32, #tpu.memory_space<vmem>>, %arg6: memref<128x64xf32, #tpu.memory_space<vmem>>, %arg7: memref<1x64xf32, #tpu.memory_space<vmem>>, %arg8: memref<2000x16xf32, #tpu.memory_space<vmem>>, %arg9: memref<2000x16xf32, #tpu.memory_space<vmem>>, %arg10: memref<2000x64xf32, #tpu.memory_space<vmem>>) attributes {dimension_semantics = [#tpu.dimension_semantics<arbitrary>], iteration_bounds = array<i64: 5>, scalar_prefetch = 0 : i64, scratch_operands = 0 : i64, tpu.core_type = #tpu.core_type<tc>, window_params = [{transform_indices = @transform_0, window_bounds = array<i64: 2000, 128>}, {transform_indices = @transform_1, window_bounds = array<i64: 2000, 128>}, {transform_indices = @transform_2, window_bounds = array<i64: 2000, 128>}, {transform_indices = @transform_3, window_bounds = array<i64: 2000, 128>}, {pipeline_mode = #tpu.pipeline_mode<synchronous>, transform_indices = @transform_4, window_bounds = array<i64: 1, 128>}, {pipeline_mode = #tpu.pipeline_mode<synchronous>, transform_indices = @transform_5, window_bounds = array<i64: 128, 64>}, {pipeline_mode = #tpu.pipeline_mode<synchronous>, transform_indices = @transform_6, window_bounds = array<i64: 1, 64>}, {transform_indices = @transform_7, window_bounds = array<i64: 2000, 16>}, {transform_indices = @transform_8, window_bounds = array<i64: 2000, 16>}, {transform_indices = @transform_9, window_bounds = array<i64: 2000, 64>}]} {
    %get3A = arith.constant 0 : index
    %get3A_0 = arith.constant 0 : index
    %get3A_1 = vector.load %arg8[%get3A, %get3A_0] : memref<2000x16xf32, #tpu.memory_space<vmem>>, vector<2000x1xf32>
    %get3A_2 = arith.constant 0 : index
    %get3A_3 = arith.constant 0 : index
    %get3A_4 = vector.load %arg9[%get3A_2, %get3A_3] : memref<2000x16xf32, #tpu.memory_space<vmem>>, vector<2000x1xf32>
    %add3A = arith.addf %get3A_1, %get3A_4 : vector<2000x1xf32>
    %add3A_5 = arith.constant 1.000000e+00 : f32
    %add3A_6 = vector.broadcast %add3A_5 : f32 to vector<2000x1xf32>
    %add3A_7 = arith.addf %add3A, %add3A_6 : vector<2000x1xf32>
    %rsqrt3A = math.rsqrt %add3A_7 : vector<2000x1xf32>
    %get3A_8 = arith.constant 0 : index
    %get3A_9 = arith.constant 0 : index
    %get3A_10 = vector.load %arg1[%get3A_8, %get3A_9] : memref<2000x128xf32, #tpu.memory_space<vmem>>, vector<2000x128xf32>
    %get3A_11 = arith.constant 0 : index
    %get3A_12 = arith.constant 0 : index
    %get3A_13 = vector.load %arg2[%get3A_11, %get3A_12] : memref<2000x128xf32, #tpu.memory_space<vmem>>, vector<2000x128xf32>
    %add3A_14 = arith.addf %get3A_10, %get3A_13 : vector<2000x128xf32>
    %get3A_15 = arith.constant 0 : index
    %get3A_16 = arith.constant 0 : index
    %get3A_17 = vector.load %arg3[%get3A_15, %get3A_16] : memref<2000x128xf32, #tpu.memory_space<vmem>>, vector<2000x128xf32>
    %add3A_18 = arith.addf %add3A_14, %get3A_17 : vector<2000x128xf32>
    %mul3A = vector.broadcast %rsqrt3A : vector<2000x1xf32> to vector<2000x128xf32>
    %mul3A_19 = arith.mulf %mul3A, %add3A_18 : vector<2000x128xf32>
    %get3A_20 = arith.constant 0 : index
    %get3A_21 = arith.constant 0 : index
    %get3A_22 = vector.load %arg5[%get3A_20, %get3A_21] : memref<1x128xf32, #tpu.memory_space<vmem>>, vector<1x128xf32>
    %add3A_23 = vector.broadcast %get3A_22 : vector<1x128xf32> to vector<2000x128xf32>
    %add3A_24 = arith.addf %mul3A_19, %add3A_23 : vector<2000x128xf32>
    %get3A_25 = arith.constant 0 : index
    %get3A_26 = arith.constant 0 : index
    %get3A_27 = vector.load %arg4[%get3A_25, %get3A_26] : memref<2000x128xf32, #tpu.memory_space<vmem>>, vector<2000x128xf32>
    %add3A_28 = arith.addf %add3A_24, %get3A_27 : vector<2000x128xf32>
    %max3A = arith.constant 0.000000e+00 : f32
    %max3A_29 = vector.broadcast %max3A : f32 to vector<2000x128xf32>
    %max3A_30 = arith.maximumf %add3A_28, %max3A_29 : vector<2000x128xf32>
    %get3A_31 = arith.constant 0 : index
    %get3A_32 = arith.constant 0 : index
    %get3A_33 = vector.load %arg6[%get3A_31, %get3A_32] : memref<128x64xf32, #tpu.memory_space<vmem>>, vector<128x64xf32>
    %dot_general3A = arith.constant dense<0.000000e+00> : vector<2000x64xf32>
    %dot_general3A_34 = tpu.matmul %max3A_30, %get3A_33, %dot_general3A {dimension_numbers = #tpu.dot_dimension_numbers<[1], [0], [0], [1], [0, 0, 1, 1], [], []>, transpose_lhs_hint = false} : vector<2000x128xf32>, vector<128x64xf32>, vector<2000x64xf32> -> vector<2000x64xf32>
    %get3A_35 = arith.constant 0 : index
    %get3A_36 = arith.constant 0 : index
    %get3A_37 = vector.load %arg7[%get3A_35, %get3A_36] : memref<1x64xf32, #tpu.memory_space<vmem>>, vector<1x64xf32>
    %add3A_38 = vector.broadcast %get3A_37 : vector<1x64xf32> to vector<2000x64xf32>
    %add3A_39 = arith.addf %dot_general3A_34, %add3A_38 : vector<2000x64xf32>
    %swap3A = arith.constant 0 : index
    %swap3A_40 = arith.constant 0 : index
    %swap3A_41 = vector.load %arg10[%swap3A, %swap3A_40] : memref<2000x64xf32, #tpu.memory_space<vmem>>, vector<2000x64xf32>
    tpu.vector_store %arg10[%swap3A, %swap3A_40], %add3A_39 {strides = array<i32>} : memref<2000x64xf32, #tpu.memory_space<vmem>>, vector<2000x64xf32>,
    return
  }
  func.func @transform_0(%arg0: i32) -> (i32, i32) {
    %c0_i32 = arith.constant 0 : i32
    %c0_i32_0 = arith.constant 0 : i32
    return %arg0, %c0_i32 : i32, i32
  }
  func.func @transform_1(%arg0: i32) -> (i32, i32) {
    %c0_i32 = arith.constant 0 : i32
    %c0_i32_0 = arith.constant 0 : i32
    return %arg0, %c0_i32 : i32, i32
  }
  func.func @transform_2(%arg0: i32) -> (i32, i32) {
    %c0_i32 = arith.constant 0 : i32
    %c0_i32_0 = arith.constant 0 : i32
    return %arg0, %c0_i32 : i32, i32
  }
  func.func @transform_3(%arg0: i32) -> (i32, i32) {
    %c0_i32 = arith.constant 0 : i32
    %c0_i32_0 = arith.constant 0 : i32
    return %arg0, %c0_i32 : i32, i32
  }
  func.func @transform_4(%arg0: i32) -> (i32, i32) {
    %c0_i32 = arith.constant 0 : i32
    %c0_i32_0 = arith.constant 0 : i32
    %c0_i32_1 = arith.constant 0 : i32
    return %c0_i32, %c0_i32_0 : i32, i32
  }
  func.func @transform_5(%arg0: i32) -> (i32, i32) {
    %c0_i32 = arith.constant 0 : i32
    %c0_i32_0 = arith.constant 0 : i32
    %c0_i32_1 = arith.constant 0 : i32
    return %c0_i32, %c0_i32_0 : i32, i32
  }
  func.func @transform_6(%arg0: i32) -> (i32, i32) {
    %c0_i32 = arith.constant 0 : i32
    %c0_i32_0 = arith.constant 0 : i32
    %c0_i32_1 = arith.constant 0 : i32
    return %c0_i32, %c0_i32_0 : i32, i32
  }
  func.func @transform_7(%arg0: i32) -> (i32, i32) {
    %c0_i32 = arith.constant 0 : i32
    %c0_i32_0 = arith.constant 0 : i32
    return %arg0, %c0_i32 : i32, i32
  }
  func.func @transform_8(%arg0: i32) -> (i32, i32) {
    %c0_i32 = arith.constant 0 : i32
    %c0_i32_0 = arith.constant 0 : i32
    return %arg0, %c0_i32 : i32, i32
  }
  func.func @transform_9(%arg0: i32) -> (i32, i32) {
    %c0_i32 = arith.constant 0 : i32
    %c0_i32_0 = arith.constant 0 : i32
    return %arg0, %c0_i32 : i32, i32
  }
}

</mosaic_0001>

<sc_bundles>
// kernel: kernel.12.cloned.1.call-start
scs
__scs_entry_jumppad:
0x0: {  	(pc) =	sbr.rel $0x88, $3  }
0x1: {  	(tag) =	ssettag $0x0;
	lr =	simm.s32 $0x1  }
0x2: {  	[smem:$0x3F99] =	sst lr;
	_ =	strace $0xD0000000  }
0x3: {  	_ = 	snop  }
0x4: {  	_ = 	snop  }
0x5: {  	_ = 	snop  }
0x6: {  	_ = 	snop  }
0x7: {  	_ = 	snop  }
__scs_overlays_trampoline_lowered:
0x8: {  	[smem:$0x3FA8] =	sst s0  }
0x9: {  	[smem:$0x3FA9] =	sst s1  }
0xa: {  	[smem:$0x3FAA] =	sst s2  }
0xb: {  	[smem:$0x3FAB] =	sst s3  }
0xc: {  	[smem:$0x3FAC] =	sst s4  }
0xd: {  	[smem:$0x3FAD] =	sst s5  }
0xe: {  	[smem:$0x3FAE] =	sst s6  }
0xf: {  	[smem:$0x3FAF] =	sst s7  }
0x10: {  	[smem:$0x3FB0] =	sst s8  }
0x11: {  	[smem:$0x3FB1] =	sst s9;
	s0 =	simm.s32 @!p0 $0x0  }
0x12: {  	s1 =	sld [smem:$0x3F97];
	s0 =	simm.s32 @p0 $0x1  }
0x13: {  	[smem:$0x3FB2] =	sst s0;
	s0 =	simm.s32 @!p1 $0x0  }
0x14: {  	s2 =	sld [smem:$0x3F96];
	s0 =	simm.s32 @p1 $0x1  }
0x15: {  	[smem:$0x3FB3] =	sst s0;
	s0 =	simm.s32 @!p2 $0x0  }
0x16: {  	s3 =	sld [smem:$0x3FDB];
	s0 =	simm.s32 @p2 $0x1  }
0x17: {  	s4 =	simm.s32 $0x1BF5;
	[smem:$0x3FB5] =	sst s0  }
0x18: {  	s0 =	sld [smem:$0x3F98];
	_ =	swait.ge [sflag:s4], $0x0  }
0x19: {  	s7 =	sld [smem:$0x3F99]  }
0x1a: {  	s8 =	sadd.s32 $0xFFFFE003, lr  }
0x1b: {  	s9 =	sadd.s32 $0xFFFFFEF7, lr;
	s5 =	simm.s32 $0xFFFFFFFF;
	p2 =	slt.u32 s8, $0xFFFFF086  }
0x1c: {  	p1 =	slt.u32 s9, $0xF7A;
	s5 =	simm.s32 @!p2 $0x0  }
0x1d: {  	s5 =	simm.s32 @p1 $0x1;
	p0 =	seq.s32 s7, s2  }
0x1e: {  	s7 =	smul.u32 @!p0 $0xF7A, s2;
	p2 =	seq.s32 @!p0 s5, $0x0  }
0x1f: {  	s9 =	smul.u32 $0xF7A, s1;
	s8 =	simm.s32 @!p0 $0x1BF5;
	p2 =	por !p2, p0  }
0x20: {  	[sflag:s8] =	ssyncset.s32 @!p0 $0xFFFFF086;
	s6 =	sadd.s32 @!p0 s3, s7;
	s7 =	simm.s32 @!p0 $0x108  }
0x21: {  	s3 =	sadd.s32 s3, s9;
	s6 =	sadd.s32 @!p0 $0x88, s6;
	s7 =	simm.s32 @p2 $0x1082  }
0x22: {  	[simem:s7], [sflag:s8] =	dma.local @!p0 [hbm:s6], $0xF7A  }
0x23: {  	s9 =	sor.u32 $0xD0000000, s2;
	s6 =	simm.s32 $0x108;
	_ =	swait.ge @!p0 [sflag:s8], $0x0  }
0x24: {  	s3 =	sadd.s32 $0x88, s3;
	s6 =	simm.s32 @!p1 $0x1082;
	[sflag:s4] =	ssyncset.s32 $0xFFFFF086  }
0x25: {  	[simem:s6], [sflag:s4] =	dma.local [hbm:s3], $0xF7A  }
0x26: {  	[smem:$0x3F99] =	sst s1;
	(tag) =	ssettag s2;
	_ =	strace s9  }
0x27: {  	s1 =	sld [smem:$0x3FA9]  }
0x28: {  	s2 =	sld [smem:$0x3FAA]  }
0x29: {  	s4 =	sld [smem:$0x3FAC]  }
0x2a: {  	p0 =	seq.s32 s5, $0x0;
	s5 =	sld [smem:$0x3FAD]  }
0x2b: {  	s6 =	sld [smem:$0x3FAE]  }
0x2c: {  	s7 =	sld [smem:$0x3FAF]  }
0x2d: {  	s3 =	simm.s32 $0x108;
	s8 =	sld [smem:$0x3FB0]  }
0x2e: {  	s3 =	simm.s32 @!p0 $0x1082;
	s9 =	sld [smem:$0x3FB1]  }
0x2f: {  	lr =	sadd.s32 s0, s3;
	s0 =	sld [smem:$0x3FA8]  }
0x30: {  	s3 =	sld [smem:$0x3FAB]  }
0x31: {  	[smem:$0x3FB4] =	sst s10  }
0x32: {  	s10 =	sld [smem:$0x3FB2];
	_ =	sdelay $0x3  }
0x33: {  	p0 =	seq.s32 s10, $0x1;
	s10 =	sld [smem:$0x3FB4];
	_ =	sdelay $0x3  }
0x34: {  	[smem:$0x3FB4] =	sst s10  }
0x35: {  	s10 =	sld [smem:$0x3FB3];
	_ =	sdelay $0x3  }
0x36: {  	p1 =	seq.s32 s10, $0x1;
	s10 =	sld [smem:$0x3FB4];
	_ =	sdelay $0x3  }
0x37: {  	[smem:$0x3FB4] =	sst s10  }
0x38: {  	s10 =	sld [smem:$0x3FB5]  }
0x39: {  	_ = 	snop;
	(pc) =	sbr.ind lr, $3  }
0x3a: {  	_ = 	snop  }
0x3b: {  	_ = 	snop  }
0x3c: {  	p2 =	seq.s32 s10, $0x1;
	s10 =	sld [smem:$0x3FB4]  }
0x3d: {  	_ =	shalt  }
0x3e: {  	_ =	shalt  }
0x3f: {  	_ =	shalt  }
0x40: {  	_ =	shalt  }
0x41: {  	_ =	shalt  }
0x42: {  	_ =	shalt  }
0x43: {  	_ =	shalt  }
0x44: {  	_ =	shalt  }
0x45: {  	_ =	shalt  }
0x46: {  	_ =	shalt  }
0x47: {  	_ =	shalt  }
0x48: {  	_ =	shalt  }
0x49: {  	_ =	shalt  }
0x4a: {  	_ =	shalt  }
0x4b: {  	_ =	shalt  }
0x4c: {  	_ =	shalt  }
0x4d: {  	_ =	shalt  }
0x4e: {  	_ =	shalt  }
0x4f: {  	_ =	shalt  }
0x50: {  	_ =	shalt  }
0x51: {  	_ =	shalt  }
0x52: {  	_ =	shalt  }
0x53: {  	_ =	shalt  }
0x54: {  	_ =	shalt  }
0x55: {  	_ =	shalt  }
0x56: {  	_ =	shalt  }
0x57: {  	_ =	shalt  }
0x58: {  	_ =	shalt  }
0x59: {  	_ =	shalt  }
0x5a: {  	_ =	shalt  }
0x5b: {  	_ =	shalt  }
0x5c: {  	_ =	shalt  }
0x5d: {  	_ =	shalt  }
0x5e: {  	_ =	shalt  }
0x5f: {  	_ =	shalt  }
0x60: {  	_ =	shalt  }
0x61: {  	_ =	shalt  }
0x62: {  	_ =	shalt  }
0x63: {  	_ =	shalt  }
0x64: {  	_ =	shalt  }
0x65: {  	_ =	shalt  }
0x66: {  	_ =	shalt  }
0x67: {  	_ =	shalt  }
0x68: {  	_ =	shalt  }
0x69: {  	_ =	shalt  }
0x6a: {  	_ =	shalt  }
0x6b: {  	_ =	shalt  }
0x6c: {  	_ =	shalt  }
0x6d: {  	_ =	shalt  }
0x6e: {  	_ =	shalt  }
0x6f: {  	_ =	shalt  }
0x70: {  	_ =	shalt  }
0x71: {  	_ =	shalt  }
0x72: {  	_ =	shalt  }
0x73: {  	_ =	shalt  }
0x74: {  	_ =	shalt  }
0x75: {  	_ =	shalt  }
0x76: {  	_ =	shalt  }
0x77: {  	_ =	shalt  }
0x78: {  	_ =	shalt  }
0x79: {  	_ =	shalt  }
0x7a: {  	_ =	shalt  }
0x7b: {  	_ =	shalt  }
0x7c: {  	_ =	shalt  }
0x7d: {  	_ =	shalt  }
0x7e: {  	_ =	shalt  }
0x7f: {  	_ =	shalt  }
0x80: {  	_ =	shalt  }
0x81: {  	_ =	shalt  }
0x82: {  	_ =	shalt  }
0x83: {  	_ =	shalt  }
0x84: {  	_ =	shalt  }
0x85: {  	_ =	shalt  }
0x86: {  	_ =	shalt  }
0x87: {  	_ =	shalt  }
.Lfunc_end0:
.L_simem_size_0:
called_computation.1_lowered:
.L_overlay_start_0:
0x88: {  	s2 =	sld [smem:$0x3FD9]  }
0x89: {  	s3 =	sld [smem:$0x3FFE];
	_ =	sdelay $0x1  }
0x8a: {  	s1 =	srdreg.scid  }
0x8b: {  	s0 =	sand.u32 $0x1, s1  }
0x8c: {  	s17 =	sshll.u32 s0, $0xA;
	s2 =	sadd.s32 s3, s2  }
0x8d: {  	s2 =	sadd.s32 s2, s17  }
0x8e: {  	[smem:$0x3FC0] =	sst s2  }
0x8f: {  	_ = 	snop  }
0x90: {  	s2 =	sld [smem:$0x3FD0];
	(tm) =	ssettm $0x1  }
0x91: {  	s18 =	sld [smem:$0x3FFB];
	_ =	sdelay $0x3  }
0x92: {  	_ =	strace s18  }
0x93: {  	s3 =	sld [smem:$0x3FFC];
	_ =	sdelay $0x3  }
0x94: {  	_ =	strace s3  }
0x95: {  	s3 =	sld [smem:$0x3FFD];
	_ =	sdelay $0x3  }
0x96: {  	_ =	strace s3  }
0x97: {  	_ =	strace $0x8FFFFFFF  }
0x98: {  	s19 =	sld [smem:$0x3FDB];
	_ =	sdelay $0x1  }
0x99: {  	s4 =	simm.s32 $_scs_section_size  }
0x9a: {  	s5 =	simm.s32 $_size__tile_overlayer_lowered;
	s6 =	simm.s32 $_tile_overlayer_lowered  }
0x9b: {  	s22 =	simm.s32 $0x1BFF;
	s21 =	sshll.u32 s6, $0x1;
	s3 =	sadd.s32 s4, s19  }
0x9c: {  	s7 =	simm.s32 $0x0;
	s20 =	sshll.u32 s5, $0x1;
	s5 =	sadd.s32 s21, s3  }
0x9d: {  	[timem:s7], [sflag:s22] =	dma.local [hbm:s5], s20  }
0x9e: {  	_ =	swait.ge [sflag:s22], s20  }
0x9f: {  	s4 =	ssub.s32 $0x0, s20;
	[sflag:s22] =	ssyncset.done $0x0  }
0xa0: {  	[sflag:s22] =	ssyncadd.s32 s4;
	_ =	sdelay $0x1  }
0xa1: {  	s23 =	simm.s32 $0x1B8B  }
0xa2: {  	_ =	swait.ge [sflag:s23], $0x1  }
0xa3: {  	[sflag:s23] =	ssyncset.done $0x0  }
0xa4: {  	s25 =	simm.s32 $0x1B8E;
	s24 =	sld [smem:$0x3FFE];
	[sflag:s23] =	ssyncadd.s32 $0xFFFFFFFF  }
0xa5: {  	s26 =	simm.s32 $execute0_lowered;
	[smem:$0x3FD2] =	sst s25  }
0xa6: {  	s5 =	sshll.u32 s26, $0x1;
	_ =	strace $0x80000049;
	[dreg:$0x1] =	wrdreg $0xFFFFFFFF  }
0xa7: {  	s28 =	simm.s32 $_size_execute0_lowered;
	s3 =	sadd.s32 s3, s5;
	[dreg:$0x0] =	wrdreg $0x0  }
0xa8: {  	s5 =	sshll.u32 s28, $0x1;
	[dreg:$0x2] =	wrdreg s3  }
0xa9: {  	[dreg:$0x3] =	wrdreg s5  }
0xaa: {  	[dreg:$0x4] =	wrdreg $0xC0  }
0xab: {  	_ =	task [dreg:s7], $0x5FFFF  }
0xac: {  	[dreg:$0x1] =	wrdreg $0xFFFFFFFF  }
0xad: {  	[dreg:$0x0] =	wrdreg $0x60  }
0xae: {  	[dreg:$0x2] =	wrdreg s24  }
0xaf: {  	[dreg:$0x3] =	wrdreg s2  }
0xb0: {  	[dreg:$0x4] =	wrdreg $0xA8000  }
0xb1: {  	[dreg:$0x5] =	wrdreg $0x9  }
0xb2: {  	_ =	task.clear_ibuf [dreg:s7], $0x6FFFF;
	_ =	strace $0x90000049  }
0xb3: {  	s29 =	simm.s32 $0x9;
	_ =	strace $0x8000004B  }
0xb4: {  	_ =	swait.ge [sflag:s29], $0x1  }
0xb5: {  	[sflag:s29] =	ssyncadd.s32 $0xFFFFFFFF  }
0xb6: {  	_ =	strace $0x9000004B  }
0xb7: {  	_ =	sfence  }
0xb8: {  	s30 =	sld [smem:$0x0];
	_ =	sdelay $0x2  }
0xb9: {  	s31 =	sshll.u32 s1, $0xD;
	s1 =	sshrl.u32 s1, $0x2  }
0xba: {  	s3 =	sand.u32 $0x4000, s31;
	s1 =	sadd.s32 s1, s30  }
0xbb: {  	s0 =	sor.u32 s3, s0;
	s1 =	sshll.u32 s1, $0x11  }
0xbc: {  	s0 =	sor.u32 s1, s0  }
0xbd: {  	s0 =	sadd.s32 $0x8F2B, s0  }
0xbe: {  	[sflag:s0] =	ssyncadd.remote.s32 $0x1  }
0xbf: {  	_ =	sfence.sel $0xFFFF  }
0xc0: {  	[dreg:$0x0] =	wrdreg $0xFFFFFFFF;
	(pc) =	sbr.abs _section_cstart, $3  }
0xc1: {  	[dreg:$0x1] =	wrdreg $0xFFFFFFFF  }
0xc2: {  	_ =	task.clear_ibuf [dreg:s7], $0x2FFFF;
	_ =	strace $0x9FFFFFFF  }
0xc3: {  	(tm) =	ssettm $0x7FFFFFFF  }
tec
execute0_lowered:
.L_overlay_start_1:
0x0: {  	(tag) =	ssettag $0x1  }
0x1: {  	s5 =	rddreg [dreg:$0x0]  }
0x2: {  	s10 =	rddreg [dreg:$0x1]  }
0x3: {  	s2 =	rddreg [dreg:$0x2]  }
0x4: {  	s0 =	rddreg [dreg:$0x3]  }
0x5: {  	s1 =	stileid.u32;
	s4 =	srdreg.scid;
	s3 =	simm.s32 $0x0  }
0x6: {  	s16 =	simm.s32 $0x80;
	s17 =	simm.s32 $0x2800;
	s18 =	simm.s32 $0x6800  }
0x7: {  	s19 =	simm.s32 $0x1;
	s20 =	simm.s32 $0x2;
	s21 =	simm.s32 $0x3  }
0x8: {  	s22 =	simm.s32 $0x4;
	s23 =	simm.s32 $0x2700;
	s6 =	smul.u32 $0x13C00, s1  }
0x9: {  	s24 =	simm.s32 $0x2780;
	s7 =	sand.u32 $0x1, s4;
	s11 =	smul.u32 $0x4F000, s1  }
0xa: {  	[smem:$0x7FF] =	sst s3;
	s4 =	sadd.s32 $0xA6000, s5;
	s13 =	smul.u32 $0x1400, s1  }
0xb: {  	s9 =	sadd.s32 $0xA1000, s5;
	s29 =	sshll.u32 s1, $0x6;
	s30 =	smul.u32 $0x280, s1  }
0xc: {  	s8 =	smul.u32 $0x13C000, s7;
	_ =	strace $0x8000004A;
	s26 =	ssub.s32 $0x2, s7  }
0xd: {  	p0 =	seq.s32 s7, $0x1;
	s28 =	sshrl.u32 s26, $0x1;
	s11 =	sshrl.u32 s11, $0x2  }
0xe: {  	s31 =	sshrl.u32 s13, $0x3;
	s7 =	sadd.s32 s9, s30;
	s8 =	sadd.s32 s6, s8  }
0xf: {  	s6 =	sshrl.u32 s6, $0x3;
	s14 =	ssub.s32 s26, s28;
	s15 =	sadd.s32 s11, s2  }
.Ltmp0:
0x10: {  	s11 =	sadd.s32 $0x2800, s31;
	s8 =	sshrl.u32 s8, $0x3;
	(pc) =	sbr.rel .LBB2_1-.Ltmp0, $4  }
0x11: {  	s6 =	sadd.s32 s6, s5;
	s9 =	sadd.s32 s9, s11;
	s13 =	sshrl.u32 s15, $0x3  }
0x12: {  	s15 =	simm.s32 $0x1400;
	s12 =	sadd.s32 s8, s5;
	s5 =	sadd.s32 $0x3600, s6  }
0x13: {  	s6 =	sor.u32 $0x1C05, s29;
	s8 =	sadd.s32 s10, s30;
	s10 =	sadd.s32 s10, s11  }
0x14: {  	s11 =	sadd.s32 $0xF4200, s12;
	s12 =	smax.u32 s14, $0x1;
	s14 =	simm.s32 $0x5  }
.LBB2_7:
0x15: {  	[tilespmem:s18], [sflag:$0x2] =	stream.indirect.gather [hbm4b:s4+s16], $0x80, s26, s16, $0xb8;
	[tilespmem:$0x1E400] =	vst v63  }
.LBB2_8:
0x16: {  	_ =	swait.ge [sflag:s19], $0x4000  }
0x17: {  	[sflag:s19] =	ssyncset.done $0x0  }
0x18: {  	[sflag:s19] =	ssyncadd.s32 $0xFFFFC000  }
0x19: {  	[spmem:s2] =	stream.indirect.scatter.add.f32 [tilespmem:s17], [sflag:$0x3], $0x80, s23, s16, $0xb8;
	[tilespmem:$0x1E400] =	vst v63  }
0x1a: {  	_ =	swait.ge [sflag:s20], $0x4000  }
0x1b: {  	[sflag:s20] =	ssyncset.done $0x0  }
0x1c: {  	[sflag:s20] =	ssyncadd.s32 $0xFFFFC000  }
0x1d: {  	[spmem:s2] =	stream.indirect.scatter.add.f32 [tilespmem:s18], [sflag:$0x4], $0x80, s24, s16, $0xb8;
	[tilespmem:$0x1E400] =	vst v63  }
0x1e: {  	_ =	swait.ge [sflag:s21], $0x4000  }
0x1f: {  	[sflag:s21] =	ssyncset.done $0x0  }
0x20: {  	[sflag:s21] =	ssyncadd.s32 $0xFFFFC000  }
0x21: {  	_ =	swait.ge [sflag:s22], $0x4000  }
0x22: {  	s3 =	sadd.s32 $0x1, s3;
	[sflag:s22] =	ssyncset.done $0x0  }
0x23: {  	p1 =	sne.s32 s3, s12;
	[sflag:s22] =	ssyncadd.s32 $0xFFFFC000  }
.Ltmp1:
0x24: {  	[bflag:$0x0] =	sbarrier.arrive $0xFFFF;
	(pc) =	sbr.rel @!p1 .LBB2_9-.Ltmp1, $4  }
0x25: {  	[hbm:s11], [sflag:s6] =	dma.local [spmem:s13], $0x2780  }
0x26: {  	_ =	swait.ge [sflag:s14], $0x2780  }
0x27: {  	[sflag:s14] =	ssyncset.done $0x0  }
0x28: {  	[sflag:s14] =	ssyncadd.s32 $0xFFFFD880  }
.LBB2_1:
.Ltmp2:
0x29: {  	(pc) =	sbr.rel @!p0 .LBB2_2-.Ltmp2, $4  }
0x2a: {  	[spmem:s13], [sflag:s6] =	dma.local [hbm:s5], $0x2780  }
0x2b: {  	_ =	swait.ge [sflag:s14], $0x2780  }
0x2c: {  	[sflag:s14] =	ssyncset.done $0x0  }
0x2d: {  	s25 =	simm.s32 $0x0;
	[sflag:s14] =	ssyncadd.s32 $0xFFFFD880  }
0x2e: {  	[tilespmem:s25], [sflag:$0x5] =	stream.linear.gather [hbm4b:s9+s25], $0x1400, $0x38;
	[tilespmem:$0x1E400] =	vst v63  }
0x2f: {  	_ =	swait.ge [sflag:s14], $0x1400  }
0x30: {  	[sflag:s14] =	ssyncset.done $0x0  }
0x31: {  	[sflag:s14] =	ssyncadd.s32 $0xFFFFEC00  }
0x32: {  	[tilespmem:s15], [sflag:$0x5] =	stream.linear.gather [hbm4b:s10+s25], $0x1400, $0x38;
	[tilespmem:$0x1E400] =	vst v63  }
0x33: {  	_ =	swait.ge [sflag:s14], $0x1400  }
0x34: {  	[sflag:s14] =	ssyncset.done $0x0  }
0x35: {  	[sflag:s14] =	ssyncadd.s32 $0xFFFFEC00  }
0x36: {  	[bflag:$0x0] =	sbarrier.arrive $0xFFFF  }
0x37: {  	[tilespmem:s17], [sflag:$0x1] =	stream.indirect.gather [hbm4b:s4+s16], $0x80, s25, s16, $0xb8;
	[tilespmem:$0x1E400] =	vst v63  }
0x38: {  	_ = 	snop  }
0x39: {  	[tilespmem:s18], [sflag:$0x2] =	stream.indirect.gather [hbm4b:s4+s16], $0x80, s16, s16, $0xb8;
	[tilespmem:$0x1E400] =	vst v63  }
0x3a: {  	_ =	swait.ge [sflag:s19], $0x4000  }
0x3b: {  	[sflag:s19] =	ssyncset.done $0x0  }
0x3c: {  	s29 =	simm.s32 $0x1400;
	[sflag:s19] =	ssyncadd.s32 $0xFFFFC000  }
0x3d: {  	[spmem:s2] =	stream.indirect.scatter.add.f32 [tilespmem:s17], [sflag:$0x3], $0x80, s29, s16, $0xb8;
	[tilespmem:$0x1E400] =	vst v63  }
0x3e: {  	_ =	swait.ge [sflag:s20], $0x4000  }
0x3f: {  	[sflag:s20] =	ssyncset.done $0x0  }
0x40: {  	s30 =	simm.s32 $0x1480;
	[sflag:s20] =	ssyncadd.s32 $0xFFFFC000  }
0x41: {  	[spmem:s2] =	stream.indirect.scatter.add.f32 [tilespmem:s18], [sflag:$0x4], $0x80, s30, s16, $0xb8;
	[tilespmem:$0x1E400] =	vst v63  }
0x42: {  	_ =	swait.ge [sflag:s21], $0x4000  }
0x43: {  	[sflag:s21] =	ssyncset.done $0x0  }
0x44: {  	s31 =	simm.s32 $0x100;
	[sflag:s21] =	ssyncadd.s32 $0xFFFFC000  }
0x45: {  	[tilespmem:s17], [sflag:$0x1] =	stream.indirect.gather [hbm4b:s4+s16], $0x80, s31, s16, $0xb8;
	[tilespmem:$0x1E400] =	vst v63  }
0x46: {  	_ =	swait.ge [sflag:s22], $0x4000  }
0x47: {  	[sflag:s22] =	ssyncset.done $0x0  }
0x48: {  	s26 =	simm.s32 $0x180;
	s25 =	simm.s32 $0x400;
	[sflag:s22] =	ssyncadd.s32 $0xFFFFC000  }
.LBB2_6:
0x49: {  	[tilespmem:s18], [sflag:$0x2] =	stream.indirect.gather [hbm4b:s4+s16], $0x80, s26, s16, $0xb8;
	[tilespmem:$0x1E400] =	vst v63  }
0x4a: {  	s26 =	smov.u32 s25  }
0x4b: {  	p1 =	sne.s32 s25, $0x4800;
	s25 =	sadd.s32 $0x400, s25;
	_ =	swait.ge [sflag:s19], $0x4000  }
0x4c: {  	s26 =	sshra.s32 s26, $0x2;
	[sflag:s19] =	ssyncset.done $0x0  }
0x4d: {  	s28 =	sadd.s32 $0x1400, s26;
	[sflag:s19] =	ssyncadd.s32 $0xFFFFC000  }
0x4e: {  	[spmem:s2] =	stream.indirect.scatter.add.f32 [tilespmem:s17], [sflag:$0x3], $0x80, s28, s16, $0xb8;
	[tilespmem:$0x1E400] =	vst v63  }
0x4f: {  	_ =	swait.ge [sflag:s20], $0x4000  }
0x50: {  	[sflag:s20] =	ssyncset.done $0x0  }
0x51: {  	s28 =	sadd.s32 $0x1480, s26;
	[sflag:s20] =	ssyncadd.s32 $0xFFFFC000  }
0x52: {  	[spmem:s2] =	stream.indirect.scatter.add.f32 [tilespmem:s18], [sflag:$0x4], $0x80, s28, s16, $0xb8;
	[tilespmem:$0x1E400] =	vst v63  }
0x53: {  	_ =	swait.ge [sflag:s21], $0x4000  }
0x54: {  	[sflag:s21] =	ssyncset.done $0x0  }
.Ltmp3:
0x55: {  	s28 =	sadd.s32 $0x100, s26;
	[sflag:s21] =	ssyncadd.s32 $0xFFFFC000;
	(pc) =	sbr.rel @p1 .LBB2_6-.Ltmp3, $4  }
0x56: {  	[tilespmem:s17], [sflag:$0x1] =	stream.indirect.gather [hbm4b:s4+s16], $0x80, s28, s16, $0xb8;
	[tilespmem:$0x1E400] =	vst v63  }
0x57: {  	_ =	swait.ge [sflag:s22], $0x4000  }
0x58: {  	[sflag:s22] =	ssyncset.done $0x0  }
0x59: {  	s26 =	sadd.s32 $0x180, s26;
	[sflag:s22] =	ssyncadd.s32 $0xFFFFC000  }
.Ltmp4:
0x5a: {  	_ = 	snop;
	(pc) =	sbr.rel .LBB2_7-.Ltmp4, $1  }
0x5b: {  	_ =	sdelay $0x3  }
.LBB2_2:
0x5c: {  	[tilespmem:s25], [sflag:$0x5] =	stream.linear.gather [hbm4b:s7+s25], $0x1400, $0x38;
	[tilespmem:$0x1E400] =	vst v63  }
0x5d: {  	_ =	swait.ge [sflag:s14], $0x1400  }
0x5e: {  	[sflag:s14] =	ssyncset.done $0x0  }
0x5f: {  	[sflag:s14] =	ssyncadd.s32 $0xFFFFEC00  }
0x60: {  	[tilespmem:s15], [sflag:$0x5] =	stream.linear.gather [hbm4b:s8+s25], $0x1400, $0x38;
	[tilespmem:$0x1E400] =	vst v63  }
0x61: {  	_ =	swait.ge [sflag:s14], $0x1400  }
0x62: {  	[sflag:s14] =	ssyncset.done $0x0  }
0x63: {  	[sflag:s14] =	ssyncadd.s32 $0xFFFFEC00  }
0x64: {  	[bflag:$0x0] =	sbarrier.arrive $0xFFFF  }
0x65: {  	[tilespmem:s17], [sflag:$0x1] =	stream.indirect.gather [hbm4b:s4+s16], $0x80, s25, s16, $0xb8;
	[tilespmem:$0x1E400] =	vst v63  }
0x66: {  	_ = 	snop  }
0x67: {  	[tilespmem:s18], [sflag:$0x2] =	stream.indirect.gather [hbm4b:s4+s16], $0x80, s16, s16, $0xb8;
	[tilespmem:$0x1E400] =	vst v63  }
0x68: {  	_ =	swait.ge [sflag:s19], $0x4000  }
0x69: {  	[sflag:s19] =	ssyncset.done $0x0  }
0x6a: {  	s29 =	simm.s32 $0x1400;
	[sflag:s19] =	ssyncadd.s32 $0xFFFFC000  }
0x6b: {  	[spmem:s2] =	stream.indirect.scatter.add.f32 [tilespmem:s17], [sflag:$0x3], $0x80, s29, s16, $0xb8;
	[tilespmem:$0x1E400] =	vst v63  }
0x6c: {  	_ =	swait.ge [sflag:s20], $0x4000  }
0x6d: {  	[sflag:s20] =	ssyncset.done $0x0  }
0x6e: {  	s30 =	simm.s32 $0x1480;
	[sflag:s20] =	ssyncadd.s32 $0xFFFFC000  }
0x6f: {  	[spmem:s2] =	stream.indirect.scatter.add.f32 [tilespmem:s18], [sflag:$0x4], $0x80, s30, s16, $0xb8;
	[tilespmem:$0x1E400] =	vst v63  }
0x70: {  	_ =	swait.ge [sflag:s21], $0x4000  }
0x71: {  	[sflag:s21] =	ssyncset.done $0x0  }
0x72: {  	s31 =	simm.s32 $0x100;
	[sflag:s21] =	ssyncadd.s32 $0xFFFFC000  }
0x73: {  	[tilespmem:s17], [sflag:$0x1] =	stream.indirect.gather [hbm4b:s4+s16], $0x80, s31, s16, $0xb8;
	[tilespmem:$0x1E400] =	vst v63  }
0x74: {  	_ =	swait.ge [sflag:s22], $0x4000  }
0x75: {  	[sflag:s22] =	ssyncset.done $0x0  }
0x76: {  	s26 =	simm.s32 $0x180;
	s25 =	simm.s32 $0x400;
	[sflag:s22] =	ssyncadd.s32 $0xFFFFC000  }
.LBB2_3:
0x77: {  	[tilespmem:s18], [sflag:$0x2] =	stream.indirect.gather [hbm4b:s4+s16], $0x80, s26, s16, $0xb8;
	[tilespmem:$0x1E400] =	vst v63  }
0x78: {  	s26 =	smov.u32 s25  }
0x79: {  	p1 =	seq.s32 s25, $0x4800;
	s25 =	sadd.s32 $0x400, s25;
	_ =	swait.ge [sflag:s19], $0x4000  }
0x7a: {  	s26 =	sshra.s32 s26, $0x2;
	[sflag:s19] =	ssyncset.done $0x0  }
0x7b: {  	s28 =	sadd.s32 $0x1400, s26;
	[sflag:s19] =	ssyncadd.s32 $0xFFFFC000  }
0x7c: {  	[spmem:s2] =	stream.indirect.scatter.add.f32 [tilespmem:s17], [sflag:$0x3], $0x80, s28, s16, $0xb8;
	[tilespmem:$0x1E400] =	vst v63  }
0x7d: {  	_ =	swait.ge [sflag:s20], $0x4000  }
0x7e: {  	[sflag:s20] =	ssyncset.done $0x0  }
0x7f: {  	s28 =	sadd.s32 $0x1480, s26;
	[sflag:s20] =	ssyncadd.s32 $0xFFFFC000  }
0x80: {  	[spmem:s2] =	stream.indirect.scatter.add.f32 [tilespmem:s18], [sflag:$0x4], $0x80, s28, s16, $0xb8;
	[tilespmem:$0x1E400] =	vst v63  }
0x81: {  	_ =	swait.ge [sflag:s21], $0x4000  }
0x82: {  	[sflag:s21] =	ssyncset.done $0x0  }
.Ltmp5:
0x83: {  	s28 =	sadd.s32 $0x100, s26;
	[sflag:s21] =	ssyncadd.s32 $0xFFFFC000;
	(pc) =	sbr.rel @!p1 .LBB2_3-.Ltmp5, $4  }
0x84: {  	[tilespmem:s17], [sflag:$0x1] =	stream.indirect.gather [hbm4b:s4+s16], $0x80, s28, s16, $0xb8;
	[tilespmem:$0x1E400] =	vst v63  }
0x85: {  	_ =	swait.ge [sflag:s22], $0x4000  }
0x86: {  	[sflag:s22] =	ssyncset.done $0x0  }
0x87: {  	s26 =	sadd.s32 $0x180, s26;
	[sflag:s22] =	ssyncadd.s32 $0xFFFFC000  }
.Ltmp6:
0x88: {  	(pc) =	sbr.rel .LBB2_8-.Ltmp6, $2  }
0x89: {  	_ =	sdelay $0x2  }
0x8a: {  	[tilespmem:s18], [sflag:$0x2] =	stream.indirect.gather [hbm4b:s4+s16], $0x80, s26, s16, $0xb8;
	[tilespmem:$0x1E400] =	vst v63  }
.LBB2_9:
0x8b: {  	_ =	sfence.sel $0x180000  }
0x8c: {  	[bflag:$0x0] =	sbarrier.arrive $0xFFFF  }
0x8d: {  	p0 =	sne.s32 s1, $0x0;
	_ =	strace $0x9000004A  }
0x8e: {  	s0 =	sadd.s32 @!p0 $0x100000, s0;
	[bflag:$0x2] =	sbarrier.arrive $0xFFFF  }
0x8f: {  	[sflag:s0] =	ssyncadd.tile.s32 @!p0 $0x1;
	_ =	shalt  }
.Lfunc_end2:
_tile_overlayer_lowered:
.L_overlay_start_2:
0x90: {  	(tag) =	ssettag $0x2  }
0x91: {  	s0 =	rddreg [dreg:$0x0];
	s2 =	stileid.u32  }
0x92: {  	s1 =	rddreg [dreg:$0x1];
	p0 =	sne.s32 s2, $0x0  }
0x93: {  	s3 =	rddreg [dreg:$0x2];
	[bflag:$0x3] =	sbarrier.arrive $0xFFFF;
	s2 =	simm.s32 @!p0 $0x1C05  }
0x94: {  	[timem:s3], [sflag:s2] =	dma.local @!p0 [hbm:s0], s1  }
0x95: {  	s0 =	simm.s32 @!p0 $0x5  }
0x96: {  	_ =	swait.ge @!p0 [sflag:s0], s1  }
0x97: {  	s1 =	ssub.s32 @!p0 $0x0, s1;
	[sflag:s0] =	ssyncset.done @!p0 $0x0  }
0x98: {  	[sflag:s0] =	ssyncadd.s32 @!p0 s1  }
0x99: {  	[bflag:$0x3] =	sbarrier.arrive $0xFFFF  }
0x9a: {  	_ =	shalt  }

// kernel: kernel.15.cloned.1.call-start
scs
__scs_entry_jumppad:
0x0: {  	(pc) =	sbr.rel $0x88, $3  }
0x1: {  	(tag) =	ssettag $0x0;
	lr =	simm.s32 $0x1  }
0x2: {  	[smem:$0x3F99] =	sst lr;
	_ =	strace $0xD0000000  }
0x3: {  	_ = 	snop  }
0x4: {  	_ = 	snop  }
0x5: {  	_ = 	snop  }
0x6: {  	_ = 	snop  }
0x7: {  	_ = 	snop  }
__scs_overlays_trampoline_lowered:
0x8: {  	[smem:$0x3FA8] =	sst s0  }
0x9: {  	[smem:$0x3FA9] =	sst s1  }
0xa: {  	[smem:$0x3FAA] =	sst s2  }
0xb: {  	[smem:$0x3FAB] =	sst s3  }
0xc: {  	[smem:$0x3FAC] =	sst s4  }
0xd: {  	[smem:$0x3FAD] =	sst s5  }
0xe: {  	[smem:$0x3FAE] =	sst s6  }
0xf: {  	[smem:$0x3FAF] =	sst s7  }
0x10: {  	[smem:$0x3FB0] =	sst s8  }
0x11: {  	[smem:$0x3FB1] =	sst s9;
	s0 =	simm.s32 @!p0 $0x0  }
0x12: {  	s1 =	sld [smem:$0x3F97];
	s0 =	simm.s32 @p0 $0x1  }
0x13: {  	[smem:$0x3FB2] =	sst s0;
	s0 =	simm.s32 @!p1 $0x0  }
0x14: {  	s2 =	sld [smem:$0x3F96];
	s0 =	simm.s32 @p1 $0x1  }
0x15: {  	[smem:$0x3FB3] =	sst s0;
	s0 =	simm.s32 @!p2 $0x0  }
0x16: {  	s3 =	sld [smem:$0x3FDB];
	s0 =	simm.s32 @p2 $0x1  }
0x17: {  	s4 =	simm.s32 $0x1BF5;
	[smem:$0x3FB5] =	sst s0  }
0x18: {  	s0 =	sld [smem:$0x3F98];
	_ =	swait.ge [sflag:s4], $0x0  }
0x19: {  	s7 =	sld [smem:$0x3F99]  }
0x1a: {  	s8 =	sadd.s32 $0xFFFFE003, lr  }
0x1b: {  	s9 =	sadd.s32 $0xFFFFFEF7, lr;
	s5 =	simm.s32 $0xFFFFFFFF;
	p2 =	slt.u32 s8, $0xFFFFF086  }
0x1c: {  	p1 =	slt.u32 s9, $0xF7A;
	s5 =	simm.s32 @!p2 $0x0  }
0x1d: {  	s5 =	simm.s32 @p1 $0x1;
	p0 =	seq.s32 s7, s2  }
0x1e: {  	s7 =	smul.u32 @!p0 $0xF7A, s2;
	p2 =	seq.s32 @!p0 s5, $0x0  }
0x1f: {  	s9 =	smul.u32 $0xF7A, s1;
	s8 =	simm.s32 @!p0 $0x1BF5;
	p2 =	por !p2, p0  }
0x20: {  	[sflag:s8] =	ssyncset.s32 @!p0 $0xFFFFF086;
	s6 =	sadd.s32 @!p0 s3, s7;
	s7 =	simm.s32 @!p0 $0x108  }
0x21: {  	s3 =	sadd.s32 s3, s9;
	s6 =	sadd.s32 @!p0 $0x88, s6;
	s7 =	simm.s32 @p2 $0x1082  }
0x22: {  	[simem:s7], [sflag:s8] =	dma.local @!p0 [hbm:s6], $0xF7A  }
0x23: {  	s9 =	sor.u32 $0xD0000000, s2;
	s6 =	simm.s32 $0x108;
	_ =	swait.ge @!p0 [sflag:s8], $0x0  }
0x24: {  	s3 =	sadd.s32 $0x88, s3;
	s6 =	simm.s32 @!p1 $0x1082;
	[sflag:s4] =	ssyncset.s32 $0xFFFFF086  }
0x25: {  	[simem:s6], [sflag:s4] =	dma.local [hbm:s3], $0xF7A  }
0x26: {  	[smem:$0x3F99] =	sst s1;
	(tag) =	ssettag s2;
	_ =	strace s9  }
0x27: {  	s1 =	sld [smem:$0x3FA9]  }
0x28: {  	s2 =	sld [smem:$0x3FAA]  }
0x29: {  	s4 =	sld [smem:$0x3FAC]  }
0x2a: {  	p0 =	seq.s32 s5, $0x0;
	s5 =	sld [smem:$0x3FAD]  }
0x2b: {  	s6 =	sld [smem:$0x3FAE]  }
0x2c: {  	s7 =	sld [smem:$0x3FAF]  }
0x2d: {  	s3 =	simm.s32 $0x108;
	s8 =	sld [smem:$0x3FB0]  }
0x2e: {  	s3 =	simm.s32 @!p0 $0x1082;
	s9 =	sld [smem:$0x3FB1]  }
0x2f: {  	lr =	sadd.s32 s0, s3;
	s0 =	sld [smem:$0x3FA8]  }
0x30: {  	s3 =	sld [smem:$0x3FAB]  }
0x31: {  	[smem:$0x3FB4] =	sst s10  }
0x32: {  	s10 =	sld [smem:$0x3FB2];
	_ =	sdelay $0x3  }
0x33: {  	p0 =	seq.s32 s10, $0x1;
	s10 =	sld [smem:$0x3FB4];
	_ =	sdelay $0x3  }
0x34: {  	[smem:$0x3FB4] =	sst s10  }
0x35: {  	s10 =	sld [smem:$0x3FB3];
	_ =	sdelay $0x3  }
0x36: {  	p1 =	seq.s32 s10, $0x1;
	s10 =	sld [smem:$0x3FB4];
	_ =	sdelay $0x3  }
0x37: {  	[smem:$0x3FB4] =	sst s10  }
0x38: {  	s10 =	sld [smem:$0x3FB5]  }
0x39: {  	_ = 	snop;
	(pc) =	sbr.ind lr, $3  }
0x3a: {  	_ = 	snop  }
0x3b: {  	_ = 	snop  }
0x3c: {  	p2 =	seq.s32 s10, $0x1;
	s10 =	sld [smem:$0x3FB4]  }
0x3d: {  	_ =	shalt  }
0x3e: {  	_ =	shalt  }
0x3f: {  	_ =	shalt  }
0x40: {  	_ =	shalt  }
0x41: {  	_ =	shalt  }
0x42: {  	_ =	shalt  }
0x43: {  	_ =	shalt  }
0x44: {  	_ =	shalt  }
0x45: {  	_ =	shalt  }
0x46: {  	_ =	shalt  }
0x47: {  	_ =	shalt  }
0x48: {  	_ =	shalt  }
0x49: {  	_ =	shalt  }
0x4a: {  	_ =	shalt  }
0x4b: {  	_ =	shalt  }
0x4c: {  	_ =	shalt  }
0x4d: {  	_ =	shalt  }
0x4e: {  	_ =	shalt  }
0x4f: {  	_ =	shalt  }
0x50: {  	_ =	shalt  }
0x51: {  	_ =	shalt  }
0x52: {  	_ =	shalt  }
0x53: {  	_ =	shalt  }
0x54: {  	_ =	shalt  }
0x55: {  	_ =	shalt  }
0x56: {  	_ =	shalt  }
0x57: {  	_ =	shalt  }
0x58: {  	_ =	shalt  }
0x59: {  	_ =	shalt  }
0x5a: {  	_ =	shalt  }
0x5b: {  	_ =	shalt  }
0x5c: {  	_ =	shalt  }
0x5d: {  	_ =	shalt  }
0x5e: {  	_ =	shalt  }
0x5f: {  	_ =	shalt  }
0x60: {  	_ =	shalt  }
0x61: {  	_ =	shalt  }
0x62: {  	_ =	shalt  }
0x63: {  	_ =	shalt  }
0x64: {  	_ =	shalt  }
0x65: {  	_ =	shalt  }
0x66: {  	_ =	shalt  }
0x67: {  	_ =	shalt  }
0x68: {  	_ =	shalt  }
0x69: {  	_ =	shalt  }
0x6a: {  	_ =	shalt  }
0x6b: {  	_ =	shalt  }
0x6c: {  	_ =	shalt  }
0x6d: {  	_ =	shalt  }
0x6e: {  	_ =	shalt  }
0x6f: {  	_ =	shalt  }
0x70: {  	_ =	shalt  }
0x71: {  	_ =	shalt  }
0x72: {  	_ =	shalt  }
0x73: {  	_ =	shalt  }
0x74: {  	_ =	shalt  }
0x75: {  	_ =	shalt  }
0x76: {  	_ =	shalt  }
0x77: {  	_ =	shalt  }
0x78: {  	_ =	shalt  }
0x79: {  	_ =	shalt  }
0x7a: {  	_ =	shalt  }
0x7b: {  	_ =	shalt  }
0x7c: {  	_ =	shalt  }
0x7d: {  	_ =	shalt  }
0x7e: {  	_ =	shalt  }
0x7f: {  	_ =	shalt  }
0x80: {  	_ =	shalt  }
0x81: {  	_ =	shalt  }
0x82: {  	_ =	shalt  }
0x83: {  	_ =	shalt  }
0x84: {  	_ =	shalt  }
0x85: {  	_ =	shalt  }
0x86: {  	_ =	shalt  }
0x87: {  	_ =	shalt  }
.Lfunc_end0:
.L_simem_size_0:
called_computation.2_lowered:
.L_overlay_start_0:
0x88: {  	s2 =	sld [smem:$0x3FD9]  }
0x89: {  	s3 =	sld [smem:$0x3FFE];
	_ =	sdelay $0x1  }
0x8a: {  	s1 =	srdreg.scid  }
0x8b: {  	s0 =	sand.u32 $0x1, s1  }
0x8c: {  	s17 =	sshll.u32 s0, $0xA;
	s2 =	sadd.s32 s3, s2  }
0x8d: {  	s2 =	sadd.s32 s2, s17  }
0x8e: {  	[smem:$0x3FC0] =	sst s2  }
0x8f: {  	_ = 	snop  }
0x90: {  	s2 =	sld [smem:$0x3FD0];
	(tm) =	ssettm $0x1  }
0x91: {  	s18 =	sld [smem:$0x3FFB];
	_ =	sdelay $0x3  }
0x92: {  	_ =	strace s18  }
0x93: {  	s3 =	sld [smem:$0x3FFC];
	_ =	sdelay $0x3  }
0x94: {  	_ =	strace s3  }
0x95: {  	s3 =	sld [smem:$0x3FFD];
	_ =	sdelay $0x3  }
0x96: {  	_ =	strace s3  }
0x97: {  	_ =	strace $0x8FFFFFFF  }
0x98: {  	s19 =	sld [smem:$0x3FDB];
	_ =	sdelay $0x1  }
0x99: {  	s4 =	simm.s32 $_scs_section_size  }
0x9a: {  	s5 =	simm.s32 $_size__tile_overlayer_lowered;
	s6 =	simm.s32 $_tile_overlayer_lowered  }
0x9b: {  	s22 =	simm.s32 $0x1BFF;
	s21 =	sshll.u32 s6, $0x1;
	s3 =	sadd.s32 s4, s19  }
0x9c: {  	s7 =	simm.s32 $0x0;
	s20 =	sshll.u32 s5, $0x1;
	s5 =	sadd.s32 s21, s3  }
0x9d: {  	[timem:s7], [sflag:s22] =	dma.local [hbm:s5], s20  }
0x9e: {  	_ =	swait.ge [sflag:s22], s20  }
0x9f: {  	s4 =	ssub.s32 $0x0, s20;
	[sflag:s22] =	ssyncset.done $0x0  }
0xa0: {  	[sflag:s22] =	ssyncadd.s32 s4;
	_ =	sdelay $0x1  }
0xa1: {  	s23 =	simm.s32 $0x1B8B  }
0xa2: {  	_ =	swait.ge [sflag:s23], $0x1  }
0xa3: {  	[sflag:s23] =	ssyncset.done $0x0  }
0xa4: {  	s25 =	simm.s32 $0x1B8E;
	s24 =	sld [smem:$0x3FFE];
	[sflag:s23] =	ssyncadd.s32 $0xFFFFFFFF  }
0xa5: {  	s26 =	simm.s32 $execute0_lowered;
	[smem:$0x3FD2] =	sst s25  }
0xa6: {  	s5 =	sshll.u32 s26, $0x1;
	_ =	strace $0x8000004C;
	[dreg:$0x1] =	wrdreg $0xFFFFFFFF  }
0xa7: {  	s28 =	simm.s32 $_size_execute0_lowered;
	s3 =	sadd.s32 s3, s5;
	[dreg:$0x0] =	wrdreg $0x0  }
0xa8: {  	s5 =	sshll.u32 s28, $0x1;
	[dreg:$0x2] =	wrdreg s3  }
0xa9: {  	[dreg:$0x3] =	wrdreg s5  }
0xaa: {  	[dreg:$0x4] =	wrdreg $0xC0  }
0xab: {  	_ =	task [dreg:s7], $0x5FFFF  }
0xac: {  	[dreg:$0x1] =	wrdreg $0xFFFFFFFF  }
0xad: {  	[dreg:$0x0] =	wrdreg $0x60  }
0xae: {  	[dreg:$0x2] =	wrdreg s24  }
0xaf: {  	[dreg:$0x3] =	wrdreg s2  }
0xb0: {  	[dreg:$0x4] =	wrdreg $0xA8000  }
0xb1: {  	[dreg:$0x5] =	wrdreg $0x9  }
0xb2: {  	_ =	task.clear_ibuf [dreg:s7], $0x6FFFF;
	_ =	strace $0x9000004C  }
0xb3: {  	s29 =	simm.s32 $0x9;
	_ =	strace $0x8000004E  }
0xb4: {  	_ =	swait.ge [sflag:s29], $0x1  }
0xb5: {  	[sflag:s29] =	ssyncadd.s32 $0xFFFFFFFF  }
0xb6: {  	_ =	strace $0x9000004E  }
0xb7: {  	_ =	sfence  }
0xb8: {  	s30 =	sld [smem:$0x0];
	_ =	sdelay $0x2  }
0xb9: {  	s31 =	sshll.u32 s1, $0xD;
	s1 =	sshrl.u32 s1, $0x2  }
0xba: {  	s3 =	sand.u32 $0x4000, s31;
	s1 =	sadd.s32 s1, s30  }
0xbb: {  	s0 =	sor.u32 s3, s0;
	s1 =	sshll.u32 s1, $0x11  }
0xbc: {  	s0 =	sor.u32 s1, s0  }
0xbd: {  	s0 =	sadd.s32 $0x8F2B, s0  }
0xbe: {  	[sflag:s0] =	ssyncadd.remote.s32 $0x1  }
0xbf: {  	_ =	sfence.sel $0xFFFF  }
0xc0: {  	[dreg:$0x0] =	wrdreg $0xFFFFFFFF;
	(pc) =	sbr.abs _section_cstart, $3  }
0xc1: {  	[dreg:$0x1] =	wrdreg $0xFFFFFFFF  }
0xc2: {  	_ =	task.clear_ibuf [dreg:s7], $0x2FFFF;
	_ =	strace $0x9FFFFFFF  }
0xc3: {  	(tm) =	ssettm $0x7FFFFFFF  }
tec
execute0_lowered:
.L_overlay_start_1:
0x0: {  	(tag) =	ssettag $0x1  }
0x1: {  	s5 =	rddreg [dreg:$0x0]  }
0x2: {  	s10 =	rddreg [dreg:$0x1]  }
0x3: {  	s2 =	rddreg [dreg:$0x2]  }
0x4: {  	s0 =	rddreg [dreg:$0x3]  }
0x5: {  	s1 =	stileid.u32;
	s4 =	srdreg.scid;
	s3 =	simm.s32 $0x0  }
0x6: {  	s16 =	simm.s32 $0x80;
	s17 =	simm.s32 $0x2800;
	s18 =	simm.s32 $0x6800  }
0x7: {  	s19 =	simm.s32 $0x1;
	s20 =	simm.s32 $0x2;
	s21 =	simm.s32 $0x3  }
0x8: {  	s22 =	simm.s32 $0x4;
	s23 =	simm.s32 $0x2700;
	s6 =	smul.u32 $0x13C00, s1  }
0x9: {  	s24 =	simm.s32 $0x2780;
	s7 =	sand.u32 $0x1, s4;
	s11 =	smul.u32 $0x4F000, s1  }
0xa: {  	[smem:$0x7FF] =	sst s3;
	s4 =	sadd.s32 $0xA6000, s5;
	s13 =	smul.u32 $0x1400, s1  }
0xb: {  	s9 =	sadd.s32 $0xA1000, s5;
	s29 =	sshll.u32 s1, $0x6;
	s30 =	smul.u32 $0x280, s1  }
0xc: {  	s8 =	smul.u32 $0x13C000, s7;
	_ =	strace $0x8000004D;
	s26 =	ssub.s32 $0x2, s7  }
0xd: {  	p0 =	seq.s32 s7, $0x1;
	s28 =	sshrl.u32 s26, $0x1;
	s11 =	sshrl.u32 s11, $0x2  }
0xe: {  	s31 =	sshrl.u32 s13, $0x3;
	s7 =	sadd.s32 s9, s30;
	s8 =	sadd.s32 s6, s8  }
0xf: {  	s6 =	sshrl.u32 s6, $0x3;
	s14 =	ssub.s32 s26, s28;
	s15 =	sadd.s32 s11, s2  }
.Ltmp0:
0x10: {  	s11 =	sadd.s32 $0x2800, s31;
	s8 =	sshrl.u32 s8, $0x3;
	(pc) =	sbr.rel .LBB2_1-.Ltmp0, $4  }
0x11: {  	s6 =	sadd.s32 s6, s5;
	s9 =	sadd.s32 s9, s11;
	s13 =	sshrl.u32 s15, $0x3  }
0x12: {  	s15 =	simm.s32 $0x1400;
	s12 =	sadd.s32 s8, s5;
	s5 =	sadd.s32 $0x3600, s6  }
0x13: {  	s6 =	sor.u32 $0x1C05, s29;
	s8 =	sadd.s32 s10, s30;
	s10 =	sadd.s32 s10, s11  }
0x14: {  	s11 =	sadd.s32 $0xF4200, s12;
	s12 =	smax.u32 s14, $0x1;
	s14 =	simm.s32 $0x5  }
.LBB2_7:
0x15: {  	[tilespmem:s18], [sflag:$0x2] =	stream.indirect.gather [hbm4b:s4+s16], $0x80, s26, s16, $0xb8;
	[tilespmem:$0x1E400] =	vst v63  }
.LBB2_8:
0x16: {  	_ =	swait.ge [sflag:s19], $0x4000  }
0x17: {  	[sflag:s19] =	ssyncset.done $0x0  }
0x18: {  	[sflag:s19] =	ssyncadd.s32 $0xFFFFC000  }
0x19: {  	[spmem:s2] =	stream.indirect.scatter.add.f32 [tilespmem:s17], [sflag:$0x3], $0x80, s23, s16, $0xb8;
	[tilespmem:$0x1E400] =	vst v63  }
0x1a: {  	_ =	swait.ge [sflag:s20], $0x4000  }
0x1b: {  	[sflag:s20] =	ssyncset.done $0x0  }
0x1c: {  	[sflag:s20] =	ssyncadd.s32 $0xFFFFC000  }
0x1d: {  	[spmem:s2] =	stream.indirect.scatter.add.f32 [tilespmem:s18], [sflag:$0x4], $0x80, s24, s16, $0xb8;
	[tilespmem:$0x1E400] =	vst v63  }
0x1e: {  	_ =	swait.ge [sflag:s21], $0x4000  }
0x1f: {  	[sflag:s21] =	ssyncset.done $0x0  }
0x20: {  	[sflag:s21] =	ssyncadd.s32 $0xFFFFC000  }
0x21: {  	_ =	swait.ge [sflag:s22], $0x4000  }
0x22: {  	s3 =	sadd.s32 $0x1, s3;
	[sflag:s22] =	ssyncset.done $0x0  }
0x23: {  	p1 =	sne.s32 s3, s12;
	[sflag:s22] =	ssyncadd.s32 $0xFFFFC000  }
.Ltmp1:
0x24: {  	[bflag:$0x0] =	sbarrier.arrive $0xFFFF;
	(pc) =	sbr.rel @!p1 .LBB2_9-.Ltmp1, $4  }
0x25: {  	[hbm:s11], [sflag:s6] =	dma.local [spmem:s13], $0x2780  }
0x26: {  	_ =	swait.ge [sflag:s14], $0x2780  }
0x27: {  	[sflag:s14] =	ssyncset.done $0x0  }
0x28: {  	[sflag:s14] =	ssyncadd.s32 $0xFFFFD880  }
.LBB2_1:
.Ltmp2:
0x29: {  	(pc) =	sbr.rel @!p0 .LBB2_2-.Ltmp2, $4  }
0x2a: {  	[spmem:s13], [sflag:s6] =	dma.local [hbm:s5], $0x2780  }
0x2b: {  	_ =	swait.ge [sflag:s14], $0x2780  }
0x2c: {  	[sflag:s14] =	ssyncset.done $0x0  }
0x2d: {  	s25 =	simm.s32 $0x0;
	[sflag:s14] =	ssyncadd.s32 $0xFFFFD880  }
0x2e: {  	[tilespmem:s25], [sflag:$0x5] =	stream.linear.gather [hbm4b:s9+s25], $0x1400, $0x38;
	[tilespmem:$0x1E400] =	vst v63  }
0x2f: {  	_ =	swait.ge [sflag:s14], $0x1400  }
0x30: {  	[sflag:s14] =	ssyncset.done $0x0  }
0x31: {  	[sflag:s14] =	ssyncadd.s32 $0xFFFFEC00  }
0x32: {  	[tilespmem:s15], [sflag:$0x5] =	stream.linear.gather [hbm4b:s10+s25], $0x1400, $0x38;
	[tilespmem:$0x1E400] =	vst v63  }
0x33: {  	_ =	swait.ge [sflag:s14], $0x1400  }
0x34: {  	[sflag:s14] =	ssyncset.done $0x0  }
0x35: {  	[sflag:s14] =	ssyncadd.s32 $0xFFFFEC00  }
0x36: {  	[bflag:$0x0] =	sbarrier.arrive $0xFFFF  }
0x37: {  	[tilespmem:s17], [sflag:$0x1] =	stream.indirect.gather [hbm4b:s4+s16], $0x80, s25, s16, $0xb8;
	[tilespmem:$0x1E400] =	vst v63  }
0x38: {  	_ = 	snop  }
0x39: {  	[tilespmem:s18], [sflag:$0x2] =	stream.indirect.gather [hbm4b:s4+s16], $0x80, s16, s16, $0xb8;
	[tilespmem:$0x1E400] =	vst v63  }
0x3a: {  	_ =	swait.ge [sflag:s19], $0x4000  }
0x3b: {  	[sflag:s19] =	ssyncset.done $0x0  }
0x3c: {  	s29 =	simm.s32 $0x1400;
	[sflag:s19] =	ssyncadd.s32 $0xFFFFC000  }
0x3d: {  	[spmem:s2] =	stream.indirect.scatter.add.f32 [tilespmem:s17], [sflag:$0x3], $0x80, s29, s16, $0xb8;
	[tilespmem:$0x1E400] =	vst v63  }
0x3e: {  	_ =	swait.ge [sflag:s20], $0x4000  }
0x3f: {  	[sflag:s20] =	ssyncset.done $0x0  }
0x40: {  	s30 =	simm.s32 $0x1480;
	[sflag:s20] =	ssyncadd.s32 $0xFFFFC000  }
0x41: {  	[spmem:s2] =	stream.indirect.scatter.add.f32 [tilespmem:s18], [sflag:$0x4], $0x80, s30, s16, $0xb8;
	[tilespmem:$0x1E400] =	vst v63  }
0x42: {  	_ =	swait.ge [sflag:s21], $0x4000  }
0x43: {  	[sflag:s21] =	ssyncset.done $0x0  }
0x44: {  	s31 =	simm.s32 $0x100;
	[sflag:s21] =	ssyncadd.s32 $0xFFFFC000  }
0x45: {  	[tilespmem:s17], [sflag:$0x1] =	stream.indirect.gather [hbm4b:s4+s16], $0x80, s31, s16, $0xb8;
	[tilespmem:$0x1E400] =	vst v63  }
0x46: {  	_ =	swait.ge [sflag:s22], $0x4000  }
0x47: {  	[sflag:s22] =	ssyncset.done $0x0  }
0x48: {  	s26 =	simm.s32 $0x180;
	s25 =	simm.s32 $0x400;
	[sflag:s22] =	ssyncadd.s32 $0xFFFFC000  }
.LBB2_6:
0x49: {  	[tilespmem:s18], [sflag:$0x2] =	stream.indirect.gather [hbm4b:s4+s16], $0x80, s26, s16, $0xb8;
	[tilespmem:$0x1E400] =	vst v63  }
0x4a: {  	s26 =	smov.u32 s25  }
0x4b: {  	p1 =	sne.s32 s25, $0x4800;
	s25 =	sadd.s32 $0x400, s25;
	_ =	swait.ge [sflag:s19], $0x4000  }
0x4c: {  	s26 =	sshra.s32 s26, $0x2;
	[sflag:s19] =	ssyncset.done $0x0  }
0x4d: {  	s28 =	sadd.s32 $0x1400, s26;
	[sflag:s19] =	ssyncadd.s32 $0xFFFFC000  }
0x4e: {  	[spmem:s2] =	stream.indirect.scatter.add.f32 [tilespmem:s17], [sflag:$0x3], $0x80, s28, s16, $0xb8;
	[tilespmem:$0x1E400] =	vst v63  }
0x4f: {  	_ =	swait.ge [sflag:s20], $0x4000  }
0x50: {  	[sflag:s20] =	ssyncset.done $0x0  }
0x51: {  	s28 =	sadd.s32 $0x1480, s26;
	[sflag:s20] =	ssyncadd.s32 $0xFFFFC000  }
0x52: {  	[spmem:s2] =	stream.indirect.scatter.add.f32 [tilespmem:s18], [sflag:$0x4], $0x80, s28, s16, $0xb8;
	[tilespmem:$0x1E400] =	vst v63  }
0x53: {  	_ =	swait.ge [sflag:s21], $0x4000  }
0x54: {  	[sflag:s21] =	ssyncset.done $0x0  }
.Ltmp3:
0x55: {  	s28 =	sadd.s32 $0x100, s26;
	[sflag:s21] =	ssyncadd.s32 $0xFFFFC000;
	(pc) =	sbr.rel @p1 .LBB2_6-.Ltmp3, $4  }
0x56: {  	[tilespmem:s17], [sflag:$0x1] =	stream.indirect.gather [hbm4b:s4+s16], $0x80, s28, s16, $0xb8;
	[tilespmem:$0x1E400] =	vst v63  }
0x57: {  	_ =	swait.ge [sflag:s22], $0x4000  }
0x58: {  	[sflag:s22] =	ssyncset.done $0x0  }
0x59: {  	s26 =	sadd.s32 $0x180, s26;
	[sflag:s22] =	ssyncadd.s32 $0xFFFFC000  }
.Ltmp4:
0x5a: {  	_ = 	snop;
	(pc) =	sbr.rel .LBB2_7-.Ltmp4, $1  }
0x5b: {  	_ =	sdelay $0x3  }
.LBB2_2:
0x5c: {  	[tilespmem:s25], [sflag:$0x5] =	stream.linear.gather [hbm4b:s7+s25], $0x1400, $0x38;
	[tilespmem:$0x1E400] =	vst v63  }
0x5d: {  	_ =	swait.ge [sflag:s14], $0x1400  }
0x5e: {  	[sflag:s14] =	ssyncset.done $0x0  }
0x5f: {  	[sflag:s14] =	ssyncadd.s32 $0xFFFFEC00  }
0x60: {  	[tilespmem:s15], [sflag:$0x5] =	stream.linear.gather [hbm4b:s8+s25], $0x1400, $0x38;
	[tilespmem:$0x1E400] =	vst v63  }
0x61: {  	_ =	swait.ge [sflag:s14], $0x1400  }
0x62: {  	[sflag:s14] =	ssyncset.done $0x0  }
0x63: {  	[sflag:s14] =	ssyncadd.s32 $0xFFFFEC00  }
0x64: {  	[bflag:$0x0] =	sbarrier.arrive $0xFFFF  }
0x65: {  	[tilespmem:s17], [sflag:$0x1] =	stream.indirect.gather [hbm4b:s4+s16], $0x80, s25, s16, $0xb8;
	[tilespmem:$0x1E400] =	vst v63  }
0x66: {  	_ = 	snop  }
0x67: {  	[tilespmem:s18], [sflag:$0x2] =	stream.indirect.gather [hbm4b:s4+s16], $0x80, s16, s16, $0xb8;
	[tilespmem:$0x1E400] =	vst v63  }
0x68: {  	_ =	swait.ge [sflag:s19], $0x4000  }
0x69: {  	[sflag:s19] =	ssyncset.done $0x0  }
0x6a: {  	s29 =	simm.s32 $0x1400;
	[sflag:s19] =	ssyncadd.s32 $0xFFFFC000  }
0x6b: {  	[spmem:s2] =	stream.indirect.scatter.add.f32 [tilespmem:s17], [sflag:$0x3], $0x80, s29, s16, $0xb8;
	[tilespmem:$0x1E400] =	vst v63  }
0x6c: {  	_ =	swait.ge [sflag:s20], $0x4000  }
0x6d: {  	[sflag:s20] =	ssyncset.done $0x0  }
0x6e: {  	s30 =	simm.s32 $0x1480;
	[sflag:s20] =	ssyncadd.s32 $0xFFFFC000  }
0x6f: {  	[spmem:s2] =	stream.indirect.scatter.add.f32 [tilespmem:s18], [sflag:$0x4], $0x80, s30, s16, $0xb8;
	[tilespmem:$0x1E400] =	vst v63  }
0x70: {  	_ =	swait.ge [sflag:s21], $0x4000  }
0x71: {  	[sflag:s21] =	ssyncset.done $0x0  }
0x72: {  	s31 =	simm.s32 $0x100;
	[sflag:s21] =	ssyncadd.s32 $0xFFFFC000  }
0x73: {  	[tilespmem:s17], [sflag:$0x1] =	stream.indirect.gather [hbm4b:s4+s16], $0x80, s31, s16, $0xb8;
	[tilespmem:$0x1E400] =	vst v63  }
0x74: {  	_ =	swait.ge [sflag:s22], $0x4000  }
0x75: {  	[sflag:s22] =	ssyncset.done $0x0  }
0x76: {  	s26 =	simm.s32 $0x180;
	s25 =	simm.s32 $0x400;
	[sflag:s22] =	ssyncadd.s32 $0xFFFFC000  }
.LBB2_3:
0x77: {  	[tilespmem:s18], [sflag:$0x2] =	stream.indirect.gather [hbm4b:s4+s16], $0x80, s26, s16, $0xb8;
	[tilespmem:$0x1E400] =	vst v63  }
0x78: {  	s26 =	smov.u32 s25  }
0x79: {  	p1 =	seq.s32 s25, $0x4800;
	s25 =	sadd.s32 $0x400, s25;
	_ =	swait.ge [sflag:s19], $0x4000  }
0x7a: {  	s26 =	sshra.s32 s26, $0x2;
	[sflag:s19] =	ssyncset.done $0x0  }
0x7b: {  	s28 =	sadd.s32 $0x1400, s26;
	[sflag:s19] =	ssyncadd.s32 $0xFFFFC000  }
0x7c: {  	[spmem:s2] =	stream.indirect.scatter.add.f32 [tilespmem:s17], [sflag:$0x3], $0x80, s28, s16, $0xb8;
	[tilespmem:$0x1E400] =	vst v63  }
0x7d: {  	_ =	swait.ge [sflag:s20], $0x4000  }
0x7e: {  	[sflag:s20] =	ssyncset.done $0x0  }
0x7f: {  	s28 =	sadd.s32 $0x1480, s26;
	[sflag:s20] =	ssyncadd.s32 $0xFFFFC000  }
0x80: {  	[spmem:s2] =	stream.indirect.scatter.add.f32 [tilespmem:s18], [sflag:$0x4], $0x80, s28, s16, $0xb8;
	[tilespmem:$0x1E400] =	vst v63  }
0x81: {  	_ =	swait.ge [sflag:s21], $0x4000  }
0x82: {  	[sflag:s21] =	ssyncset.done $0x0  }
.Ltmp5:
0x83: {  	s28 =	sadd.s32 $0x100, s26;
	[sflag:s21] =	ssyncadd.s32 $0xFFFFC000;
	(pc) =	sbr.rel @!p1 .LBB2_3-.Ltmp5, $4  }
0x84: {  	[tilespmem:s17], [sflag:$0x1] =	stream.indirect.gather [hbm4b:s4+s16], $0x80, s28, s16, $0xb8;
	[tilespmem:$0x1E400] =	vst v63  }
0x85: {  	_ =	swait.ge [sflag:s22], $0x4000  }
0x86: {  	[sflag:s22] =	ssyncset.done $0x0  }
0x87: {  	s26 =	sadd.s32 $0x180, s26;
	[sflag:s22] =	ssyncadd.s32 $0xFFFFC000  }
.Ltmp6:
0x88: {  	(pc) =	sbr.rel .LBB2_8-.Ltmp6, $2  }
0x89: {  	_ =	sdelay $0x2  }
0x8a: {  	[tilespmem:s18], [sflag:$0x2] =	stream.indirect.gather [hbm4b:s4+s16], $0x80, s26, s16, $0xb8;
	[tilespmem:$0x1E400] =	vst v63  }
.LBB2_9:
0x8b: {  	_ =	sfence.sel $0x180000  }
0x8c: {  	[bflag:$0x0] =	sbarrier.arrive $0xFFFF  }
0x8d: {  	p0 =	sne.s32 s1, $0x0;
	_ =	strace $0x9000004D  }
0x8e: {  	s0 =	sadd.s32 @!p0 $0x100000, s0;
	[bflag:$0x2] =	sbarrier.arrive $0xFFFF  }
0x8f: {  	[sflag:s0] =	ssyncadd.tile.s32 @!p0 $0x1;
	_ =	shalt  }
.Lfunc_end2:
_tile_overlayer_lowered:
.L_overlay_start_2:
0x90: {  	(tag) =	ssettag $0x2  }
0x91: {  	s0 =	rddreg [dreg:$0x0];
	s2 =	stileid.u32  }
0x92: {  	s1 =	rddreg [dreg:$0x1];
	p0 =	sne.s32 s2, $0x0  }
0x93: {  	s3 =	rddreg [dreg:$0x2];
	[bflag:$0x3] =	sbarrier.arrive $0xFFFF;
	s2 =	simm.s32 @!p0 $0x1C05  }
0x94: {  	[timem:s3], [sflag:s2] =	dma.local @!p0 [hbm:s0], s1  }
0x95: {  	s0 =	simm.s32 @!p0 $0x5  }
0x96: {  	_ =	swait.ge @!p0 [sflag:s0], s1  }
0x97: {  	s1 =	ssub.s32 @!p0 $0x0, s1;
	[sflag:s0] =	ssyncset.done @!p0 $0x0  }
0x98: {  	[sflag:s0] =	ssyncadd.s32 @!p0 s1  }
0x99: {  	[bflag:$0x3] =	sbarrier.arrive $0xFFFF  }
0x9a: {  	_ =	shalt  }

// kernel: kernel.9.cloned.1.call-start
scs
__scs_entry_jumppad:
0x0: {  	(pc) =	sbr.rel $0x88, $3  }
0x1: {  	(tag) =	ssettag $0x0;
	lr =	simm.s32 $0x1  }
0x2: {  	[smem:$0x3F99] =	sst lr;
	_ =	strace $0xD0000000  }
0x3: {  	_ = 	snop  }
0x4: {  	_ = 	snop  }
0x5: {  	_ = 	snop  }
0x6: {  	_ = 	snop  }
0x7: {  	_ = 	snop  }
__scs_overlays_trampoline_lowered:
0x8: {  	[smem:$0x3FA8] =	sst s0  }
0x9: {  	[smem:$0x3FA9] =	sst s1  }
0xa: {  	[smem:$0x3FAA] =	sst s2  }
0xb: {  	[smem:$0x3FAB] =	sst s3  }
0xc: {  	[smem:$0x3FAC] =	sst s4  }
0xd: {  	[smem:$0x3FAD] =	sst s5  }
0xe: {  	[smem:$0x3FAE] =	sst s6  }
0xf: {  	[smem:$0x3FAF] =	sst s7  }
0x10: {  	[smem:$0x3FB0] =	sst s8  }
0x11: {  	[smem:$0x3FB1] =	sst s9;
	s0 =	simm.s32 @!p0 $0x0  }
0x12: {  	s1 =	sld [smem:$0x3F97];
	s0 =	simm.s32 @p0 $0x1  }
0x13: {  	[smem:$0x3FB2] =	sst s0;
	s0 =	simm.s32 @!p1 $0x0  }
0x14: {  	s2 =	sld [smem:$0x3F96];
	s0 =	simm.s32 @p1 $0x1  }
0x15: {  	[smem:$0x3FB3] =	sst s0;
	s0 =	simm.s32 @!p2 $0x0  }
0x16: {  	s3 =	sld [smem:$0x3FDB];
	s0 =	simm.s32 @p2 $0x1  }
0x17: {  	s4 =	simm.s32 $0x1BF5;
	[smem:$0x3FB5] =	sst s0  }
0x18: {  	s0 =	sld [smem:$0x3F98];
	_ =	swait.ge [sflag:s4], $0x0  }
0x19: {  	s7 =	sld [smem:$0x3F99]  }
0x1a: {  	s8 =	sadd.s32 $0xFFFFE003, lr  }
0x1b: {  	s9 =	sadd.s32 $0xFFFFFEF7, lr;
	s5 =	simm.s32 $0xFFFFFFFF;
	p2 =	slt.u32 s8, $0xFFFFF086  }
0x1c: {  	p1 =	slt.u32 s9, $0xF7A;
	s5 =	simm.s32 @!p2 $0x0  }
0x1d: {  	s5 =	simm.s32 @p1 $0x1;
	p0 =	seq.s32 s7, s2  }
0x1e: {  	s7 =	smul.u32 @!p0 $0xF7A, s2;
	p2 =	seq.s32 @!p0 s5, $0x0  }
0x1f: {  	s9 =	smul.u32 $0xF7A, s1;
	s8 =	simm.s32 @!p0 $0x1BF5;
	p2 =	por !p2, p0  }
0x20: {  	[sflag:s8] =	ssyncset.s32 @!p0 $0xFFFFF086;
	s6 =	sadd.s32 @!p0 s3, s7;
	s7 =	simm.s32 @!p0 $0x108  }
0x21: {  	s3 =	sadd.s32 s3, s9;
	s6 =	sadd.s32 @!p0 $0x88, s6;
	s7 =	simm.s32 @p2 $0x1082  }
0x22: {  	[simem:s7], [sflag:s8] =	dma.local @!p0 [hbm:s6], $0xF7A  }
0x23: {  	s9 =	sor.u32 $0xD0000000, s2;
	s6 =	simm.s32 $0x108;
	_ =	swait.ge @!p0 [sflag:s8], $0x0  }
0x24: {  	s3 =	sadd.s32 $0x88, s3;
	s6 =	simm.s32 @!p1 $0x1082;
	[sflag:s4] =	ssyncset.s32 $0xFFFFF086  }
0x25: {  	[simem:s6], [sflag:s4] =	dma.local [hbm:s3], $0xF7A  }
0x26: {  	[smem:$0x3F99] =	sst s1;
	(tag) =	ssettag s2;
	_ =	strace s9  }
0x27: {  	s1 =	sld [smem:$0x3FA9]  }
0x28: {  	s2 =	sld [smem:$0x3FAA]  }
0x29: {  	s4 =	sld [smem:$0x3FAC]  }
0x2a: {  	p0 =	seq.s32 s5, $0x0;
	s5 =	sld [smem:$0x3FAD]  }
0x2b: {  	s6 =	sld [smem:$0x3FAE]  }
0x2c: {  	s7 =	sld [smem:$0x3FAF]  }
0x2d: {  	s3 =	simm.s32 $0x108;
	s8 =	sld [smem:$0x3FB0]  }
0x2e: {  	s3 =	simm.s32 @!p0 $0x1082;
	s9 =	sld [smem:$0x3FB1]  }
0x2f: {  	lr =	sadd.s32 s0, s3;
	s0 =	sld [smem:$0x3FA8]  }
0x30: {  	s3 =	sld [smem:$0x3FAB]  }
0x31: {  	[smem:$0x3FB4] =	sst s10  }
0x32: {  	s10 =	sld [smem:$0x3FB2];
	_ =	sdelay $0x3  }
0x33: {  	p0 =	seq.s32 s10, $0x1;
	s10 =	sld [smem:$0x3FB4];
	_ =	sdelay $0x3  }
0x34: {  	[smem:$0x3FB4] =	sst s10  }
0x35: {  	s10 =	sld [smem:$0x3FB3];
	_ =	sdelay $0x3  }
0x36: {  	p1 =	seq.s32 s10, $0x1;
	s10 =	sld [smem:$0x3FB4];
	_ =	sdelay $0x3  }
0x37: {  	[smem:$0x3FB4] =	sst s10  }
0x38: {  	s10 =	sld [smem:$0x3FB5]  }
0x39: {  	_ = 	snop;
	(pc) =	sbr.ind lr, $3  }
0x3a: {  	_ = 	snop  }
0x3b: {  	_ = 	snop  }
0x3c: {  	p2 =	seq.s32 s10, $0x1;
	s10 =	sld [smem:$0x3FB4]  }
0x3d: {  	_ =	shalt  }
0x3e: {  	_ =	shalt  }
0x3f: {  	_ =	shalt  }
0x40: {  	_ =	shalt  }
0x41: {  	_ =	shalt  }
0x42: {  	_ =	shalt  }
0x43: {  	_ =	shalt  }
0x44: {  	_ =	shalt  }
0x45: {  	_ =	shalt  }
0x46: {  	_ =	shalt  }
0x47: {  	_ =	shalt  }
0x48: {  	_ =	shalt  }
0x49: {  	_ =	shalt  }
0x4a: {  	_ =	shalt  }
0x4b: {  	_ =	shalt  }
0x4c: {  	_ =	shalt  }
0x4d: {  	_ =	shalt  }
0x4e: {  	_ =	shalt  }
0x4f: {  	_ =	shalt  }
0x50: {  	_ =	shalt  }
0x51: {  	_ =	shalt  }
0x52: {  	_ =	shalt  }
0x53: {  	_ =	shalt  }
0x54: {  	_ =	shalt  }
0x55: {  	_ =	shalt  }
0x56: {  	_ =	shalt  }
0x57: {  	_ =	shalt  }
0x58: {  	_ =	shalt  }
0x59: {  	_ =	shalt  }
0x5a: {  	_ =	shalt  }
0x5b: {  	_ =	shalt  }
0x5c: {  	_ =	shalt  }
0x5d: {  	_ =	shalt  }
0x5e: {  	_ =	shalt  }
0x5f: {  	_ =	shalt  }
0x60: {  	_ =	shalt  }
0x61: {  	_ =	shalt  }
0x62: {  	_ =	shalt  }
0x63: {  	_ =	shalt  }
0x64: {  	_ =	shalt  }
0x65: {  	_ =	shalt  }
0x66: {  	_ =	shalt  }
0x67: {  	_ =	shalt  }
0x68: {  	_ =	shalt  }
0x69: {  	_ =	shalt  }
0x6a: {  	_ =	shalt  }
0x6b: {  	_ =	shalt  }
0x6c: {  	_ =	shalt  }
0x6d: {  	_ =	shalt  }
0x6e: {  	_ =	shalt  }
0x6f: {  	_ =	shalt  }
0x70: {  	_ =	shalt  }
0x71: {  	_ =	shalt  }
0x72: {  	_ =	shalt  }
0x73: {  	_ =	shalt  }
0x74: {  	_ =	shalt  }
0x75: {  	_ =	shalt  }
0x76: {  	_ =	shalt  }
0x77: {  	_ =	shalt  }
0x78: {  	_ =	shalt  }
0x79: {  	_ =	shalt  }
0x7a: {  	_ =	shalt  }
0x7b: {  	_ =	shalt  }
0x7c: {  	_ =	shalt  }
0x7d: {  	_ =	shalt  }
0x7e: {  	_ =	shalt  }
0x7f: {  	_ =	shalt  }
0x80: {  	_ =	shalt  }
0x81: {  	_ =	shalt  }
0x82: {  	_ =	shalt  }
0x83: {  	_ =	shalt  }
0x84: {  	_ =	shalt  }
0x85: {  	_ =	shalt  }
0x86: {  	_ =	shalt  }
0x87: {  	_ =	shalt  }
.Lfunc_end0:
.L_simem_size_0:
called_computation_lowered:
.L_overlay_start_0:
0x88: {  	s2 =	sld [smem:$0x3FD9]  }
0x89: {  	s3 =	sld [smem:$0x3FFE];
	_ =	sdelay $0x1  }
0x8a: {  	s1 =	srdreg.scid  }
0x8b: {  	s0 =	sand.u32 $0x1, s1  }
0x8c: {  	s17 =	sshll.u32 s0, $0xA;
	s2 =	sadd.s32 s3, s2  }
0x8d: {  	s2 =	sadd.s32 s2, s17  }
0x8e: {  	[smem:$0x3FC0] =	sst s2  }
0x8f: {  	_ = 	snop  }
0x90: {  	s2 =	sld [smem:$0x3FD0];
	(tm) =	ssettm $0x1  }
0x91: {  	s18 =	sld [smem:$0x3FFB];
	_ =	sdelay $0x3  }
0x92: {  	_ =	strace s18  }
0x93: {  	s3 =	sld [smem:$0x3FFC];
	_ =	sdelay $0x3  }
0x94: {  	_ =	strace s3  }
0x95: {  	s3 =	sld [smem:$0x3FFD];
	_ =	sdelay $0x3  }
0x96: {  	_ =	strace s3  }
0x97: {  	_ =	strace $0x8FFFFFFF  }
0x98: {  	s19 =	sld [smem:$0x3FDB];
	_ =	sdelay $0x1  }
0x99: {  	s4 =	simm.s32 $_scs_section_size  }
0x9a: {  	s5 =	simm.s32 $_size__tile_overlayer_lowered;
	s6 =	simm.s32 $_tile_overlayer_lowered  }
0x9b: {  	s22 =	simm.s32 $0x1BFF;
	s21 =	sshll.u32 s6, $0x1;
	s3 =	sadd.s32 s4, s19  }
0x9c: {  	s7 =	simm.s32 $0x0;
	s20 =	sshll.u32 s5, $0x1;
	s5 =	sadd.s32 s21, s3  }
0x9d: {  	[timem:s7], [sflag:s22] =	dma.local [hbm:s5], s20  }
0x9e: {  	_ =	swait.ge [sflag:s22], s20  }
0x9f: {  	s4 =	ssub.s32 $0x0, s20;
	[sflag:s22] =	ssyncset.done $0x0  }
0xa0: {  	[sflag:s22] =	ssyncadd.s32 s4;
	_ =	sdelay $0x1  }
0xa1: {  	s23 =	simm.s32 $0x1B8B  }
0xa2: {  	_ =	swait.ge [sflag:s23], $0x1  }
0xa3: {  	[sflag:s23] =	ssyncset.done $0x0  }
0xa4: {  	s25 =	simm.s32 $0x1B8E;
	s24 =	sld [smem:$0x3FFE];
	[sflag:s23] =	ssyncadd.s32 $0xFFFFFFFF  }
0xa5: {  	s26 =	simm.s32 $execute0_lowered;
	[smem:$0x3FD2] =	sst s25  }
0xa6: {  	s5 =	sshll.u32 s26, $0x1;
	_ =	strace $0x80000046;
	[dreg:$0x1] =	wrdreg $0xFFFFFFFF  }
0xa7: {  	s28 =	simm.s32 $_size_execute0_lowered;
	s3 =	sadd.s32 s3, s5;
	[dreg:$0x0] =	wrdreg $0x0  }
0xa8: {  	s5 =	sshll.u32 s28, $0x1;
	[dreg:$0x2] =	wrdreg s3  }
0xa9: {  	[dreg:$0x3] =	wrdreg s5  }
0xaa: {  	[dreg:$0x4] =	wrdreg $0xC0  }
0xab: {  	_ =	task [dreg:s7], $0x5FFFF  }
0xac: {  	[dreg:$0x1] =	wrdreg $0xFFFFFFFF  }
0xad: {  	[dreg:$0x0] =	wrdreg $0x60  }
0xae: {  	[dreg:$0x2] =	wrdreg s2  }
0xaf: {  	[dreg:$0x3] =	wrdreg s24  }
0xb0: {  	[dreg:$0x4] =	wrdreg $0x54000  }
0xb1: {  	[dreg:$0x5] =	wrdreg $0x9  }
0xb2: {  	_ =	task.clear_ibuf [dreg:s7], $0x6FFFF;
	_ =	strace $0x90000046  }
0xb3: {  	s29 =	simm.s32 $0x9;
	_ =	strace $0x80000048  }
0xb4: {  	_ =	swait.ge [sflag:s29], $0x1  }
0xb5: {  	[sflag:s29] =	ssyncadd.s32 $0xFFFFFFFF  }
0xb6: {  	_ =	strace $0x90000048  }
0xb7: {  	_ =	sfence  }
0xb8: {  	s30 =	sld [smem:$0x0];
	_ =	sdelay $0x2  }
0xb9: {  	s31 =	sshll.u32 s1, $0xD;
	s1 =	sshrl.u32 s1, $0x2  }
0xba: {  	s3 =	sand.u32 $0x4000, s31;
	s1 =	sadd.s32 s1, s30  }
0xbb: {  	s0 =	sor.u32 s3, s0;
	s1 =	sshll.u32 s1, $0x11  }
0xbc: {  	s0 =	sor.u32 s1, s0  }
0xbd: {  	s0 =	sadd.s32 $0x8F2B, s0  }
0xbe: {  	[sflag:s0] =	ssyncadd.remote.s32 $0x1  }
0xbf: {  	_ =	sfence.sel $0xFFFF  }
0xc0: {  	[dreg:$0x0] =	wrdreg $0xFFFFFFFF;
	(pc) =	sbr.abs _section_cstart, $3  }
0xc1: {  	[dreg:$0x1] =	wrdreg $0xFFFFFFFF  }
0xc2: {  	_ =	task.clear_ibuf [dreg:s7], $0x2FFFF;
	_ =	strace $0x9FFFFFFF  }
0xc3: {  	(tm) =	ssettm $0x7FFFFFFF  }
tec
execute0_lowered:
.L_overlay_start_1:
0x0: {  	(tag) =	ssettag $0x1  }
0x1: {  	s0 =	rddreg [dreg:$0x0]  }
0x2: {  	s1 =	rddreg [dreg:$0x1];
	s12 =	stileid.u32  }
0x3: {  	s3 =	srdreg.scid;
	s2 =	rddreg [dreg:$0x2];
	s13 =	simm.s32 $0x80  }
0x4: {  	s17 =	simm.s32 $0xC00;
	s18 =	simm.s32 $0xC80;
	s19 =	simm.s32 $0xD00  }
0x5: {  	s20 =	simm.s32 $0xD80;
	s21 =	simm.s32 $0xE00;
	s22 =	simm.s32 $0xE80  }
0x6: {  	s28 =	simm.s32 $0x1100;
	s29 =	simm.s32 $0x1180;
	s30 =	simm.s32 $0x1200  }
0x7: {  	s31 =	simm.s32 $0x1280;
	s14 =	simm.s32 $0x1;
	s4 =	smul.u32 $0x13C00, s12  }
0x8: {  	s15 =	simm.s32 $0x0;
	s5 =	sand.u32 $0x1, s3;
	s9 =	smul.u32 $0x4F000, s12  }
0x9: {  	s3 =	simm.s32 $0x0;
	s26 =	sshll.u32 s12, $0x6;
	s6 =	smul.u32 $0x13C000, s5  }
0xa: {  	[smem:$0x7FF] =	sst s3;
	s8 =	ssub.s32 $0x2, s5;
	s5 =	sshll.u32 s5, $0x4  }
0xb: {  	_ =	strace $0x80000047;
	s7 =	sshrl.u32 s4, $0x3;
	s23 =	sshrl.u32 s8, $0x1  }
0xc: {  	s5 =	sor.u32 s12, s5;
	s24 =	sshrl.u32 s9, $0x2;
	s12 =	simm.s32 $0x1400  }
0xd: {  	s6 =	sadd.s32 s4, s6;
	s4 =	sadd.s32 $0x2E00, s1;
	s7 =	sadd.s32 s7, s1  }
0xe: {  	s10 =	ssub.s32 s8, s23;
	s25 =	smul.u32 $0x280, s5;
	s11 =	sadd.s32 s24, s2  }
0xf: {  	s23 =	simm.s32 $0xF00;
	s24 =	simm.s32 $0xF80;
	s6 =	sshrl.u32 s6, $0x3  }
0x10: {  	s5 =	sadd.s32 $0x3600, s7;
	s9 =	smax.u32 s10, $0x1;
	s10 =	sshrl.u32 s11, $0x3  }
0x11: {  	s11 =	simm.s32 $0x2;
	s1 =	sadd.s32 s6, s1;
	s6 =	sor.u32 $0x1C02, s26  }
0x12: {  	s7 =	sadd.s32 s0, s25;
	s25 =	simm.s32 $0x1000;
	s26 =	simm.s32 $0x1080  }
0x13: {  	s0 =	simm.s32 $0x1380;
	s8 =	sadd.s32 $0x2AE00, s1;
	s1 =	simm.s32 $0x1300  }
.LBB2_1:
0x14: {  	[spmem:s10], [sflag:s6] =	dma.local [hbm:s5], $0x2780  }
0x15: {  	_ =	swait.ge [sflag:s11], $0x2780  }
0x16: {  	[sflag:s11] =	ssyncset.done $0x0  }
0x17: {  	[sflag:s11] =	ssyncadd.s32 $0xFFFFD880  }
0x18: {  	[tilespmem:s12], [sflag:$0x2] =	stream.linear.gather [hbm4b:s4+s3], $0x4000, $0x38;
	[tilespmem:$0x19000] =	vst v63  }
0x19: {  	_ =	swait.ge [sflag:s11], $0x4000  }
0x1a: {  	[sflag:s11] =	ssyncset.done $0x0  }
0x1b: {  	[sflag:s11] =	ssyncadd.s32 $0xFFFFC000  }
0x1c: {  	[tilespmem:s3], [sflag:$0x2] =	stream.linear.gather [hbm4b:s7+s3], $0x1400, $0x38;
	[tilespmem:$0x19000] =	vst v63  }
0x1d: {  	_ =	swait.ge [sflag:s11], $0x1400  }
0x1e: {  	[sflag:s11] =	ssyncset.done $0x0  }
0x1f: {  	[sflag:s11] =	ssyncadd.s32 $0xFFFFEC00  }
0x20: {  	[bflag:$0x0] =	sbarrier.arrive $0xFFFF  }
0x21: {  	[spmem:s2] =	stream.indirect.scatter.add.f32 [tilespmem:s12], [sflag:$0x1], $0x80, s3, s13, $0xb8;
	[tilespmem:$0x19000] =	vst v63  }
0x22: {  	_ = 	snop  }
0x23: {  	[spmem:s2] =	stream.indirect.scatter.add.f32 [tilespmem:s12], [sflag:$0x1], $0x80, s13, s13, $0xb8;
	[tilespmem:$0x19000] =	vst v63  }
0x24: {  	s16 =	simm.s32 $0x100  }
0x25: {  	[spmem:s2] =	stream.indirect.scatter.add.f32 [tilespmem:s12], [sflag:$0x1], $0x80, s16, s13, $0xb8;
	[tilespmem:$0x19000] =	vst v63  }
0x26: {  	s16 =	simm.s32 $0x180  }
0x27: {  	[spmem:s2] =	stream.indirect.scatter.add.f32 [tilespmem:s12], [sflag:$0x1], $0x80, s16, s13, $0xb8;
	[tilespmem:$0x19000] =	vst v63  }
0x28: {  	s16 =	simm.s32 $0x200  }
0x29: {  	[spmem:s2] =	stream.indirect.scatter.add.f32 [tilespmem:s12], [sflag:$0x1], $0x80, s16, s13, $0xb8;
	[tilespmem:$0x19000] =	vst v63  }
0x2a: {  	s16 =	simm.s32 $0x280  }
0x2b: {  	[spmem:s2] =	stream.indirect.scatter.add.f32 [tilespmem:s12], [sflag:$0x1], $0x80, s16, s13, $0xb8;
	[tilespmem:$0x19000] =	vst v63  }
0x2c: {  	s16 =	simm.s32 $0x300  }
0x2d: {  	[spmem:s2] =	stream.indirect.scatter.add.f32 [tilespmem:s12], [sflag:$0x1], $0x80, s16, s13, $0xb8;
	[tilespmem:$0x19000] =	vst v63  }
0x2e: {  	s16 =	simm.s32 $0x380  }
0x2f: {  	[spmem:s2] =	stream.indirect.scatter.add.f32 [tilespmem:s12], [sflag:$0x1], $0x80, s16, s13, $0xb8;
	[tilespmem:$0x19000] =	vst v63  }
0x30: {  	s16 =	simm.s32 $0x400  }
0x31: {  	[spmem:s2] =	stream.indirect.scatter.add.f32 [tilespmem:s12], [sflag:$0x1], $0x80, s16, s13, $0xb8;
	[tilespmem:$0x19000] =	vst v63  }
0x32: {  	s16 =	simm.s32 $0x480  }
0x33: {  	[spmem:s2] =	stream.indirect.scatter.add.f32 [tilespmem:s12], [sflag:$0x1], $0x80, s16, s13, $0xb8;
	[tilespmem:$0x19000] =	vst v63  }
0x34: {  	s16 =	simm.s32 $0x500  }
0x35: {  	[spmem:s2] =	stream.indirect.scatter.add.f32 [tilespmem:s12], [sflag:$0x1], $0x80, s16, s13, $0xb8;
	[tilespmem:$0x19000] =	vst v63  }
0x36: {  	s16 =	simm.s32 $0x580  }
0x37: {  	[spmem:s2] =	stream.indirect.scatter.add.f32 [tilespmem:s12], [sflag:$0x1], $0x80, s16, s13, $0xb8;
	[tilespmem:$0x19000] =	vst v63  }
0x38: {  	s16 =	simm.s32 $0x600  }
0x39: {  	[spmem:s2] =	stream.indirect.scatter.add.f32 [tilespmem:s12], [sflag:$0x1], $0x80, s16, s13, $0xb8;
	[tilespmem:$0x19000] =	vst v63  }
0x3a: {  	s16 =	simm.s32 $0x680  }
0x3b: {  	[spmem:s2] =	stream.indirect.scatter.add.f32 [tilespmem:s12], [sflag:$0x1], $0x80, s16, s13, $0xb8;
	[tilespmem:$0x19000] =	vst v63  }
0x3c: {  	s16 =	simm.s32 $0x700  }
0x3d: {  	[spmem:s2] =	stream.indirect.scatter.add.f32 [tilespmem:s12], [sflag:$0x1], $0x80, s16, s13, $0xb8;
	[tilespmem:$0x19000] =	vst v63  }
0x3e: {  	s16 =	simm.s32 $0x780  }
0x3f: {  	[spmem:s2] =	stream.indirect.scatter.add.f32 [tilespmem:s12], [sflag:$0x1], $0x80, s16, s13, $0xb8;
	[tilespmem:$0x19000] =	vst v63  }
0x40: {  	s16 =	simm.s32 $0x800  }
0x41: {  	[spmem:s2] =	stream.indirect.scatter.add.f32 [tilespmem:s12], [sflag:$0x1], $0x80, s16, s13, $0xb8;
	[tilespmem:$0x19000] =	vst v63  }
0x42: {  	s16 =	simm.s32 $0x880  }
0x43: {  	[spmem:s2] =	stream.indirect.scatter.add.f32 [tilespmem:s12], [sflag:$0x1], $0x80, s16, s13, $0xb8;
	[tilespmem:$0x19000] =	vst v63  }
0x44: {  	s16 =	simm.s32 $0x900  }
0x45: {  	[spmem:s2] =	stream.indirect.scatter.add.f32 [tilespmem:s12], [sflag:$0x1], $0x80, s16, s13, $0xb8;
	[tilespmem:$0x19000] =	vst v63  }
0x46: {  	s16 =	simm.s32 $0x980  }
0x47: {  	[spmem:s2] =	stream.indirect.scatter.add.f32 [tilespmem:s12], [sflag:$0x1], $0x80, s16, s13, $0xb8;
	[tilespmem:$0x19000] =	vst v63  }
0x48: {  	s16 =	simm.s32 $0xA00  }
0x49: {  	[spmem:s2] =	stream.indirect.scatter.add.f32 [tilespmem:s12], [sflag:$0x1], $0x80, s16, s13, $0xb8;
	[tilespmem:$0x19000] =	vst v63  }
0x4a: {  	s16 =	simm.s32 $0xA80  }
0x4b: {  	[spmem:s2] =	stream.indirect.scatter.add.f32 [tilespmem:s12], [sflag:$0x1], $0x80, s16, s13, $0xb8;
	[tilespmem:$0x19000] =	vst v63  }
0x4c: {  	s16 =	simm.s32 $0xB00  }
0x4d: {  	[spmem:s2] =	stream.indirect.scatter.add.f32 [tilespmem:s12], [sflag:$0x1], $0x80, s16, s13, $0xb8;
	[tilespmem:$0x19000] =	vst v63  }
0x4e: {  	s16 =	simm.s32 $0xB80  }
0x4f: {  	[spmem:s2] =	stream.indirect.scatter.add.f32 [tilespmem:s12], [sflag:$0x1], $0x80, s16, s13, $0xb8;
	[tilespmem:$0x19000] =	vst v63  }
0x50: {  	_ = 	snop  }
0x51: {  	[spmem:s2] =	stream.indirect.scatter.add.f32 [tilespmem:s12], [sflag:$0x1], $0x80, s17, s13, $0xb8;
	[tilespmem:$0x19000] =	vst v63  }
0x52: {  	_ = 	snop  }
0x53: {  	[spmem:s2] =	stream.indirect.scatter.add.f32 [tilespmem:s12], [sflag:$0x1], $0x80, s18, s13, $0xb8;
	[tilespmem:$0x19000] =	vst v63  }
0x54: {  	_ = 	snop  }
0x55: {  	[spmem:s2] =	stream.indirect.scatter.add.f32 [tilespmem:s12], [sflag:$0x1], $0x80, s19, s13, $0xb8;
	[tilespmem:$0x19000] =	vst v63  }
0x56: {  	_ = 	snop  }
0x57: {  	[spmem:s2] =	stream.indirect.scatter.add.f32 [tilespmem:s12], [sflag:$0x1], $0x80, s20, s13, $0xb8;
	[tilespmem:$0x19000] =	vst v63  }
0x58: {  	_ = 	snop  }
0x59: {  	[spmem:s2] =	stream.indirect.scatter.add.f32 [tilespmem:s12], [sflag:$0x1], $0x80, s21, s13, $0xb8;
	[tilespmem:$0x19000] =	vst v63  }
0x5a: {  	_ = 	snop  }
0x5b: {  	[spmem:s2] =	stream.indirect.scatter.add.f32 [tilespmem:s12], [sflag:$0x1], $0x80, s22, s13, $0xb8;
	[tilespmem:$0x19000] =	vst v63  }
0x5c: {  	_ = 	snop  }
0x5d: {  	[spmem:s2] =	stream.indirect.scatter.add.f32 [tilespmem:s12], [sflag:$0x1], $0x80, s23, s13, $0xb8;
	[tilespmem:$0x19000] =	vst v63  }
0x5e: {  	_ = 	snop  }
0x5f: {  	[spmem:s2] =	stream.indirect.scatter.add.f32 [tilespmem:s12], [sflag:$0x1], $0x80, s24, s13, $0xb8;
	[tilespmem:$0x19000] =	vst v63  }
0x60: {  	_ = 	snop  }
0x61: {  	[spmem:s2] =	stream.indirect.scatter.add.f32 [tilespmem:s12], [sflag:$0x1], $0x80, s25, s13, $0xb8;
	[tilespmem:$0x19000] =	vst v63  }
0x62: {  	_ = 	snop  }
0x63: {  	[spmem:s2] =	stream.indirect.scatter.add.f32 [tilespmem:s12], [sflag:$0x1], $0x80, s26, s13, $0xb8;
	[tilespmem:$0x19000] =	vst v63  }
0x64: {  	_ = 	snop  }
0x65: {  	[spmem:s2] =	stream.indirect.scatter.add.f32 [tilespmem:s12], [sflag:$0x1], $0x80, s28, s13, $0xb8;
	[tilespmem:$0x19000] =	vst v63  }
0x66: {  	_ = 	snop  }
0x67: {  	[spmem:s2] =	stream.indirect.scatter.add.f32 [tilespmem:s12], [sflag:$0x1], $0x80, s29, s13, $0xb8;
	[tilespmem:$0x19000] =	vst v63  }
0x68: {  	_ = 	snop  }
0x69: {  	[spmem:s2] =	stream.indirect.scatter.add.f32 [tilespmem:s12], [sflag:$0x1], $0x80, s30, s13, $0xb8;
	[tilespmem:$0x19000] =	vst v63  }
0x6a: {  	_ = 	snop  }
0x6b: {  	[spmem:s2] =	stream.indirect.scatter.add.f32 [tilespmem:s12], [sflag:$0x1], $0x80, s31, s13, $0xb8;
	[tilespmem:$0x19000] =	vst v63  }
0x6c: {  	_ = 	snop  }
0x6d: {  	[spmem:s2] =	stream.indirect.scatter.add.f32 [tilespmem:s12], [sflag:$0x1], $0x80, s1, s13, $0xb8;
	[tilespmem:$0x19000] =	vst v63  }
0x6e: {  	_ = 	snop  }
0x6f: {  	[spmem:s2] =	stream.indirect.scatter.add.f32 [tilespmem:s12], [sflag:$0x1], $0x80, s0, s13, $0xb8;
	[tilespmem:$0x19000] =	vst v63  }
0x70: {  	_ =	swait.ge [sflag:s14], $0x4000  }
0x71: {  	s16 =	simm.s32 $0x27;
	[sflag:s14] =	ssyncset.done $0x0  }
.LBB2_2:
0x72: {  	p0 =	sne.s32 s16, $0x1;
	s16 =	sadd.s32 $0xFFFFFFFF, s16;
	[sflag:s14] =	ssyncadd.s32 $0xFFFFC000  }
.Ltmp0:
0x73: {  	(pc) =	sbr.rel @p0 .LBB2_2-.Ltmp0, $3  }
0x74: {  	_ =	sdelay $0x1  }
0x75: {  	_ =	swait.ge [sflag:s14], $0x4000  }
0x76: {  	[sflag:s14] =	ssyncset.done $0x0  }
0x77: {  	s15 =	sadd.s32 $0x1, s15  }
0x78: {  	[sflag:s14] =	ssyncadd.s32 $0xFFFFC000;
	p0 =	sne.s32 s15, s9  }
.Ltmp1:
0x79: {  	[bflag:$0x0] =	sbarrier.arrive $0xFFFF;
	(pc) =	sbr.rel @p0 .LBB2_1-.Ltmp1, $4  }
0x7a: {  	[hbm:s8], [sflag:s6] =	dma.local [spmem:s10], $0x2780  }
0x7b: {  	_ =	swait.ge [sflag:s11], $0x2780  }
0x7c: {  	[sflag:s11] =	ssyncset.done $0x0  }
0x7d: {  	[sflag:s11] =	ssyncadd.s32 $0xFFFFD880  }
0x7e: {  	_ =	sfence.sel $0x180000  }
0x7f: {  	[bflag:$0x0] =	sbarrier.arrive $0xFFFF  }
0x80: {  	_ =	strace $0x90000047  }
0x81: {  	s0 =	stileid.u32;
	[bflag:$0x2] =	sbarrier.arrive $0xFFFF  }
0x82: {  	p0 =	sne.s32 s0, $0x0;
	s0 =	rddreg [dreg:$0x3]  }
0x83: {  	s0 =	sadd.s32 @!p0 $0x100000, s0  }
0x84: {  	[sflag:s0] =	ssyncadd.tile.s32 @!p0 $0x1;
	_ =	shalt  }
.Lfunc_end2:
_tile_overlayer_lowered:
.L_overlay_start_2:
0x85: {  	(tag) =	ssettag $0x2  }
0x86: {  	s0 =	rddreg [dreg:$0x0];
	s2 =	stileid.u32  }
0x87: {  	s1 =	rddreg [dreg:$0x1];
	p0 =	sne.s32 s2, $0x0  }
0x88: {  	s3 =	rddreg [dreg:$0x2];
	[bflag:$0x3] =	sbarrier.arrive $0xFFFF;
	s2 =	simm.s32 @!p0 $0x1C02  }
0x89: {  	[timem:s3], [sflag:s2] =	dma.local @!p0 [hbm:s0], s1  }
0x8a: {  	s0 =	simm.s32 @!p0 $0x2  }
0x8b: {  	_ =	swait.ge @!p0 [sflag:s0], s1  }
0x8c: {  	s1 =	ssub.s32 @!p0 $0x0, s1;
	[sflag:s0] =	ssyncset.done @!p0 $0x0  }
0x8d: {  	[sflag:s0] =	ssyncadd.s32 @!p0 s1  }
0x8e: {  	[bflag:$0x3] =	sbarrier.arrive $0xFFFF  }
0x8f: {  	_ =	shalt  }

</sc_bundles>
